<compile_context>
chip_gen: v7x
topology: tpu7x:2x2x1
jax: 0.10.2.dev20260603
libtpu: 0.0.44.dev20260713+nightly
codegen_flags: <defaults>
</compile_context>

<pallas_src>
import functools

import jax
import jax.numpy as jnp
from jax import lax
from jax.experimental import pallas as pl
from jax.experimental.pallas import tpu as pltpu
from jax.experimental.pallas import tpu_sc as plsc

N = 10000
N_PAD = 10240
E = 160000
H = 256
HH = 128
NC = 2
NS = 16
CHUNK = 125

DEG_CHUNKS = E // (NC * NS * CHUNK)

ACHUNK = 80
AGG_CHUNKS = 128
E_TILE = AGG_CHUNKS * ACHUNK
E_PAD = NS * E_TILE
_IDEPTH = 4
_NBUF = 4
_UNROLL = 4

_mesh = plsc.VectorSubcoreMesh(core_axis_name="c", subcore_axis_name="s")


def _fill_const_1d(ref, n16, value):
    v = jnp.full((16,), value, dtype=jnp.float32)
    for k in range(n16):
        ref[pl.ds(k * 16, 16)] = v


@functools.partial(
    pl.kernel,
    out_type=[jax.ShapeDtypeStruct((N_PAD,), jnp.float32),
              jax.ShapeDtypeStruct((N_PAD,), jnp.float32)],
    mesh=_mesh,
    scratch_types=[
        pltpu.VMEM((4, CHUNK), jnp.int32),
        pltpu.VMEM((128,), jnp.float32),
        pltpu.VMEM((640,), jnp.float32),
        pltpu.VMEM_SHARED((N_PAD,), jnp.float32),
    ] + [pltpu.SemaphoreType.DMA for _ in range(4)],
)
def _sc_degrees(dst_hbm, deg0_hbm, deg1_hbm, idx_v, ones_v, zline_v, acc_sh,
                *dsems):
    c = lax.axis_index("c")
    s = lax.axis_index("s")
    wid = c * NS + s
    for q in range(4):
        pltpu.async_copy(dst_hbm.at[wid, q], idx_v.at[q], dsems[q])
    _fill_const_1d(ones_v, 8, 1.0)
    _fill_const_1d(zline_v, 40, 0.0)
    pltpu.sync_copy(zline_v, acc_sh.at[pl.ds(s * 640, 640)])
    plsc.subcore_barrier()

    def body(jj, carry):
        j0 = jj * 4
        for q in range(4):
            pltpu.make_async_copy(dst_hbm.at[wid, j0 + q], idx_v.at[q],
                                  dsems[q]).wait()
            pltpu.sync_copy(ones_v.at[pl.ds(0, CHUNK)],
                            acc_sh.at[idx_v.at[q]], add=True)

            @pl.when(j0 + q + 4 < DEG_CHUNKS)
            def _():
                pltpu.async_copy(dst_hbm.at[wid, j0 + q + 4], idx_v.at[q],
                                 dsems[q])

        return carry

    lax.fori_loop(0, DEG_CHUNKS // 4, body, 0)
    plsc.subcore_barrier()

    @pl.when(c == 0)
    def _():
        pltpu.sync_copy(acc_sh.at[pl.ds(s * 640, 640)],
                        deg0_hbm.at[pl.ds(s * 640, 640)])

    @pl.when(c == 1)
    def _():
        pltpu.sync_copy(acc_sh.at[pl.ds(s * 640, 640)],
                        deg1_hbm.at[pl.ds(s * 640, 640)])


@functools.partial(
    pl.kernel,
    out_type=jax.ShapeDtypeStruct((NC, N_PAD, HH), jnp.float32),
    mesh=_mesh,
    scratch_types=[
        pltpu.VMEM((_IDEPTH, ACHUNK), jnp.int32),
        pltpu.VMEM((_IDEPTH, ACHUNK), jnp.int32),
    ] + [pltpu.VMEM((ACHUNK, HH), jnp.float32) for _ in range(_NBUF)]
    + [pltpu.VMEM_SHARED((N_PAD, HH), jnp.float32)]
    + [pltpu.SemaphoreType.DMA for _ in range(2 * _IDEPTH + _NBUF)],
)
def _sc_aggregate(y_hbm, src_hbm, dst_hbm, agg_hbm, srci, dsti, *rest):
    bufs = rest[:_NBUF]
    acc_sh = rest[_NBUF]
    sem_si = rest[_NBUF + 1:_NBUF + 1 + _IDEPTH]
    sem_di = rest[_NBUF + 1 + _IDEPTH:_NBUF + 1 + 2 * _IDEPTH]
    sem_g = rest[_NBUF + 1 + 2 * _IDEPTH:]
    c = lax.axis_index("c")
    s = lax.axis_index("s")
    tbl = y_hbm.at[c]

    def idx_fetch(j, q):
        pltpu.async_copy(src_hbm.at[s, j], srci.at[q], sem_si[q])
        pltpu.async_copy(dst_hbm.at[s, j], dsti.at[q], sem_di[q])

    for q in range(_IDEPTH):
        idx_fetch(q, q)

    def zrow(r, carry):
        z = jnp.zeros((16,), jnp.float32)
        for k in range(HH // 16):
            bufs[0][r, pl.ds(k * 16, 16)] = z
        return carry

    lax.fori_loop(0, ACHUNK, zrow, 0)
    for t in range(8):
        pltpu.sync_copy(bufs[0], acc_sh.at[pl.ds(s * 640 + t * 80, 80)])
    plsc.subcore_barrier()

    for b in range(3):
        pltpu.make_async_copy(src_hbm.at[s, b], srci.at[b], sem_si[b]).wait()
        pltpu.async_copy(tbl.at[srci.at[b]], bufs[b], sem_g[b])

    def body(jj, carry):
        j0 = jj * _UNROLL
        for u in range(_UNROLL):
            b = u % _NBUF
            q = u % _IDEPTH
            pltpu.make_async_copy(tbl.at[srci.at[q]], bufs[b],
                                  sem_g[b]).wait()
            pltpu.make_async_copy(dst_hbm.at[s, j0 + u], dsti.at[q],
                                  sem_di[q]).wait()
            pltpu.sync_copy(bufs[b], acc_sh.at[dsti.at[q]], add=True)

            @pl.when(j0 + u + _IDEPTH < AGG_CHUNKS)
            def _():
                idx_fetch(j0 + u + _IDEPTH, q)

            @pl.when(j0 + u + 3 < AGG_CHUNKS)
            def _():
                q2 = (u + 3) % _IDEPTH
                b2 = (u + 3) % _NBUF
                pltpu.make_async_copy(src_hbm.at[s, j0 + u + 3],
                                      srci.at[q2], sem_si[q2]).wait()
                pltpu.async_copy(tbl.at[srci.at[q2]], bufs[b2], sem_g[b2])

        return carry

    lax.fori_loop(0, AGG_CHUNKS // _UNROLL, body, 0)
    plsc.subcore_barrier()
    pltpu.sync_copy(acc_sh.at[pl.ds(s * 640, 640)],
                    agg_hbm.at[c, pl.ds(s * 640, 640)])


def _tc_dense_body(x_ref, th_ref, wt_ref, bt_ref, wh_ref, deg_ref,
                   y2_ref, gate_ref, gh_ref):
    xb = x_ref[...]
    d = deg_ref[:, 0] + deg_ref[:, 1]
    norm = lax.rsqrt(d + 1e-6)[:, None]
    y = jnp.dot(xb, th_ref[...], preferred_element_type=jnp.float32) * norm
    y2_ref[0] = y[:, :HH]
    y2_ref[1] = y[:, HH:]
    gate = jax.nn.sigmoid(
        jnp.dot(xb, wt_ref[...], preferred_element_type=jnp.float32)
        + bt_ref[0])
    gate_ref[...] = gate
    gh_ref[...] = (1.0 - gate) * jnp.dot(
        xb, wh_ref[...], preferred_element_type=jnp.float32)


_R = 2000


def _tc_dense(x, theta, W_t, b_t, W_h, degT):
    grid = (N // _R,)
    return pl.pallas_call(
        _tc_dense_body,
        grid=grid,
        in_specs=[
            pl.BlockSpec((_R, H), lambda i: (i, 0)),
            pl.BlockSpec((H, H), lambda i: (0, 0)),
            pl.BlockSpec((H, H), lambda i: (0, 0)),
            pl.BlockSpec((1, H), lambda i: (0, 0)),
            pl.BlockSpec((H, H), lambda i: (0, 0)),
            pl.BlockSpec((_R, NC), lambda i: (i, 0)),
        ],
        out_specs=[
            pl.BlockSpec((NC, _R, HH), lambda i: (0, i, 0)),
            pl.BlockSpec((_R, H), lambda i: (i, 0)),
            pl.BlockSpec((_R, H), lambda i: (i, 0)),
        ],
        out_shape=[
            jax.ShapeDtypeStruct((NC, N, HH), jnp.float32),
            jax.ShapeDtypeStruct((N, H), jnp.float32),
            jax.ShapeDtypeStruct((N, H), jnp.float32),
        ],
    )(x, theta, W_t, b_t, W_h, degT)


def _tc_final_body(agg_ref, gate_ref, gh_ref, deg_ref, out_ref):
    agg = jnp.concatenate([agg_ref[0], agg_ref[1]], axis=1)
    d = deg_ref[:, 0] + deg_ref[:, 1]
    norm = lax.rsqrt(d + 1e-6)[:, None]
    gate = gate_ref[...]
    z = gate * (agg * norm) + gh_ref[...]
    out_ref[...] = jnp.where(z > 0, z, jnp.exp(jnp.minimum(z, 0.0)) - 1.0)


def _tc_final(agg2, gate, gh, degT):
    grid = (N // _R,)
    return pl.pallas_call(
        _tc_final_body,
        grid=grid,
        in_specs=[
            pl.BlockSpec((NC, _R, HH), lambda i: (0, i, 0)),
            pl.BlockSpec((_R, H), lambda i: (i, 0)),
            pl.BlockSpec((_R, H), lambda i: (i, 0)),
            pl.BlockSpec((_R, NC), lambda i: (i, 0)),
        ],
        out_specs=pl.BlockSpec((_R, H), lambda i: (i, 0)),
        out_shape=jax.ShapeDtypeStruct((N, H), jnp.float32),
    )(agg2, gate, gh, degT)


def kernel(x, edge_index, W_t, b_t, W_h, theta):
    ei = edge_index.astype(jnp.int32)
    dst = ei[0]
    src = ei[1]
    dst_d = dst.reshape(NC * NS, DEG_CHUNKS, CHUNK)
    deg0, deg1 = _sc_degrees(dst_d)
    degT = jnp.stack([deg0[:N], deg1[:N]], axis=1)
    y2, gate, gh = _tc_dense(x, theta, W_t, b_t.reshape(1, H), W_h, degT)
    pad = E_PAD - E
    src_r = jnp.concatenate(
        [src, jnp.zeros((pad,), jnp.int32)]).reshape(NS, AGG_CHUNKS, ACHUNK)
    dst_r = jnp.concatenate(
        [dst, jnp.full((pad,), N, jnp.int32)]).reshape(
            NS, AGG_CHUNKS, ACHUNK)
    agg2 = _sc_aggregate(y2, src_r, dst_r)
    return _tc_final(agg2, gate, gh, degT)

# --- scband reference (transcript-rebuilt; emitter-appended) ---
"""Pipeline reference for scband-pfnet-68401649156591 (READ-ONLY COPY).

The authoritative reference and input builder live on the scoring server;
editing this copy changes nothing except your own understanding.
"""

import jax, jax.numpy as jnp
import numpy as np

N_NODES = 10000
N_EDGES = 160000
HIDDEN = 256


def setup_inputs(seed: int = 0) -> dict:
    key = jax.random.key(seed)
    k1, k2, k3, k4, k5, k6 = jax.random.split(key, 6)
    x = jax.random.normal(k1, (N_NODES, HIDDEN), dtype=jnp.float32)
    edge_index = jax.random.randint(k2, (2, N_EDGES), 0, N_NODES).astype(jnp.int64)
    # GHConv learned parameters (keras 'random_normal' init, stddev=0.05)
    W_t = jax.random.normal(k3, (HIDDEN, HIDDEN), dtype=jnp.float32) * 0.05
    b_t = jax.random.normal(k4, (HIDDEN,), dtype=jnp.float32) * 0.05
    W_h = jax.random.normal(k5, (HIDDEN, HIDDEN), dtype=jnp.float32) * 0.05
    theta = jax.random.normal(k6, (HIDDEN, HIDDEN), dtype=jnp.float32) * 0.05
    return {"x": x, "edge_index": edge_index, "W_t": W_t, "b_t": b_t, "W_h": W_h, "theta": theta}


def reference(x, edge_index, W_t, b_t, W_h, theta):
    # Faithful JAX port of PFNet's GHConv message-passing layer.
    # The TF original uses a batched sparse adjacency (values=1 for LSH-binned
    # kNN edges); here the same sparse matmul is expressed as gather +
    # segment_sum over an edge list (dst=row, src=col).
    N = x.shape[0]
    dst = edge_index[0]
    src = edge_index[1]
    # in_degrees = tf.sparse.reduce_sum(tf.abs(adj), axis=-1) with unit edge weights
    ones = jnp.ones(edge_index.shape[1], dtype=x.dtype)
    in_degrees = jax.ops.segment_sum(ones, dst, num_segments=N)
    norm = jnp.power(in_degrees + 1e-06, -0.5)[:, None]
    # f_hom = adj @ (x @ theta * norm) * norm
    f_hom = jnp.matmul(x, theta)
    msg = (f_hom * norm)[src]
    f_hom = jax.ops.segment_sum(msg, dst, num_segments=N) * norm
    # f_het = x @ W_h
    f_het = jnp.matmul(x, W_h)
    # gate = sigmoid(x @ W_t + b_t)
    gate = jax.nn.sigmoid(jnp.matmul(x, W_t) + b_t)
    out = gate * f_hom + (1.0 - gate) * f_het
    return jax.nn.elu(out)

if __name__ == "__main__":
    import jax
    _d = setup_inputs()
    print(jax.jit(kernel)(*tuple(_d.values())))

</pallas_src>

<mosaic_0001>
#map = affine_map<(d0, d1) -> (0, 0, 0)>
#map1 = affine_map<(d0, d1) -> (0)>
module attributes {stable_mosaic.version = 14 : i64} {
  func.func @_sc_degrees(%arg0: i32, %arg1: i32, %arg2: memref<32x40x125xi32, #tpu.memory_space<hbm>>, %arg3: memref<10240xf32, #tpu.memory_space<hbm>>, %arg4: memref<10240xf32, #tpu.memory_space<hbm>>, %arg5: memref<4x125xi32, #tpu.memory_space<vmem>>, %arg6: memref<128xf32, #tpu.memory_space<vmem>>, %arg7: memref<640xf32, #tpu.memory_space<vmem>>, %arg8: memref<10240xf32, #tpu.memory_space<vmem_shared>>, %arg9: memref<!tpu.dma_semaphore, #tpu.memory_space<semaphore_mem>>, %arg10: memref<!tpu.dma_semaphore, #tpu.memory_space<semaphore_mem>>, %arg11: memref<!tpu.dma_semaphore, #tpu.memory_space<semaphore_mem>>, %arg12: memref<!tpu.dma_semaphore, #tpu.memory_space<semaphore_mem>>) attributes {dimension_semantics = [#tpu.dimension_semantics<core_parallel>, #tpu.dimension_semantics<subcore_parallel>], iteration_bounds = array<i64: 2, 16>, scalar_prefetch = 0 : i64, scratch_operands = 8 : i64, tpu.core_type = #tpu.core_type<sc_vector_subcore>, window_params = [{transform_indices = #map}, {transform_indices = #map1}, {transform_indices = #map1}]} {
    %mul3A = arith.constant 16 : i32
    %mul3A_0 = arith.muli %arg0, %mul3A : i32
    %add3A = arith.addi %mul3A_0, %arg1 : i32
    %dma_start3A = arith.constant 0 : i32
    %dma_start3A_1 = arith.constant 0 : i32
    %dma_start3A_2 = arith.constant 0 : i32
    %dma_start3A_3 = tpu.memref_slice %arg5[%dma_start3A_1, %dma_start3A_2] : memref<4x125xi32, #tpu.memory_space<vmem>> -> memref<1x125xi32, #tpu.memory_space<vmem>>
    %dma_start3A_4 = tpu.memref_squeeze %dma_start3A_3 : memref<1x125xi32, #tpu.memory_space<vmem>> -> memref<125xi32, #tpu.memory_space<vmem>>
    %dma_start3A_5 = arith.constant 0 : i32
    %dma_start3A_6 = tpu.memref_slice %arg2[%add3A, %dma_start3A, %dma_start3A_5] : memref<32x40x125xi32, #tpu.memory_space<hbm>> -> memref<1x1x125xi32, #tpu.memory_space<hbm>>
    %dma_start3A_7 = tpu.memref_squeeze %dma_start3A_6 : memref<1x1x125xi32, #tpu.memory_space<hbm>> -> memref<125xi32, #tpu.memory_space<hbm>>
    %dma_start3A_8 = arith.constant 0 : i32
    %dma_start3A_9 = tpu.memref_slice %arg5[%dma_start3A_1, %dma_start3A_8] : memref<4x125xi32, #tpu.memory_space<vmem>> -> memref<1x125xi32, #tpu.memory_space<vmem>>
    %dma_start3A_10 = tpu.memref_squeeze %dma_start3A_9 : memref<1x125xi32, #tpu.memory_space<vmem>> -> memref<125xi32, #tpu.memory_space<vmem>>
    %dma_start3A_11 = arith.constant 0 : i32
    %dma_start3A_12 = tpu.memref_slice %arg2[%add3A, %dma_start3A, %dma_start3A_11] : memref<32x40x125xi32, #tpu.memory_space<hbm>> -> memref<1x1x125xi32, #tpu.memory_space<hbm>>
    %dma_start3A_13 = tpu.memref_squeeze %dma_start3A_12 : memref<1x1x125xi32, #tpu.memory_space<hbm>> -> memref<125xi32, #tpu.memory_space<hbm>>
    tpu.enqueue_dma source(%dma_start3A_13 : memref<125xi32, #tpu.memory_space<hbm>>) target(%dma_start3A_10 : memref<125xi32, #tpu.memory_space<vmem>>) target_semaphore(%arg9 : memref<!tpu.dma_semaphore, #tpu.memory_space<semaphore_mem>>)
    %dma_start3A_14 = arith.constant 1 : i32
    %dma_start3A_15 = arith.constant 1 : i32
    %dma_start3A_16 = arith.constant 0 : i32
    %dma_start3A_17 = tpu.memref_slice %arg5[%dma_start3A_15, %dma_start3A_16] : memref<4x125xi32, #tpu.memory_space<vmem>> -> memref<1x125xi32, #tpu.memory_space<vmem>>
    %dma_start3A_18 = tpu.memref_squeeze %dma_start3A_17 : memref<1x125xi32, #tpu.memory_space<vmem>> -> memref<125xi32, #tpu.memory_space<vmem>>
    %dma_start3A_19 = arith.constant 0 : i32
    %dma_start3A_20 = tpu.memref_slice %arg2[%add3A, %dma_start3A_14, %dma_start3A_19] : memref<32x40x125xi32, #tpu.memory_space<hbm>> -> memref<1x1x125xi32, #tpu.memory_space<hbm>>
    %dma_start3A_21 = tpu.memref_squeeze %dma_start3A_20 : memref<1x1x125xi32, #tpu.memory_space<hbm>> -> memref<125xi32, #tpu.memory_space<hbm>>
    %dma_start3A_22 = arith.constant 0 : i32
    %dma_start3A_23 = tpu.memref_slice %arg5[%dma_start3A_15, %dma_start3A_22] : memref<4x125xi32, #tpu.memory_space<vmem>> -> memref<1x125xi32, #tpu.memory_space<vmem>>
    %dma_start3A_24 = tpu.memref_squeeze %dma_start3A_23 : memref<1x125xi32, #tpu.memory_space<vmem>> -> memref<125xi32, #tpu.memory_space<vmem>>
    %dma_start3A_25 = arith.constant 0 : i32
    %dma_start3A_26 = tpu.memref_slice %arg2[%add3A, %dma_start3A_14, %dma_start3A_25] : memref<32x40x125xi32, #tpu.memory_space<hbm>> -> memref<1x1x125xi32, #tpu.memory_space<hbm>>
    %dma_start3A_27 = tpu.memref_squeeze %dma_start3A_26 : memref<1x1x125xi32, #tpu.memory_space<hbm>> -> memref<125xi32, #tpu.memory_space<hbm>>
    tpu.enqueue_dma source(%dma_start3A_27 : memref<125xi32, #tpu.memory_space<hbm>>) target(%dma_start3A_24 : memref<125xi32, #tpu.memory_space<vmem>>) target_semaphore(%arg10 : memref<!tpu.dma_semaphore, #tpu.memory_space<semaphore_mem>>)
    %dma_start3A_28 = arith.constant 2 : i32
    %dma_start3A_29 = arith.constant 2 : i32
    %dma_start3A_30 = arith.constant 0 : i32
    %dma_start3A_31 = tpu.memref_slice %arg5[%dma_start3A_29, %dma_start3A_30] : memref<4x125xi32, #tpu.memory_space<vmem>> -> memref<1x125xi32, #tpu.memory_space<vmem>>
    %dma_start3A_32 = tpu.memref_squeeze %dma_start3A_31 : memref<1x125xi32, #tpu.memory_space<vmem>> -> memref<125xi32, #tpu.memory_space<vmem>>
    %dma_start3A_33 = arith.constant 0 : i32
    %dma_start3A_34 = tpu.memref_slice %arg2[%add3A, %dma_start3A_28, %dma_start3A_33] : memref<32x40x125xi32, #tpu.memory_space<hbm>> -> memref<1x1x125xi32, #tpu.memory_space<hbm>>
    %dma_start3A_35 = tpu.memref_squeeze %dma_start3A_34 : memref<1x1x125xi32, #tpu.memory_space<hbm>> -> memref<125xi32, #tpu.memory_space<hbm>>
    %dma_start3A_36 = arith.constant 0 : i32
    %dma_start3A_37 = tpu.memref_slice %arg5[%dma_start3A_29, %dma_start3A_36] : memref<4x125xi32, #tpu.memory_space<vmem>> -> memref<1x125xi32, #tpu.memory_space<vmem>>
    %dma_start3A_38 = tpu.memref_squeeze %dma_start3A_37 : memref<1x125xi32, #tpu.memory_space<vmem>> -> memref<125xi32, #tpu.memory_space<vmem>>
    %dma_start3A_39 = arith.constant 0 : i32
    %dma_start3A_40 = tpu.memref_slice %arg2[%add3A, %dma_start3A_28, %dma_start3A_39] : memref<32x40x125xi32, #tpu.memory_space<hbm>> -> memref<1x1x125xi32, #tpu.memory_space<hbm>>
    %dma_start3A_41 = tpu.memref_squeeze %dma_start3A_40 : memref<1x1x125xi32, #tpu.memory_space<hbm>> -> memref<125xi32, #tpu.memory_space<hbm>>
    tpu.enqueue_dma source(%dma_start3A_41 : memref<125xi32, #tpu.memory_space<hbm>>) target(%dma_start3A_38 : memref<125xi32, #tpu.memory_space<vmem>>) target_semaphore(%arg11 : memref<!tpu.dma_semaphore, #tpu.memory_space<semaphore_mem>>)
    %dma_start3A_42 = arith.constant 3 : i32
    %dma_start3A_43 = arith.constant 3 : i32
    %dma_start3A_44 = arith.constant 0 : i32
    %dma_start3A_45 = tpu.memref_slice %arg5[%dma_start3A_43, %dma_start3A_44] : memref<4x125xi32, #tpu.memory_space<vmem>> -> memref<1x125xi32, #tpu.memory_space<vmem>>
    %dma_start3A_46 = tpu.memref_squeeze %dma_start3A_45 : memref<1x125xi32, #tpu.memory_space<vmem>> -> memref<125xi32, #tpu.memory_space<vmem>>
    %dma_start3A_47 = arith.constant 0 : i32
    %dma_start3A_48 = tpu.memref_slice %arg2[%add3A, %dma_start3A_42, %dma_start3A_47] : memref<32x40x125xi32, #tpu.memory_space<hbm>> -> memref<1x1x125xi32, #tpu.memory_space<hbm>>
    %dma_start3A_49 = tpu.memref_squeeze %dma_start3A_48 : memref<1x1x125xi32, #tpu.memory_space<hbm>> -> memref<125xi32, #tpu.memory_space<hbm>>
    %dma_start3A_50 = arith.constant 0 : i32
    %dma_start3A_51 = tpu.memref_slice %arg5[%dma_start3A_43, %dma_start3A_50] : memref<4x125xi32, #tpu.memory_space<vmem>> -> memref<1x125xi32, #tpu.memory_space<vmem>>
    %dma_start3A_52 = tpu.memref_squeeze %dma_start3A_51 : memref<1x125xi32, #tpu.memory_space<vmem>> -> memref<125xi32, #tpu.memory_space<vmem>>
    %dma_start3A_53 = arith.constant 0 : i32
    %dma_start3A_54 = tpu.memref_slice %arg2[%add3A, %dma_start3A_42, %dma_start3A_53] : memref<32x40x125xi32, #tpu.memory_space<hbm>> -> memref<1x1x125xi32, #tpu.memory_space<hbm>>
    %dma_start3A_55 = tpu.memref_squeeze %dma_start3A_54 : memref<1x1x125xi32, #tpu.memory_space<hbm>> -> memref<125xi32, #tpu.memory_space<hbm>>
    tpu.enqueue_dma source(%dma_start3A_55 : memref<125xi32, #tpu.memory_space<hbm>>) target(%dma_start3A_52 : memref<125xi32, #tpu.memory_space<vmem>>) target_semaphore(%arg12 : memref<!tpu.dma_semaphore, #tpu.memory_space<semaphore_mem>>)
    %broadcast_in_dim3A = arith.constant 1.000000e+00 : f32
    %broadcast_in_dim3A_56 = vector.broadcast %broadcast_in_dim3A : f32 to vector<16xf32>
    %swap3A = arith.constant 0 : index
    %swap3A_57 = tpu.vector_load %arg6[%swap3A] {strides = array<i32>} : memref<128xf32, #tpu.memory_space<vmem>>, vector<16xf32>,
    %swap3A_58 = vector.shape_cast %swap3A_57 : vector<16xf32> to vector<16xf32>
    %swap3A_59 = vector.shape_cast %broadcast_in_dim3A_56 : vector<16xf32> to vector<16xf32>
    tpu.vector_store %arg6[%swap3A], %swap3A_59 {strides = array<i32>} : memref<128xf32, #tpu.memory_space<vmem>>, vector<16xf32>,
    %swap3A_60 = arith.constant 16 : index
    %swap3A_61 = tpu.vector_load %arg6[%swap3A_60] {strides = array<i32>} : memref<128xf32, #tpu.memory_space<vmem>>, vector<16xf32>,
    %swap3A_62 = vector.shape_cast %swap3A_61 : vector<16xf32> to vector<16xf32>
    %swap3A_63 = vector.shape_cast %broadcast_in_dim3A_56 : vector<16xf32> to vector<16xf32>
    tpu.vector_store %arg6[%swap3A_60], %swap3A_63 {strides = array<i32>} : memref<128xf32, #tpu.memory_space<vmem>>, vector<16xf32>,
    %swap3A_64 = arith.constant 32 : index
    %swap3A_65 = tpu.vector_load %arg6[%swap3A_64] {strides = array<i32>} : memref<128xf32, #tpu.memory_space<vmem>>, vector<16xf32>,
    %swap3A_66 = vector.shape_cast %swap3A_65 : vector<16xf32> to vector<16xf32>
    %swap3A_67 = vector.shape_cast %broadcast_in_dim3A_56 : vector<16xf32> to vector<16xf32>
    tpu.vector_store %arg6[%swap3A_64], %swap3A_67 {strides = array<i32>} : memref<128xf32, #tpu.memory_space<vmem>>, vector<16xf32>,
    %swap3A_68 = arith.constant 48 : index
    %swap3A_69 = tpu.vector_load %arg6[%swap3A_68] {strides = array<i32>} : memref<128xf32, #tpu.memory_space<vmem>>, vector<16xf32>,
    %swap3A_70 = vector.shape_cast %swap3A_69 : vector<16xf32> to vector<16xf32>
    %swap3A_71 = vector.shape_cast %broadcast_in_dim3A_56 : vector<16xf32> to vector<16xf32>
    tpu.vector_store %arg6[%swap3A_68], %swap3A_71 {strides = array<i32>} : memref<128xf32, #tpu.memory_space<vmem>>, vector<16xf32>,
    %swap3A_72 = arith.constant 64 : index
    %swap3A_73 = tpu.vector_load %arg6[%swap3A_72] {strides = array<i32>} : memref<128xf32, #tpu.memory_space<vmem>>, vector<16xf32>,
    %swap3A_74 = vector.shape_cast %swap3A_73 : vector<16xf32> to vector<16xf32>
    %swap3A_75 = vector.shape_cast %broadcast_in_dim3A_56 : vector<16xf32> to vector<16xf32>
    tpu.vector_store %arg6[%swap3A_72], %swap3A_75 {strides = array<i32>} : memref<128xf32, #tpu.memory_space<vmem>>, vector<16xf32>,
    %swap3A_76 = arith.constant 80 : index
    %swap3A_77 = tpu.vector_load %arg6[%swap3A_76] {strides = array<i32>} : memref<128xf32, #tpu.memory_space<vmem>>, vector<16xf32>,
    %swap3A_78 = vector.shape_cast %swap3A_77 : vector<16xf32> to vector<16xf32>
    %swap3A_79 = vector.shape_cast %broadcast_in_dim3A_56 : vector<16xf32> to vector<16xf32>
    tpu.vector_store %arg6[%swap3A_76], %swap3A_79 {strides = array<i32>} : memref<128xf32, #tpu.memory_space<vmem>>, vector<16xf32>,
    %swap3A_80 = arith.constant 96 : index
    %swap3A_81 = tpu.vector_load %arg6[%swap3A_80] {strides = array<i32>} : memref<128xf32, #tpu.memory_space<vmem>>, vector<16xf32>,
    %swap3A_82 = vector.shape_cast %swap3A_81 : vector<16xf32> to vector<16xf32>
    %swap3A_83 = vector.shape_cast %broadcast_in_dim3A_56 : vector<16xf32> to vector<16xf32>
    tpu.vector_store %arg6[%swap3A_80], %swap3A_83 {strides = array<i32>} : memref<128xf32, #tpu.memory_space<vmem>>, vector<16xf32>,
    %swap3A_84 = arith.constant 112 : index
    %swap3A_85 = tpu.vector_load %arg6[%swap3A_84] {strides = array<i32>} : memref<128xf32, #tpu.memory_space<vmem>>, vector<16xf32>,
    %swap3A_86 = vector.shape_cast %swap3A_85 : vector<16xf32> to vector<16xf32>
    %swap3A_87 = vector.shape_cast %broadcast_in_dim3A_56 : vector<16xf32> to vector<16xf32>
    tpu.vector_store %arg6[%swap3A_84], %swap3A_87 {strides = array<i32>} : memref<128xf32, #tpu.memory_space<vmem>>, vector<16xf32>,
    %broadcast_in_dim3A_88 = arith.constant 0.000000e+00 : f32
    %broadcast_in_dim3A_89 = vector.broadcast %broadcast_in_dim3A_88 : f32 to vector<16xf32>
    %swap3A_90 = arith.constant 0 : index
    %swap3A_91 = tpu.vector_load %arg7[%swap3A_90] {strides = array<i32>} : memref<640xf32, #tpu.memory_space<vmem>>, vector<16xf32>,
    %swap3A_92 = vector.shape_cast %swap3A_91 : vector<16xf32> to vector<16xf32>
    %swap3A_93 = vector.shape_cast %broadcast_in_dim3A_89 : vector<16xf32> to vector<16xf32>
    tpu.vector_store %arg7[%swap3A_90], %swap3A_93 {strides = array<i32>} : memref<640xf32, #tpu.memory_space<vmem>>, vector<16xf32>,
    %swap3A_94 = arith.constant 16 : index
    %swap3A_95 = tpu.vector_load %arg7[%swap3A_94] {strides = array<i32>} : memref<640xf32, #tpu.memory_space<vmem>>, vector<16xf32>,
    %swap3A_96 = vector.shape_cast %swap3A_95 : vector<16xf32> to vector<16xf32>
    %swap3A_97 = vector.shape_cast %broadcast_in_dim3A_89 : vector<16xf32> to vector<16xf32>
    tpu.vector_store %arg7[%swap3A_94], %swap3A_97 {strides = array<i32>} : memref<640xf32, #tpu.memory_space<vmem>>, vector<16xf32>,
    %swap3A_98 = arith.constant 32 : index
    %swap3A_99 = tpu.vector_load %arg7[%swap3A_98] {strides = array<i32>} : memref<640xf32, #tpu.memory_space<vmem>>, vector<16xf32>,
    %swap3A_100 = vector.shape_cast %swap3A_99 : vector<16xf32> to vector<16xf32>
    %swap3A_101 = vector.shape_cast %broadcast_in_dim3A_89 : vector<16xf32> to vector<16xf32>
    tpu.vector_store %arg7[%swap3A_98], %swap3A_101 {strides = array<i32>} : memref<640xf32, #tpu.memory_space<vmem>>, vector<16xf32>,
    %swap3A_102 = arith.constant 48 : index
    %swap3A_103 = tpu.vector_load %arg7[%swap3A_102] {strides = array<i32>} : memref<640xf32, #tpu.memory_space<vmem>>, vector<16xf32>,
    %swap3A_104 = vector.shape_cast %swap3A_103 : vector<16xf32> to vector<16xf32>
    %swap3A_105 = vector.shape_cast %broadcast_in_dim3A_89 : vector<16xf32> to vector<16xf32>
    tpu.vector_store %arg7[%swap3A_102], %swap3A_105 {strides = array<i32>} : memref<640xf32, #tpu.memory_space<vmem>>, vector<16xf32>,
    %swap3A_106 = arith.constant 64 : index
    %swap3A_107 = tpu.vector_load %arg7[%swap3A_106] {strides = array<i32>} : memref<640xf32, #tpu.memory_space<vmem>>, vector<16xf32>,
    %swap3A_108 = vector.shape_cast %swap3A_107 : vector<16xf32> to vector<16xf32>
    %swap3A_109 = vector.shape_cast %broadcast_in_dim3A_89 : vector<16xf32> to vector<16xf32>
    tpu.vector_store %arg7[%swap3A_106], %swap3A_109 {strides = array<i32>} : memref<640xf32, #tpu.memory_space<vmem>>, vector<16xf32>,
    %swap3A_110 = arith.constant 80 : index
    %swap3A_111 = tpu.vector_load %arg7[%swap3A_110] {strides = array<i32>} : memref<640xf32, #tpu.memory_space<vmem>>, vector<16xf32>,
    %swap3A_112 = vector.shape_cast %swap3A_111 : vector<16xf32> to vector<16xf32>
    %swap3A_113 = vector.shape_cast %broadcast_in_dim3A_89 : vector<16xf32> to vector<16xf32>
    tpu.vector_store %arg7[%swap3A_110], %swap3A_113 {strides = array<i32>} : memref<640xf32, #tpu.memory_space<vmem>>, vector<16xf32>,
    %swap3A_114 = arith.constant 96 : index
    %swap3A_115 = tpu.vector_load %arg7[%swap3A_114] {strides = array<i32>} : memref<640xf32, #tpu.memory_space<vmem>>, vector<16xf32>,
    %swap3A_116 = vector.shape_cast %swap3A_115 : vector<16xf32> to vector<16xf32>
    %swap3A_117 = vector.shape_cast %broadcast_in_dim3A_89 : vector<16xf32> to vector<16xf32>
    tpu.vector_store %arg7[%swap3A_114], %swap3A_117 {strides = array<i32>} : memref<640xf32, #tpu.memory_space<vmem>>, vector<16xf32>,
    %swap3A_118 = arith.constant 112 : index
    %swap3A_119 = tpu.vector_load %arg7[%swap3A_118] {strides = array<i32>} : memref<640xf32, #tpu.memory_space<vmem>>, vector<16xf32>,
    %swap3A_120 = vector.shape_cast %swap3A_119 : vector<16xf32> to vector<16xf32>
    %swap3A_121 = vector.shape_cast %broadcast_in_dim3A_89 : vector<16xf32> to vector<16xf32>
    tpu.vector_store %arg7[%swap3A_118], %swap3A_121 {strides = array<i32>} : memref<640xf32, #tpu.memory_space<vmem>>, vector<16xf32>,
    %swap3A_122 = arith.constant 128 : index
    %swap3A_123 = tpu.vector_load %arg7[%swap3A_122] {strides = array<i32>} : memref<640xf32, #tpu.memory_space<vmem>>, vector<16xf32>,
    %swap3A_124 = vector.shape_cast %swap3A_123 : vector<16xf32> to vector<16xf32>
    %swap3A_125 = vector.shape_cast %broadcast_in_dim3A_89 : vector<16xf32> to vector<16xf32>
    tpu.vector_store %arg7[%swap3A_122], %swap3A_125 {strides = array<i32>} : memref<640xf32, #tpu.memory_space<vmem>>, vector<16xf32>,
    %swap3A_126 = arith.constant 144 : index
    %swap3A_127 = tpu.vector_load %arg7[%swap3A_126] {strides = array<i32>} : memref<640xf32, #tpu.memory_space<vmem>>, vector<16xf32>,
    %swap3A_128 = vector.shape_cast %swap3A_127 : vector<16xf32> to vector<16xf32>
    %swap3A_129 = vector.shape_cast %broadcast_in_dim3A_89 : vector<16xf32> to vector<16xf32>
    tpu.vector_store %arg7[%swap3A_126], %swap3A_129 {strides = array<i32>} : memref<640xf32, #tpu.memory_space<vmem>>, vector<16xf32>,
    %swap3A_130 = arith.constant 160 : index
    %swap3A_131 = tpu.vector_load %arg7[%swap3A_130] {strides = array<i32>} : memref<640xf32, #tpu.memory_space<vmem>>, vector<16xf32>,
    %swap3A_132 = vector.shape_cast %swap3A_131 : vector<16xf32> to vector<16xf32>
    %swap3A_133 = vector.shape_cast %broadcast_in_dim3A_89 : vector<16xf32> to vector<16xf32>
    tpu.vector_store %arg7[%swap3A_130], %swap3A_133 {strides = array<i32>} : memref<640xf32, #tpu.memory_space<vmem>>, vector<16xf32>,
    %swap3A_134 = arith.constant 176 : index
    %swap3A_135 = tpu.vector_load %arg7[%swap3A_134] {strides = array<i32>} : memref<640xf32, #tpu.memory_space<vmem>>, vector<16xf32>,
    %swap3A_136 = vector.shape_cast %swap3A_135 : vector<16xf32> to vector<16xf32>
    %swap3A_137 = vector.shape_cast %broadcast_in_dim3A_89 : vector<16xf32> to vector<16xf32>
    tpu.vector_store %arg7[%swap3A_134], %swap3A_137 {strides = array<i32>} : memref<640xf32, #tpu.memory_space<vmem>>, vector<16xf32>,
    %swap3A_138 = arith.constant 192 : index
    %swap3A_139 = tpu.vector_load %arg7[%swap3A_138] {strides = array<i32>} : memref<640xf32, #tpu.memory_space<vmem>>, vector<16xf32>,
    %swap3A_140 = vector.shape_cast %swap3A_139 : vector<16xf32> to vector<16xf32>
    %swap3A_141 = vector.shape_cast %broadcast_in_dim3A_89 : vector<16xf32> to vector<16xf32>
    tpu.vector_store %arg7[%swap3A_138], %swap3A_141 {strides = array<i32>} : memref<640xf32, #tpu.memory_space<vmem>>, vector<16xf32>,
    %swap3A_142 = arith.constant 208 : index
    %swap3A_143 = tpu.vector_load %arg7[%swap3A_142] {strides = array<i32>} : memref<640xf32, #tpu.memory_space<vmem>>, vector<16xf32>,
    %swap3A_144 = vector.shape_cast %swap3A_143 : vector<16xf32> to vector<16xf32>
    %swap3A_145 = vector.shape_cast %broadcast_in_dim3A_89 : vector<16xf32> to vector<16xf32>
    tpu.vector_store %arg7[%swap3A_142], %swap3A_145 {strides = array<i32>} : memref<640xf32, #tpu.memory_space<vmem>>, vector<16xf32>,
    %swap3A_146 = arith.constant 224 : index
    %swap3A_147 = tpu.vector_load %arg7[%swap3A_146] {strides = array<i32>} : memref<640xf32, #tpu.memory_space<vmem>>, vector<16xf32>,
    %swap3A_148 = vector.shape_cast %swap3A_147 : vector<16xf32> to vector<16xf32>
    %swap3A_149 = vector.shape_cast %broadcast_in_dim3A_89 : vector<16xf32> to vector<16xf32>
    tpu.vector_store %arg7[%swap3A_146], %swap3A_149 {strides = array<i32>} : memref<640xf32, #tpu.memory_space<vmem>>, vector<16xf32>,
    %swap3A_150 = arith.constant 240 : index
    %swap3A_151 = tpu.vector_load %arg7[%swap3A_150] {strides = array<i32>} : memref<640xf32, #tpu.memory_space<vmem>>, vector<16xf32>,
    %swap3A_152 = vector.shape_cast %swap3A_151 : vector<16xf32> to vector<16xf32>
    %swap3A_153 = vector.shape_cast %broadcast_in_dim3A_89 : vector<16xf32> to vector<16xf32>
    tpu.vector_store %arg7[%swap3A_150], %swap3A_153 {strides = array<i32>} : memref<640xf32, #tpu.memory_space<vmem>>, vector<16xf32>,
    %swap3A_154 = arith.constant 256 : index
    %swap3A_155 = tpu.vector_load %arg7[%swap3A_154] {strides = array<i32>} : memref<640xf32, #tpu.memory_space<vmem>>, vector<16xf32>,
    %swap3A_156 = vector.shape_cast %swap3A_155 : vector<16xf32> to vector<16xf32>
    %swap3A_157 = vector.shape_cast %broadcast_in_dim3A_89 : vector<16xf32> to vector<16xf32>
    tpu.vector_store %arg7[%swap3A_154], %swap3A_157 {strides = array<i32>} : memref<640xf32, #tpu.memory_space<vmem>>, vector<16xf32>,
    %swap3A_158 = arith.constant 272 : index
    %swap3A_159 = tpu.vector_load %arg7[%swap3A_158] {strides = array<i32>} : memref<640xf32, #tpu.memory_space<vmem>>, vector<16xf32>,
    %swap3A_160 = vector.shape_cast %swap3A_159 : vector<16xf32> to vector<16xf32>
    %swap3A_161 = vector.shape_cast %broadcast_in_dim3A_89 : vector<16xf32> to vector<16xf32>
    tpu.vector_store %arg7[%swap3A_158], %swap3A_161 {strides = array<i32>} : memref<640xf32, #tpu.memory_space<vmem>>, vector<16xf32>,
    %swap3A_162 = arith.constant 288 : index
    %swap3A_163 = tpu.vector_load %arg7[%swap3A_162] {strides = array<i32>} : memref<640xf32, #tpu.memory_space<vmem>>, vector<16xf32>,
    %swap3A_164 = vector.shape_cast %swap3A_163 : vector<16xf32> to vector<16xf32>
    %swap3A_165 = vector.shape_cast %broadcast_in_dim3A_89 : vector<16xf32> to vector<16xf32>
    tpu.vector_store %arg7[%swap3A_162], %swap3A_165 {strides = array<i32>} : memref<640xf32, #tpu.memory_space<vmem>>, vector<16xf32>,
    %swap3A_166 = arith.constant 304 : index
    %swap3A_167 = tpu.vector_load %arg7[%swap3A_166] {strides = array<i32>} : memref<640xf32, #tpu.memory_space<vmem>>, vector<16xf32>,
    %swap3A_168 = vector.shape_cast %swap3A_167 : vector<16xf32> to vector<16xf32>
    %swap3A_169 = vector.shape_cast %broadcast_in_dim3A_89 : vector<16xf32> to vector<16xf32>
    tpu.vector_store %arg7[%swap3A_166], %swap3A_169 {strides = array<i32>} : memref<640xf32, #tpu.memory_space<vmem>>, vector<16xf32>,
    %swap3A_170 = arith.constant 320 : index
    %swap3A_171 = tpu.vector_load %arg7[%swap3A_170] {strides = array<i32>} : memref<640xf32, #tpu.memory_space<vmem>>, vector<16xf32>,
    %swap3A_172 = vector.shape_cast %swap3A_171 : vector<16xf32> to vector<16xf32>
    %swap3A_173 = vector.shape_cast %broadcast_in_dim3A_89 : vector<16xf32> to vector<16xf32>
    tpu.vector_store %arg7[%swap3A_170], %swap3A_173 {strides = array<i32>} : memref<640xf32, #tpu.memory_space<vmem>>, vector<16xf32>,
    %swap3A_174 = arith.constant 336 : index
    %swap3A_175 = tpu.vector_load %arg7[%swap3A_174] {strides = array<i32>} : memref<640xf32, #tpu.memory_space<vmem>>, vector<16xf32>,
    %swap3A_176 = vector.shape_cast %swap3A_175 : vector<16xf32> to vector<16xf32>
    %swap3A_177 = vector.shape_cast %broadcast_in_dim3A_89 : vector<16xf32> to vector<16xf32>
    tpu.vector_store %arg7[%swap3A_174], %swap3A_177 {strides = array<i32>} : memref<640xf32, #tpu.memory_space<vmem>>, vector<16xf32>,
    %swap3A_178 = arith.constant 352 : index
    %swap3A_179 = tpu.vector_load %arg7[%swap3A_178] {strides = array<i32>} : memref<640xf32, #tpu.memory_space<vmem>>, vector<16xf32>,
    %swap3A_180 = vector.shape_cast %swap3A_179 : vector<16xf32> to vector<16xf32>
    %swap3A_181 = vector.shape_cast %broadcast_in_dim3A_89 : vector<16xf32> to vector<16xf32>
    tpu.vector_store %arg7[%swap3A_178], %swap3A_181 {strides = array<i32>} : memref<640xf32, #tpu.memory_space<vmem>>, vector<16xf32>,
    %swap3A_182 = arith.constant 368 : index
    %swap3A_183 = tpu.vector_load %arg7[%swap3A_182] {strides = array<i32>} : memref<640xf32, #tpu.memory_space<vmem>>, vector<16xf32>,
    %swap3A_184 = vector.shape_cast %swap3A_183 : vector<16xf32> to vector<16xf32>
    %swap3A_185 = vector.shape_cast %broadcast_in_dim3A_89 : vector<16xf32> to vector<16xf32>
    tpu.vector_store %arg7[%swap3A_182], %swap3A_185 {strides = array<i32>} : memref<640xf32, #tpu.memory_space<vmem>>, vector<16xf32>,
    %swap3A_186 = arith.constant 384 : index
    %swap3A_187 = tpu.vector_load %arg7[%swap3A_186] {strides = array<i32>} : memref<640xf32, #tpu.memory_space<vmem>>, vector<16xf32>,
    %swap3A_188 = vector.shape_cast %swap3A_187 : vector<16xf32> to vector<16xf32>
    %swap3A_189 = vector.shape_cast %broadcast_in_dim3A_89 : vector<16xf32> to vector<16xf32>
    tpu.vector_store %arg7[%swap3A_186], %swap3A_189 {strides = array<i32>} : memref<640xf32, #tpu.memory_space<vmem>>, vector<16xf32>,
    %swap3A_190 = arith.constant 400 : index
    %swap3A_191 = tpu.vector_load %arg7[%swap3A_190] {strides = array<i32>} : memref<640xf32, #tpu.memory_space<vmem>>, vector<16xf32>,
    %swap3A_192 = vector.shape_cast %swap3A_191 : vector<16xf32> to vector<16xf32>
    %swap3A_193 = vector.shape_cast %broadcast_in_dim3A_89 : vector<16xf32> to vector<16xf32>
    tpu.vector_store %arg7[%swap3A_190], %swap3A_193 {strides = array<i32>} : memref<640xf32, #tpu.memory_space<vmem>>, vector<16xf32>,
    %swap3A_194 = arith.constant 416 : index
    %swap3A_195 = tpu.vector_load %arg7[%swap3A_194] {strides = array<i32>} : memref<640xf32, #tpu.memory_space<vmem>>, vector<16xf32>,
    %swap3A_196 = vector.shape_cast %swap3A_195 : vector<16xf32> to vector<16xf32>
    %swap3A_197 = vector.shape_cast %broadcast_in_dim3A_89 : vector<16xf32> to vector<16xf32>
    tpu.vector_store %arg7[%swap3A_194], %swap3A_197 {strides = array<i32>} : memref<640xf32, #tpu.memory_space<vmem>>, vector<16xf32>,
    %swap3A_198 = arith.constant 432 : index
    %swap3A_199 = tpu.vector_load %arg7[%swap3A_198] {strides = array<i32>} : memref<640xf32, #tpu.memory_space<vmem>>, vector<16xf32>,
    %swap3A_200 = vector.shape_cast %swap3A_199 : vector<16xf32> to vector<16xf32>
    %swap3A_201 = vector.shape_cast %broadcast_in_dim3A_89 : vector<16xf32> to vector<16xf32>
    tpu.vector_store %arg7[%swap3A_198], %swap3A_201 {strides = array<i32>} : memref<640xf32, #tpu.memory_space<vmem>>, vector<16xf32>,
    %swap3A_202 = arith.constant 448 : index
    %swap3A_203 = tpu.vector_load %arg7[%swap3A_202] {strides = array<i32>} : memref<640xf32, #tpu.memory_space<vmem>>, vector<16xf32>,
    %swap3A_204 = vector.shape_cast %swap3A_203 : vector<16xf32> to vector<16xf32>
    %swap3A_205 = vector.shape_cast %broadcast_in_dim3A_89 : vector<16xf32> to vector<16xf32>
    tpu.vector_store %arg7[%swap3A_202], %swap3A_205 {strides = array<i32>} : memref<640xf32, #tpu.memory_space<vmem>>, vector<16xf32>,
    %swap3A_206 = arith.constant 464 : index
    %swap3A_207 = tpu.vector_load %arg7[%swap3A_206] {strides = array<i32>} : memref<640xf32, #tpu.memory_space<vmem>>, vector<16xf32>,
    %swap3A_208 = vector.shape_cast %swap3A_207 : vector<16xf32> to vector<16xf32>
    %swap3A_209 = vector.shape_cast %broadcast_in_dim3A_89 : vector<16xf32> to vector<16xf32>
    tpu.vector_store %arg7[%swap3A_206], %swap3A_209 {strides = array<i32>} : memref<640xf32, #tpu.memory_space<vmem>>, vector<16xf32>,
    %swap3A_210 = arith.constant 480 : index
    %swap3A_211 = tpu.vector_load %arg7[%swap3A_210] {strides = array<i32>} : memref<640xf32, #tpu.memory_space<vmem>>, vector<16xf32>,
    %swap3A_212 = vector.shape_cast %swap3A_211 : vector<16xf32> to vector<16xf32>
    %swap3A_213 = vector.shape_cast %broadcast_in_dim3A_89 : vector<16xf32> to vector<16xf32>
    tpu.vector_store %arg7[%swap3A_210], %swap3A_213 {strides = array<i32>} : memref<640xf32, #tpu.memory_space<vmem>>, vector<16xf32>,
    %swap3A_214 = arith.constant 496 : index
    %swap3A_215 = tpu.vector_load %arg7[%swap3A_214] {strides = array<i32>} : memref<640xf32, #tpu.memory_space<vmem>>, vector<16xf32>,
    %swap3A_216 = vector.shape_cast %swap3A_215 : vector<16xf32> to vector<16xf32>
    %swap3A_217 = vector.shape_cast %broadcast_in_dim3A_89 : vector<16xf32> to vector<16xf32>
    tpu.vector_store %arg7[%swap3A_214], %swap3A_217 {strides = array<i32>} : memref<640xf32, #tpu.memory_space<vmem>>, vector<16xf32>,
    %swap3A_218 = arith.constant 512 : index
    %swap3A_219 = tpu.vector_load %arg7[%swap3A_218] {strides = array<i32>} : memref<640xf32, #tpu.memory_space<vmem>>, vector<16xf32>,
    %swap3A_220 = vector.shape_cast %swap3A_219 : vector<16xf32> to vector<16xf32>
    %swap3A_221 = vector.shape_cast %broadcast_in_dim3A_89 : vector<16xf32> to vector<16xf32>
    tpu.vector_store %arg7[%swap3A_218], %swap3A_221 {strides = array<i32>} : memref<640xf32, #tpu.memory_space<vmem>>, vector<16xf32>,
    %swap3A_222 = arith.constant 528 : index
    %swap3A_223 = tpu.vector_load %arg7[%swap3A_222] {strides = array<i32>} : memref<640xf32, #tpu.memory_space<vmem>>, vector<16xf32>,
    %swap3A_224 = vector.shape_cast %swap3A_223 : vector<16xf32> to vector<16xf32>
    %swap3A_225 = vector.shape_cast %broadcast_in_dim3A_89 : vector<16xf32> to vector<16xf32>
    tpu.vector_store %arg7[%swap3A_222], %swap3A_225 {strides = array<i32>} : memref<640xf32, #tpu.memory_space<vmem>>, vector<16xf32>,
    %swap3A_226 = arith.constant 544 : index
    %swap3A_227 = tpu.vector_load %arg7[%swap3A_226] {strides = array<i32>} : memref<640xf32, #tpu.memory_space<vmem>>, vector<16xf32>,
    %swap3A_228 = vector.shape_cast %swap3A_227 : vector<16xf32> to vector<16xf32>
    %swap3A_229 = vector.shape_cast %broadcast_in_dim3A_89 : vector<16xf32> to vector<16xf32>
    tpu.vector_store %arg7[%swap3A_226], %swap3A_229 {strides = array<i32>} : memref<640xf32, #tpu.memory_space<vmem>>, vector<16xf32>,
    %swap3A_230 = arith.constant 560 : index
    %swap3A_231 = tpu.vector_load %arg7[%swap3A_230] {strides = array<i32>} : memref<640xf32, #tpu.memory_space<vmem>>, vector<16xf32>,
    %swap3A_232 = vector.shape_cast %swap3A_231 : vector<16xf32> to vector<16xf32>
    %swap3A_233 = vector.shape_cast %broadcast_in_dim3A_89 : vector<16xf32> to vector<16xf32>
    tpu.vector_store %arg7[%swap3A_230], %swap3A_233 {strides = array<i32>} : memref<640xf32, #tpu.memory_space<vmem>>, vector<16xf32>,
    %swap3A_234 = arith.constant 576 : index
    %swap3A_235 = tpu.vector_load %arg7[%swap3A_234] {strides = array<i32>} : memref<640xf32, #tpu.memory_space<vmem>>, vector<16xf32>,
    %swap3A_236 = vector.shape_cast %swap3A_235 : vector<16xf32> to vector<16xf32>
    %swap3A_237 = vector.shape_cast %broadcast_in_dim3A_89 : vector<16xf32> to vector<16xf32>
    tpu.vector_store %arg7[%swap3A_234], %swap3A_237 {strides = array<i32>} : memref<640xf32, #tpu.memory_space<vmem>>, vector<16xf32>,
    %swap3A_238 = arith.constant 592 : index
    %swap3A_239 = tpu.vector_load %arg7[%swap3A_238] {strides = array<i32>} : memref<640xf32, #tpu.memory_space<vmem>>, vector<16xf32>,
    %swap3A_240 = vector.shape_cast %swap3A_239 : vector<16xf32> to vector<16xf32>
    %swap3A_241 = vector.shape_cast %broadcast_in_dim3A_89 : vector<16xf32> to vector<16xf32>
    tpu.vector_store %arg7[%swap3A_238], %swap3A_241 {strides = array<i32>} : memref<640xf32, #tpu.memory_space<vmem>>, vector<16xf32>,
    %swap3A_242 = arith.constant 608 : index
    %swap3A_243 = tpu.vector_load %arg7[%swap3A_242] {strides = array<i32>} : memref<640xf32, #tpu.memory_space<vmem>>, vector<16xf32>,
    %swap3A_244 = vector.shape_cast %swap3A_243 : vector<16xf32> to vector<16xf32>
    %swap3A_245 = vector.shape_cast %broadcast_in_dim3A_89 : vector<16xf32> to vector<16xf32>
    tpu.vector_store %arg7[%swap3A_242], %swap3A_245 {strides = array<i32>} : memref<640xf32, #tpu.memory_space<vmem>>, vector<16xf32>,
    %swap3A_246 = arith.constant 624 : index
    %swap3A_247 = tpu.vector_load %arg7[%swap3A_246] {strides = array<i32>} : memref<640xf32, #tpu.memory_space<vmem>>, vector<16xf32>,
    %swap3A_248 = vector.shape_cast %swap3A_247 : vector<16xf32> to vector<16xf32>
    %swap3A_249 = vector.shape_cast %broadcast_in_dim3A_89 : vector<16xf32> to vector<16xf32>
    tpu.vector_store %arg7[%swap3A_246], %swap3A_249 {strides = array<i32>} : memref<640xf32, #tpu.memory_space<vmem>>, vector<16xf32>,
    %mul3A_250 = arith.constant 640 : i32
    %mul3A_251 = arith.muli %arg1, %mul3A_250 : i32
    "tpu.region"() ({
      %run_scoped3A = tpu.sem_alloc : memref<!tpu.dma_semaphore, #tpu.memory_space<semaphore_mem>>
      %dma_start3A_265 = tpu.memref_slice %arg8[%mul3A_251] : memref<10240xf32, #tpu.memory_space<vmem_shared>> -> memref<640xf32, #tpu.memory_space<vmem_shared>>
      %dma_start3A_266 = tpu.memref_slice %arg8[%mul3A_251] : memref<10240xf32, #tpu.memory_space<vmem_shared>> -> memref<640xf32, #tpu.memory_space<vmem_shared>>
      tpu.enqueue_dma source(%arg7 : memref<640xf32, #tpu.memory_space<vmem>>) target(%dma_start3A_266 : memref<640xf32, #tpu.memory_space<vmem_shared>>) target_semaphore(%run_scoped3A : memref<!tpu.dma_semaphore, #tpu.memory_space<semaphore_mem>>)
      %dma_wait3A = tpu.memref_slice %arg8[%mul3A_251] : memref<10240xf32, #tpu.memory_space<vmem_shared>> -> memref<640xf32, #tpu.memory_space<vmem_shared>>
      %dma_wait3A_267 = tpu.memref_slice %arg8[%mul3A_251] : memref<10240xf32, #tpu.memory_space<vmem_shared>> -> memref<640xf32, #tpu.memory_space<vmem_shared>>
      tpu.wait_dma2 semaphore(%run_scoped3A : memref<!tpu.dma_semaphore, #tpu.memory_space<semaphore_mem>>) src(%arg7 : memref<640xf32, #tpu.memory_space<vmem>>) dst(%dma_wait3A_267 : memref<640xf32, #tpu.memory_space<vmem_shared>>)
      tpu.yield
    }) : () -> ()
    %barrier3A = arith.constant 0 : index
    tpu.barrier barrier_id(%barrier3A)
    %scan3A = arith.constant 0 : i32
    %scan3A_252 = arith.constant 0 : i32
    %scan3A_253 = arith.constant 10 : i32
    %scan3A_254 = arith.addi %scan3A_252, %scan3A_253 : i32
    %scan3A_255 = arith.constant 1 : i32
    scf.for %scan3A_265 = %scan3A_252 to %scan3A_254 step %scan3A_255  : i32 {
      %mul3A_266 = arith.constant 4 : i32
      %mul3A_267 = arith.muli %scan3A_265, %mul3A_266 : i32
      %add3A_268 = arith.constant 0 : i32
      %add3A_269 = arith.addi %mul3A_267, %add3A_268 : i32
      %dma_wait3A = arith.constant 0 : i32
      %dma_wait3A_270 = arith.constant 0 : i32
      %dma_wait3A_271 = tpu.memref_slice %arg5[%dma_wait3A, %dma_wait3A_270] : memref<4x125xi32, #tpu.memory_space<vmem>> -> memref<1x125xi32, #tpu.memory_space<vmem>>
      %dma_wait3A_272 = tpu.memref_squeeze %dma_wait3A_271 : memref<1x125xi32, #tpu.memory_space<vmem>> -> memref<125xi32, #tpu.memory_space<vmem>>
      %dma_wait3A_273 = arith.constant 0 : i32
      %dma_wait3A_274 = tpu.memref_slice %arg2[%add3A, %add3A_269, %dma_wait3A_273] : memref<32x40x125xi32, #tpu.memory_space<hbm>> -> memref<1x1x125xi32, #tpu.memory_space<hbm>>
      %dma_wait3A_275 = tpu.memref_squeeze %dma_wait3A_274 : memref<1x1x125xi32, #tpu.memory_space<hbm>> -> memref<125xi32, #tpu.memory_space<hbm>>
      %dma_wait3A_276 = arith.constant 0 : i32
      %dma_wait3A_277 = tpu.memref_slice %arg5[%dma_wait3A, %dma_wait3A_276] : memref<4x125xi32, #tpu.memory_space<vmem>> -> memref<1x125xi32, #tpu.memory_space<vmem>>
      %dma_wait3A_278 = tpu.memref_squeeze %dma_wait3A_277 : memref<1x125xi32, #tpu.memory_space<vmem>> -> memref<125xi32, #tpu.memory_space<vmem>>
      %dma_wait3A_279 = arith.constant 0 : i32
      %dma_wait3A_280 = tpu.memref_slice %arg2[%add3A, %add3A_269, %dma_wait3A_279] : memref<32x40x125xi32, #tpu.memory_space<hbm>> -> memref<1x1x125xi32, #tpu.memory_space<hbm>>
      %dma_wait3A_281 = tpu.memref_squeeze %dma_wait3A_280 : memref<1x1x125xi32, #tpu.memory_space<hbm>> -> memref<125xi32, #tpu.memory_space<hbm>>
      tpu.wait_dma2 semaphore(%arg9 : memref<!tpu.dma_semaphore, #tpu.memory_space<semaphore_mem>>) src(%dma_wait3A_281 : memref<125xi32, #tpu.memory_space<hbm>>) dst(%dma_wait3A_278 : memref<125xi32, #tpu.memory_space<vmem>>)
      %run_scoped3A = arith.constant 0 : i32
      "tpu.region"() ({
        %run_scoped3A_365 = tpu.sem_alloc : memref<!tpu.dma_semaphore, #tpu.memory_space<semaphore_mem>>
        %dma_start3A_366 = arith.constant 0 : i32
        %dma_start3A_367 = tpu.memref_slice %arg6[%dma_start3A_366] : memref<128xf32, #tpu.memory_space<vmem>> -> memref<125xf32, #tpu.memory_space<vmem>>
        %dma_start3A_368 = arith.constant 0 : i32
        %dma_start3A_369 = tpu.memref_slice %arg5[%run_scoped3A, %dma_start3A_368] : memref<4x125xi32, #tpu.memory_space<vmem>> -> memref<1x125xi32, #tpu.memory_space<vmem>>
        %dma_start3A_370 = tpu.memref_squeeze %dma_start3A_369 : memref<1x125xi32, #tpu.memory_space<vmem>> -> memref<125xi32, #tpu.memory_space<vmem>>
        %dma_start3A_371 = arith.constant 0 : i32
        %dma_start3A_372 = tpu.memref_slice %arg8[%dma_start3A_371] : memref<10240xf32, #tpu.memory_space<vmem_shared>> -> memref<10240xf32, #tpu.memory_space<vmem_shared>>
        tpu.enqueue_indirect_dma source(%dma_start3A_367 : memref<125xf32, #tpu.memory_space<vmem>>) target(%dma_start3A_372 : memref<10240xf32, #tpu.memory_space<vmem_shared>>) offsets(%dma_start3A_370 : memref<125xi32, #tpu.memory_space<vmem>>) semaphore(%run_scoped3A_365 : memref<!tpu.dma_semaphore, #tpu.memory_space<semaphore_mem>>) {add = true}
        %dma_wait3A_373 = arith.constant 0 : i32
        %dma_wait3A_374 = tpu.memref_slice %arg6[%dma_wait3A_373] : memref<128xf32, #tpu.memory_space<vmem>> -> memref<125xf32, #tpu.memory_space<vmem>>
        %dma_wait3A_375 = arith.constant 0 : i32
        %dma_wait3A_376 = tpu.memref_slice %arg5[%run_scoped3A, %dma_wait3A_375] : memref<4x125xi32, #tpu.memory_space<vmem>> -> memref<1x125xi32, #tpu.memory_space<vmem>>
        %dma_wait3A_377 = tpu.memref_squeeze %dma_wait3A_376 : memref<1x125xi32, #tpu.memory_space<vmem>> -> memref<125xi32, #tpu.memory_space<vmem>>
        %dma_wait3A_378 = arith.constant 0 : i32
        %dma_wait3A_379 = tpu.memref_slice %arg8[%dma_wait3A_378] : memref<10240xf32, #tpu.memory_space<vmem_shared>> -> memref<10240xf32, #tpu.memory_space<vmem_shared>>
        tpu.wait_indirect_dma semaphore(%run_scoped3A_365 : memref<!tpu.dma_semaphore, #tpu.memory_space<semaphore_mem>>) src(%dma_wait3A_374 : memref<125xf32, #tpu.memory_space<vmem>>) dst(%dma_wait3A_379 : memref<10240xf32, #tpu.memory_space<vmem_shared>>)
        tpu.yield
      }) : () -> ()
      %add3A_282 = arith.constant 0 : i32
      %add3A_283 = arith.addi %mul3A_267, %add3A_282 : i32
      %add3A_284 = arith.constant 4 : i32
      %add3A_285 = arith.addi %add3A_283, %add3A_284 : i32
      %lt3A = arith.constant 40 : i32
      %lt3A_286 = arith.cmpi slt, %add3A_285, %lt3A : i32
      %convert_element_type3A_287 = arith.extui %lt3A_286 : i1 to i32
      %cond3A_288 = arith.constant 0 : i32
      %cond3A_289 = arith.cmpi ne, %convert_element_type3A_287, %cond3A_288 : i32
      scf.if %cond3A_289 {
        %add3A_365 = arith.constant 0 : i32
        %add3A_366 = arith.addi %mul3A_267, %add3A_365 : i32
        %add3A_367 = arith.constant 4 : i32
        %add3A_368 = arith.addi %add3A_366, %add3A_367 : i32
        %dma_start3A_369 = arith.constant 0 : i32
        %dma_start3A_370 = arith.constant 0 : i32
        %dma_start3A_371 = tpu.memref_slice %arg5[%dma_start3A_369, %dma_start3A_370] : memref<4x125xi32, #tpu.memory_space<vmem>> -> memref<1x125xi32, #tpu.memory_space<vmem>>
        %dma_start3A_372 = tpu.memref_squeeze %dma_start3A_371 : memref<1x125xi32, #tpu.memory_space<vmem>> -> memref<125xi32, #tpu.memory_space<vmem>>
        %dma_start3A_373 = arith.constant 0 : i32
        %dma_start3A_374 = tpu.memref_slice %arg2[%add3A, %add3A_368, %dma_start3A_373] : memref<32x40x125xi32, #tpu.memory_space<hbm>> -> memref<1x1x125xi32, #tpu.memory_space<hbm>>
        %dma_start3A_375 = tpu.memref_squeeze %dma_start3A_374 : memref<1x1x125xi32, #tpu.memory_space<hbm>> -> memref<125xi32, #tpu.memory_space<hbm>>
        %dma_start3A_376 = arith.constant 0 : i32
        %dma_start3A_377 = tpu.memref_slice %arg5[%dma_start3A_369, %dma_start3A_376] : memref<4x125xi32, #tpu.memory_space<vmem>> -> memref<1x125xi32, #tpu.memory_space<vmem>>
        %dma_start3A_378 = tpu.memref_squeeze %dma_start3A_377 : memref<1x125xi32, #tpu.memory_space<vmem>> -> memref<125xi32, #tpu.memory_space<vmem>>
        %dma_start3A_379 = arith.constant 0 : i32
        %dma_start3A_380 = tpu.memref_slice %arg2[%add3A, %add3A_368, %dma_start3A_379] : memref<32x40x125xi32, #tpu.memory_space<hbm>> -> memref<1x1x125xi32, #tpu.memory_space<hbm>>
        %dma_start3A_381 = tpu.memref_squeeze %dma_start3A_380 : memref<1x1x125xi32, #tpu.memory_space<hbm>> -> memref<125xi32, #tpu.memory_space<hbm>>
        tpu.enqueue_dma source(%dma_start3A_381 : memref<125xi32, #tpu.memory_space<hbm>>) target(%dma_start3A_378 : memref<125xi32, #tpu.memory_space<vmem>>) target_semaphore(%arg9 : memref<!tpu.dma_semaphore, #tpu.memory_space<semaphore_mem>>)
      } else {
      }
      %add3A_290 = arith.constant 1 : i32
      %add3A_291 = arith.addi %mul3A_267, %add3A_290 : i32
      %dma_wait3A_292 = arith.constant 1 : i32
      %dma_wait3A_293 = arith.constant 0 : i32
      %dma_wait3A_294 = tpu.memref_slice %arg5[%dma_wait3A_292, %dma_wait3A_293] : memref<4x125xi32, #tpu.memory_space<vmem>> -> memref<1x125xi32, #tpu.memory_space<vmem>>
      %dma_wait3A_295 = tpu.memref_squeeze %dma_wait3A_294 : memref<1x125xi32, #tpu.memory_space<vmem>> -> memref<125xi32, #tpu.memory_space<vmem>>
      %dma_wait3A_296 = arith.constant 0 : i32
      %dma_wait3A_297 = tpu.memref_slice %arg2[%add3A, %add3A_291, %dma_wait3A_296] : memref<32x40x125xi32, #tpu.memory_space<hbm>> -> memref<1x1x125xi32, #tpu.memory_space<hbm>>
      %dma_wait3A_298 = tpu.memref_squeeze %dma_wait3A_297 : memref<1x1x125xi32, #tpu.memory_space<hbm>> -> memref<125xi32, #tpu.memory_space<hbm>>
      %dma_wait3A_299 = arith.constant 0 : i32
      %dma_wait3A_300 = tpu.memref_slice %arg5[%dma_wait3A_292, %dma_wait3A_299] : memref<4x125xi32, #tpu.memory_space<vmem>> -> memref<1x125xi32, #tpu.memory_space<vmem>>
      %dma_wait3A_301 = tpu.memref_squeeze %dma_wait3A_300 : memref<1x125xi32, #tpu.memory_space<vmem>> -> memref<125xi32, #tpu.memory_space<vmem>>
      %dma_wait3A_302 = arith.constant 0 : i32
      %dma_wait3A_303 = tpu.memref_slice %arg2[%add3A, %add3A_291, %dma_wait3A_302] : memref<32x40x125xi32, #tpu.memory_space<hbm>> -> memref<1x1x125xi32, #tpu.memory_space<hbm>>
      %dma_wait3A_304 = tpu.memref_squeeze %dma_wait3A_303 : memref<1x1x125xi32, #tpu.memory_space<hbm>> -> memref<125xi32, #tpu.memory_space<hbm>>
      tpu.wait_dma2 semaphore(%arg10 : memref<!tpu.dma_semaphore, #tpu.memory_space<semaphore_mem>>) src(%dma_wait3A_304 : memref<125xi32, #tpu.memory_space<hbm>>) dst(%dma_wait3A_301 : memref<125xi32, #tpu.memory_space<vmem>>)
      %run_scoped3A_305 = arith.constant 1 : i32
      "tpu.region"() ({
        %run_scoped3A_365 = tpu.sem_alloc : memref<!tpu.dma_semaphore, #tpu.memory_space<semaphore_mem>>
        %dma_start3A_366 = arith.constant 0 : i32
        %dma_start3A_367 = tpu.memref_slice %arg6[%dma_start3A_366] : memref<128xf32, #tpu.memory_space<vmem>> -> memref<125xf32, #tpu.memory_space<vmem>>
        %dma_start3A_368 = arith.constant 0 : i32
        %dma_start3A_369 = tpu.memref_slice %arg5[%run_scoped3A_305, %dma_start3A_368] : memref<4x125xi32, #tpu.memory_space<vmem>> -> memref<1x125xi32, #tpu.memory_space<vmem>>
        %dma_start3A_370 = tpu.memref_squeeze %dma_start3A_369 : memref<1x125xi32, #tpu.memory_space<vmem>> -> memref<125xi32, #tpu.memory_space<vmem>>
        %dma_start3A_371 = arith.constant 0 : i32
        %dma_start3A_372 = tpu.memref_slice %arg8[%dma_start3A_371] : memref<10240xf32, #tpu.memory_space<vmem_shared>> -> memref<10240xf32, #tpu.memory_space<vmem_shared>>
        tpu.enqueue_indirect_dma source(%dma_start3A_367 : memref<125xf32, #tpu.memory_space<vmem>>) target(%dma_start3A_372 : memref<10240xf32, #tpu.memory_space<vmem_shared>>) offsets(%dma_start3A_370 : memref<125xi32, #tpu.memory_space<vmem>>) semaphore(%run_scoped3A_365 : memref<!tpu.dma_semaphore, #tpu.memory_space<semaphore_mem>>) {add = true}
        %dma_wait3A_373 = arith.constant 0 : i32
        %dma_wait3A_374 = tpu.memref_slice %arg6[%dma_wait3A_373] : memref<128xf32, #tpu.memory_space<vmem>> -> memref<125xf32, #tpu.memory_space<vmem>>
        %dma_wait3A_375 = arith.constant 0 : i32
        %dma_wait3A_376 = tpu.memref_slice %arg5[%run_scoped3A_305, %dma_wait3A_375] : memref<4x125xi32, #tpu.memory_space<vmem>> -> memref<1x125xi32, #tpu.memory_space<vmem>>
        %dma_wait3A_377 = tpu.memref_squeeze %dma_wait3A_376 : memref<1x125xi32, #tpu.memory_space<vmem>> -> memref<125xi32, #tpu.memory_space<vmem>>
        %dma_wait3A_378 = arith.constant 0 : i32
        %dma_wait3A_379 = tpu.memref_slice %arg8[%dma_wait3A_378] : memref<10240xf32, #tpu.memory_space<vmem_shared>> -> memref<10240xf32, #tpu.memory_space<vmem_shared>>
        tpu.wait_indirect_dma semaphore(%run_scoped3A_365 : memref<!tpu.dma_semaphore, #tpu.memory_space<semaphore_mem>>) src(%dma_wait3A_374 : memref<125xf32, #tpu.memory_space<vmem>>) dst(%dma_wait3A_379 : memref<10240xf32, #tpu.memory_space<vmem_shared>>)
        tpu.yield
      }) : () -> ()
      %add3A_306 = arith.constant 1 : i32
      %add3A_307 = arith.addi %mul3A_267, %add3A_306 : i32
      %add3A_308 = arith.constant 4 : i32
      %add3A_309 = arith.addi %add3A_307, %add3A_308 : i32
      %lt3A_310 = arith.constant 40 : i32
      %lt3A_311 = arith.cmpi slt, %add3A_309, %lt3A_310 : i32
      %convert_element_type3A_312 = arith.extui %lt3A_311 : i1 to i32
      %cond3A_313 = arith.constant 0 : i32
      %cond3A_314 = arith.cmpi ne, %convert_element_type3A_312, %cond3A_313 : i32
      scf.if %cond3A_314 {
        %add3A_365 = arith.constant 1 : i32
        %add3A_366 = arith.addi %mul3A_267, %add3A_365 : i32
        %add3A_367 = arith.constant 4 : i32
        %add3A_368 = arith.addi %add3A_366, %add3A_367 : i32
        %dma_start3A_369 = arith.constant 1 : i32
        %dma_start3A_370 = arith.constant 0 : i32
        %dma_start3A_371 = tpu.memref_slice %arg5[%dma_start3A_369, %dma_start3A_370] : memref<4x125xi32, #tpu.memory_space<vmem>> -> memref<1x125xi32, #tpu.memory_space<vmem>>
        %dma_start3A_372 = tpu.memref_squeeze %dma_start3A_371 : memref<1x125xi32, #tpu.memory_space<vmem>> -> memref<125xi32, #tpu.memory_space<vmem>>
        %dma_start3A_373 = arith.constant 0 : i32
        %dma_start3A_374 = tpu.memref_slice %arg2[%add3A, %add3A_368, %dma_start3A_373] : memref<32x40x125xi32, #tpu.memory_space<hbm>> -> memref<1x1x125xi32, #tpu.memory_space<hbm>>
        %dma_start3A_375 = tpu.memref_squeeze %dma_start3A_374 : memref<1x1x125xi32, #tpu.memory_space<hbm>> -> memref<125xi32, #tpu.memory_space<hbm>>
        %dma_start3A_376 = arith.constant 0 : i32
        %dma_start3A_377 = tpu.memref_slice %arg5[%dma_start3A_369, %dma_start3A_376] : memref<4x125xi32, #tpu.memory_space<vmem>> -> memref<1x125xi32, #tpu.memory_space<vmem>>
        %dma_start3A_378 = tpu.memref_squeeze %dma_start3A_377 : memref<1x125xi32, #tpu.memory_space<vmem>> -> memref<125xi32, #tpu.memory_space<vmem>>
        %dma_start3A_379 = arith.constant 0 : i32
        %dma_start3A_380 = tpu.memref_slice %arg2[%add3A, %add3A_368, %dma_start3A_379] : memref<32x40x125xi32, #tpu.memory_space<hbm>> -> memref<1x1x125xi32, #tpu.memory_space<hbm>>
        %dma_start3A_381 = tpu.memref_squeeze %dma_start3A_380 : memref<1x1x125xi32, #tpu.memory_space<hbm>> -> memref<125xi32, #tpu.memory_space<hbm>>
        tpu.enqueue_dma source(%dma_start3A_381 : memref<125xi32, #tpu.memory_space<hbm>>) target(%dma_start3A_378 : memref<125xi32, #tpu.memory_space<vmem>>) target_semaphore(%arg10 : memref<!tpu.dma_semaphore, #tpu.memory_space<semaphore_mem>>)
      } else {
      }
      %add3A_315 = arith.constant 2 : i32
      %add3A_316 = arith.addi %mul3A_267, %add3A_315 : i32
      %dma_wait3A_317 = arith.constant 2 : i32
      %dma_wait3A_318 = arith.constant 0 : i32
      %dma_wait3A_319 = tpu.memref_slice %arg5[%dma_wait3A_317, %dma_wait3A_318] : memref<4x125xi32, #tpu.memory_space<vmem>> -> memref<1x125xi32, #tpu.memory_space<vmem>>
      %dma_wait3A_320 = tpu.memref_squeeze %dma_wait3A_319 : memref<1x125xi32, #tpu.memory_space<vmem>> -> memref<125xi32, #tpu.memory_space<vmem>>
      %dma_wait3A_321 = arith.constant 0 : i32
      %dma_wait3A_322 = tpu.memref_slice %arg2[%add3A, %add3A_316, %dma_wait3A_321] : memref<32x40x125xi32, #tpu.memory_space<hbm>> -> memref<1x1x125xi32, #tpu.memory_space<hbm>>
      %dma_wait3A_323 = tpu.memref_squeeze %dma_wait3A_322 : memref<1x1x125xi32, #tpu.memory_space<hbm>> -> memref<125xi32, #tpu.memory_space<hbm>>
      %dma_wait3A_324 = arith.constant 0 : i32
      %dma_wait3A_325 = tpu.memref_slice %arg5[%dma_wait3A_317, %dma_wait3A_324] : memref<4x125xi32, #tpu.memory_space<vmem>> -> memref<1x125xi32, #tpu.memory_space<vmem>>
      %dma_wait3A_326 = tpu.memref_squeeze %dma_wait3A_325 : memref<1x125xi32, #tpu.memory_space<vmem>> -> memref<125xi32, #tpu.memory_space<vmem>>
      %dma_wait3A_327 = arith.constant 0 : i32
      %dma_wait3A_328 = tpu.memref_slice %arg2[%add3A, %add3A_316, %dma_wait3A_327] : memref<32x40x125xi32, #tpu.memory_space<hbm>> -> memref<1x1x125xi32, #tpu.memory_space<hbm>>
      %dma_wait3A_329 = tpu.memref_squeeze %dma_wait3A_328 : memref<1x1x125xi32, #tpu.memory_space<hbm>> -> memref<125xi32, #tpu.memory_space<hbm>>
      tpu.wait_dma2 semaphore(%arg11 : memref<!tpu.dma_semaphore, #tpu.memory_space<semaphore_mem>>) src(%dma_wait3A_329 : memref<125xi32, #tpu.memory_space<hbm>>) dst(%dma_wait3A_326 : memref<125xi32, #tpu.memory_space<vmem>>)
      %run_scoped3A_330 = arith.constant 2 : i32
      "tpu.region"() ({
        %run_scoped3A_365 = tpu.sem_alloc : memref<!tpu.dma_semaphore, #tpu.memory_space<semaphore_mem>>
        %dma_start3A_366 = arith.constant 0 : i32
        %dma_start3A_367 = tpu.memref_slice %arg6[%dma_start3A_366] : memref<128xf32, #tpu.memory_space<vmem>> -> memref<125xf32, #tpu.memory_space<vmem>>
        %dma_start3A_368 = arith.constant 0 : i32
        %dma_start3A_369 = tpu.memref_slice %arg5[%run_scoped3A_330, %dma_start3A_368] : memref<4x125xi32, #tpu.memory_space<vmem>> -> memref<1x125xi32, #tpu.memory_space<vmem>>
        %dma_start3A_370 = tpu.memref_squeeze %dma_start3A_369 : memref<1x125xi32, #tpu.memory_space<vmem>> -> memref<125xi32, #tpu.memory_space<vmem>>
        %dma_start3A_371 = arith.constant 0 : i32
        %dma_start3A_372 = tpu.memref_slice %arg8[%dma_start3A_371] : memref<10240xf32, #tpu.memory_space<vmem_shared>> -> memref<10240xf32, #tpu.memory_space<vmem_shared>>
        tpu.enqueue_indirect_dma source(%dma_start3A_367 : memref<125xf32, #tpu.memory_space<vmem>>) target(%dma_start3A_372 : memref<10240xf32, #tpu.memory_space<vmem_shared>>) offsets(%dma_start3A_370 : memref<125xi32, #tpu.memory_space<vmem>>) semaphore(%run_scoped3A_365 : memref<!tpu.dma_semaphore, #tpu.memory_space<semaphore_mem>>) {add = true}
        %dma_wait3A_373 = arith.constant 0 : i32
        %dma_wait3A_374 = tpu.memref_slice %arg6[%dma_wait3A_373] : memref<128xf32, #tpu.memory_space<vmem>> -> memref<125xf32, #tpu.memory_space<vmem>>
        %dma_wait3A_375 = arith.constant 0 : i32
        %dma_wait3A_376 = tpu.memref_slice %arg5[%run_scoped3A_330, %dma_wait3A_375] : memref<4x125xi32, #tpu.memory_space<vmem>> -> memref<1x125xi32, #tpu.memory_space<vmem>>
        %dma_wait3A_377 = tpu.memref_squeeze %dma_wait3A_376 : memref<1x125xi32, #tpu.memory_space<vmem>> -> memref<125xi32, #tpu.memory_space<vmem>>
        %dma_wait3A_378 = arith.constant 0 : i32
        %dma_wait3A_379 = tpu.memref_slice %arg8[%dma_wait3A_378] : memref<10240xf32, #tpu.memory_space<vmem_shared>> -> memref<10240xf32, #tpu.memory_space<vmem_shared>>
        tpu.wait_indirect_dma semaphore(%run_scoped3A_365 : memref<!tpu.dma_semaphore, #tpu.memory_space<semaphore_mem>>) src(%dma_wait3A_374 : memref<125xf32, #tpu.memory_space<vmem>>) dst(%dma_wait3A_379 : memref<10240xf32, #tpu.memory_space<vmem_shared>>)
        tpu.yield
      }) : () -> ()
      %add3A_331 = arith.constant 2 : i32
      %add3A_332 = arith.addi %mul3A_267, %add3A_331 : i32
      %add3A_333 = arith.constant 4 : i32
      %add3A_334 = arith.addi %add3A_332, %add3A_333 : i32
      %lt3A_335 = arith.constant 40 : i32
      %lt3A_336 = arith.cmpi slt, %add3A_334, %lt3A_335 : i32
      %convert_element_type3A_337 = arith.extui %lt3A_336 : i1 to i32
      %cond3A_338 = arith.constant 0 : i32
      %cond3A_339 = arith.cmpi ne, %convert_element_type3A_337, %cond3A_338 : i32
      scf.if %cond3A_339 {
        %add3A_365 = arith.constant 2 : i32
        %add3A_366 = arith.addi %mul3A_267, %add3A_365 : i32
        %add3A_367 = arith.constant 4 : i32
        %add3A_368 = arith.addi %add3A_366, %add3A_367 : i32
        %dma_start3A_369 = arith.constant 2 : i32
        %dma_start3A_370 = arith.constant 0 : i32
        %dma_start3A_371 = tpu.memref_slice %arg5[%dma_start3A_369, %dma_start3A_370] : memref<4x125xi32, #tpu.memory_space<vmem>> -> memref<1x125xi32, #tpu.memory_space<vmem>>
        %dma_start3A_372 = tpu.memref_squeeze %dma_start3A_371 : memref<1x125xi32, #tpu.memory_space<vmem>> -> memref<125xi32, #tpu.memory_space<vmem>>
        %dma_start3A_373 = arith.constant 0 : i32
        %dma_start3A_374 = tpu.memref_slice %arg2[%add3A, %add3A_368, %dma_start3A_373] : memref<32x40x125xi32, #tpu.memory_space<hbm>> -> memref<1x1x125xi32, #tpu.memory_space<hbm>>
        %dma_start3A_375 = tpu.memref_squeeze %dma_start3A_374 : memref<1x1x125xi32, #tpu.memory_space<hbm>> -> memref<125xi32, #tpu.memory_space<hbm>>
        %dma_start3A_376 = arith.constant 0 : i32
        %dma_start3A_377 = tpu.memref_slice %arg5[%dma_start3A_369, %dma_start3A_376] : memref<4x125xi32, #tpu.memory_space<vmem>> -> memref<1x125xi32, #tpu.memory_space<vmem>>
        %dma_start3A_378 = tpu.memref_squeeze %dma_start3A_377 : memref<1x125xi32, #tpu.memory_space<vmem>> -> memref<125xi32, #tpu.memory_space<vmem>>
        %dma_start3A_379 = arith.constant 0 : i32
        %dma_start3A_380 = tpu.memref_slice %arg2[%add3A, %add3A_368, %dma_start3A_379] : memref<32x40x125xi32, #tpu.memory_space<hbm>> -> memref<1x1x125xi32, #tpu.memory_space<hbm>>
        %dma_start3A_381 = tpu.memref_squeeze %dma_start3A_380 : memref<1x1x125xi32, #tpu.memory_space<hbm>> -> memref<125xi32, #tpu.memory_space<hbm>>
        tpu.enqueue_dma source(%dma_start3A_381 : memref<125xi32, #tpu.memory_space<hbm>>) target(%dma_start3A_378 : memref<125xi32, #tpu.memory_space<vmem>>) target_semaphore(%arg11 : memref<!tpu.dma_semaphore, #tpu.memory_space<semaphore_mem>>)
      } else {
      }
      %add3A_340 = arith.constant 3 : i32
      %add3A_341 = arith.addi %mul3A_267, %add3A_340 : i32
      %dma_wait3A_342 = arith.constant 3 : i32
      %dma_wait3A_343 = arith.constant 0 : i32
      %dma_wait3A_344 = tpu.memref_slice %arg5[%dma_wait3A_342, %dma_wait3A_343] : memref<4x125xi32, #tpu.memory_space<vmem>> -> memref<1x125xi32, #tpu.memory_space<vmem>>
      %dma_wait3A_345 = tpu.memref_squeeze %dma_wait3A_344 : memref<1x125xi32, #tpu.memory_space<vmem>> -> memref<125xi32, #tpu.memory_space<vmem>>
      %dma_wait3A_346 = arith.constant 0 : i32
      %dma_wait3A_347 = tpu.memref_slice %arg2[%add3A, %add3A_341, %dma_wait3A_346] : memref<32x40x125xi32, #tpu.memory_space<hbm>> -> memref<1x1x125xi32, #tpu.memory_space<hbm>>
      %dma_wait3A_348 = tpu.memref_squeeze %dma_wait3A_347 : memref<1x1x125xi32, #tpu.memory_space<hbm>> -> memref<125xi32, #tpu.memory_space<hbm>>
      %dma_wait3A_349 = arith.constant 0 : i32
      %dma_wait3A_350 = tpu.memref_slice %arg5[%dma_wait3A_342, %dma_wait3A_349] : memref<4x125xi32, #tpu.memory_space<vmem>> -> memref<1x125xi32, #tpu.memory_space<vmem>>
      %dma_wait3A_351 = tpu.memref_squeeze %dma_wait3A_350 : memref<1x125xi32, #tpu.memory_space<vmem>> -> memref<125xi32, #tpu.memory_space<vmem>>
      %dma_wait3A_352 = arith.constant 0 : i32
      %dma_wait3A_353 = tpu.memref_slice %arg2[%add3A, %add3A_341, %dma_wait3A_352] : memref<32x40x125xi32, #tpu.memory_space<hbm>> -> memref<1x1x125xi32, #tpu.memory_space<hbm>>
      %dma_wait3A_354 = tpu.memref_squeeze %dma_wait3A_353 : memref<1x1x125xi32, #tpu.memory_space<hbm>> -> memref<125xi32, #tpu.memory_space<hbm>>
      tpu.wait_dma2 semaphore(%arg12 : memref<!tpu.dma_semaphore, #tpu.memory_space<semaphore_mem>>) src(%dma_wait3A_354 : memref<125xi32, #tpu.memory_space<hbm>>) dst(%dma_wait3A_351 : memref<125xi32, #tpu.memory_space<vmem>>)
      %run_scoped3A_355 = arith.constant 3 : i32
      "tpu.region"() ({
        %run_scoped3A_365 = tpu.sem_alloc : memref<!tpu.dma_semaphore, #tpu.memory_space<semaphore_mem>>
        %dma_start3A_366 = arith.constant 0 : i32
        %dma_start3A_367 = tpu.memref_slice %arg6[%dma_start3A_366] : memref<128xf32, #tpu.memory_space<vmem>> -> memref<125xf32, #tpu.memory_space<vmem>>
        %dma_start3A_368 = arith.constant 0 : i32
        %dma_start3A_369 = tpu.memref_slice %arg5[%run_scoped3A_355, %dma_start3A_368] : memref<4x125xi32, #tpu.memory_space<vmem>> -> memref<1x125xi32, #tpu.memory_space<vmem>>
        %dma_start3A_370 = tpu.memref_squeeze %dma_start3A_369 : memref<1x125xi32, #tpu.memory_space<vmem>> -> memref<125xi32, #tpu.memory_space<vmem>>
        %dma_start3A_371 = arith.constant 0 : i32
        %dma_start3A_372 = tpu.memref_slice %arg8[%dma_start3A_371] : memref<10240xf32, #tpu.memory_space<vmem_shared>> -> memref<10240xf32, #tpu.memory_space<vmem_shared>>
        tpu.enqueue_indirect_dma source(%dma_start3A_367 : memref<125xf32, #tpu.memory_space<vmem>>) target(%dma_start3A_372 : memref<10240xf32, #tpu.memory_space<vmem_shared>>) offsets(%dma_start3A_370 : memref<125xi32, #tpu.memory_space<vmem>>) semaphore(%run_scoped3A_365 : memref<!tpu.dma_semaphore, #tpu.memory_space<semaphore_mem>>) {add = true}
        %dma_wait3A_373 = arith.constant 0 : i32
        %dma_wait3A_374 = tpu.memref_slice %arg6[%dma_wait3A_373] : memref<128xf32, #tpu.memory_space<vmem>> -> memref<125xf32, #tpu.memory_space<vmem>>
        %dma_wait3A_375 = arith.constant 0 : i32
        %dma_wait3A_376 = tpu.memref_slice %arg5[%run_scoped3A_355, %dma_wait3A_375] : memref<4x125xi32, #tpu.memory_space<vmem>> -> memref<1x125xi32, #tpu.memory_space<vmem>>
        %dma_wait3A_377 = tpu.memref_squeeze %dma_wait3A_376 : memref<1x125xi32, #tpu.memory_space<vmem>> -> memref<125xi32, #tpu.memory_space<vmem>>
        %dma_wait3A_378 = arith.constant 0 : i32
        %dma_wait3A_379 = tpu.memref_slice %arg8[%dma_wait3A_378] : memref<10240xf32, #tpu.memory_space<vmem_shared>> -> memref<10240xf32, #tpu.memory_space<vmem_shared>>
        tpu.wait_indirect_dma semaphore(%run_scoped3A_365 : memref<!tpu.dma_semaphore, #tpu.memory_space<semaphore_mem>>) src(%dma_wait3A_374 : memref<125xf32, #tpu.memory_space<vmem>>) dst(%dma_wait3A_379 : memref<10240xf32, #tpu.memory_space<vmem_shared>>)
        tpu.yield
      }) : () -> ()
      %add3A_356 = arith.constant 3 : i32
      %add3A_357 = arith.addi %mul3A_267, %add3A_356 : i32
      %add3A_358 = arith.constant 4 : i32
      %add3A_359 = arith.addi %add3A_357, %add3A_358 : i32
      %lt3A_360 = arith.constant 40 : i32
      %lt3A_361 = arith.cmpi slt, %add3A_359, %lt3A_360 : i32
      %convert_element_type3A_362 = arith.extui %lt3A_361 : i1 to i32
      %cond3A_363 = arith.constant 0 : i32
      %cond3A_364 = arith.cmpi ne, %convert_element_type3A_362, %cond3A_363 : i32
      scf.if %cond3A_364 {
        %add3A_365 = arith.constant 3 : i32
        %add3A_366 = arith.addi %mul3A_267, %add3A_365 : i32
        %add3A_367 = arith.constant 4 : i32
        %add3A_368 = arith.addi %add3A_366, %add3A_367 : i32
        %dma_start3A_369 = arith.constant 3 : i32
        %dma_start3A_370 = arith.constant 0 : i32
        %dma_start3A_371 = tpu.memref_slice %arg5[%dma_start3A_369, %dma_start3A_370] : memref<4x125xi32, #tpu.memory_space<vmem>> -> memref<1x125xi32, #tpu.memory_space<vmem>>
        %dma_start3A_372 = tpu.memref_squeeze %dma_start3A_371 : memref<1x125xi32, #tpu.memory_space<vmem>> -> memref<125xi32, #tpu.memory_space<vmem>>
        %dma_start3A_373 = arith.constant 0 : i32
        %dma_start3A_374 = tpu.memref_slice %arg2[%add3A, %add3A_368, %dma_start3A_373] : memref<32x40x125xi32, #tpu.memory_space<hbm>> -> memref<1x1x125xi32, #tpu.memory_space<hbm>>
        %dma_start3A_375 = tpu.memref_squeeze %dma_start3A_374 : memref<1x1x125xi32, #tpu.memory_space<hbm>> -> memref<125xi32, #tpu.memory_space<hbm>>
        %dma_start3A_376 = arith.constant 0 : i32
        %dma_start3A_377 = tpu.memref_slice %arg5[%dma_start3A_369, %dma_start3A_376] : memref<4x125xi32, #tpu.memory_space<vmem>> -> memref<1x125xi32, #tpu.memory_space<vmem>>
        %dma_start3A_378 = tpu.memref_squeeze %dma_start3A_377 : memref<1x125xi32, #tpu.memory_space<vmem>> -> memref<125xi32, #tpu.memory_space<vmem>>
        %dma_start3A_379 = arith.constant 0 : i32
        %dma_start3A_380 = tpu.memref_slice %arg2[%add3A, %add3A_368, %dma_start3A_379] : memref<32x40x125xi32, #tpu.memory_space<hbm>> -> memref<1x1x125xi32, #tpu.memory_space<hbm>>
        %dma_start3A_381 = tpu.memref_squeeze %dma_start3A_380 : memref<1x1x125xi32, #tpu.memory_space<hbm>> -> memref<125xi32, #tpu.memory_space<hbm>>
        tpu.enqueue_dma source(%dma_start3A_381 : memref<125xi32, #tpu.memory_space<hbm>>) target(%dma_start3A_378 : memref<125xi32, #tpu.memory_space<vmem>>) target_semaphore(%arg12 : memref<!tpu.dma_semaphore, #tpu.memory_space<semaphore_mem>>)
      } else {
      }
    }
    %scan3A_256 = arith.constant 10 : i32
    %barrier3A_257 = arith.constant 0 : index
    tpu.barrier barrier_id(%barrier3A_257)
    %eq3A = arith.constant 0 : i32
    %eq3A_258 = arith.cmpi eq, %arg0, %eq3A : i32
    %convert_element_type3A = arith.extui %eq3A_258 : i1 to i32
    %cond3A = arith.constant 0 : i32
    %cond3A_259 = arith.cmpi ne, %convert_element_type3A, %cond3A : i32
    scf.if %cond3A_259 {
      %mul3A_265 = arith.constant 640 : i32
      %mul3A_266 = arith.muli %arg1, %mul3A_265 : i32
      %mul3A_267 = arith.constant 640 : i32
      %mul3A_268 = arith.muli %arg1, %mul3A_267 : i32
      "tpu.region"() ({
        %run_scoped3A = tpu.sem_alloc : memref<!tpu.dma_semaphore, #tpu.memory_space<semaphore_mem>>
        %dma_start3A_269 = tpu.memref_slice %arg3[%mul3A_268] : memref<10240xf32, #tpu.memory_space<hbm>> -> memref<640xf32, #tpu.memory_space<hbm>>
        %dma_start3A_270 = tpu.memref_slice %arg8[%mul3A_266] : memref<10240xf32, #tpu.memory_space<vmem_shared>> -> memref<640xf32, #tpu.memory_space<vmem_shared>>
        tpu.enqueue_dma source(%dma_start3A_270 : memref<640xf32, #tpu.memory_space<vmem_shared>>) target(%dma_start3A_269 : memref<640xf32, #tpu.memory_space<hbm>>) target_semaphore(%run_scoped3A : memref<!tpu.dma_semaphore, #tpu.memory_space<semaphore_mem>>)
        %dma_wait3A = tpu.memref_slice %arg3[%mul3A_268] : memref<10240xf32, #tpu.memory_space<hbm>> -> memref<640xf32, #tpu.memory_space<hbm>>
        %dma_wait3A_271 = tpu.memref_slice %arg8[%mul3A_266] : memref<10240xf32, #tpu.memory_space<vmem_shared>> -> memref<640xf32, #tpu.memory_space<vmem_shared>>
        tpu.wait_dma2 semaphore(%run_scoped3A : memref<!tpu.dma_semaphore, #tpu.memory_space<semaphore_mem>>) src(%dma_wait3A_271 : memref<640xf32, #tpu.memory_space<vmem_shared>>) dst(%dma_wait3A : memref<640xf32, #tpu.memory_space<hbm>>)
        tpu.yield
      }) : () -> ()
    } else {
    }
    %eq3A_260 = arith.constant 1 : i32
    %eq3A_261 = arith.cmpi eq, %arg0, %eq3A_260 : i32
    %convert_element_type3A_262 = arith.extui %eq3A_261 : i1 to i32
    %cond3A_263 = arith.constant 0 : i32
    %cond3A_264 = arith.cmpi ne, %convert_element_type3A_262, %cond3A_263 : i32
    scf.if %cond3A_264 {
      %mul3A_265 = arith.constant 640 : i32
      %mul3A_266 = arith.muli %arg1, %mul3A_265 : i32
      %mul3A_267 = arith.constant 640 : i32
      %mul3A_268 = arith.muli %arg1, %mul3A_267 : i32
      "tpu.region"() ({
        %run_scoped3A = tpu.sem_alloc : memref<!tpu.dma_semaphore, #tpu.memory_space<semaphore_mem>>
        %dma_start3A_269 = tpu.memref_slice %arg4[%mul3A_268] : memref<10240xf32, #tpu.memory_space<hbm>> -> memref<640xf32, #tpu.memory_space<hbm>>
        %dma_start3A_270 = tpu.memref_slice %arg8[%mul3A_266] : memref<10240xf32, #tpu.memory_space<vmem_shared>> -> memref<640xf32, #tpu.memory_space<vmem_shared>>
        tpu.enqueue_dma source(%dma_start3A_270 : memref<640xf32, #tpu.memory_space<vmem_shared>>) target(%dma_start3A_269 : memref<640xf32, #tpu.memory_space<hbm>>) target_semaphore(%run_scoped3A : memref<!tpu.dma_semaphore, #tpu.memory_space<semaphore_mem>>)
        %dma_wait3A = tpu.memref_slice %arg4[%mul3A_268] : memref<10240xf32, #tpu.memory_space<hbm>> -> memref<640xf32, #tpu.memory_space<hbm>>
        %dma_wait3A_271 = tpu.memref_slice %arg8[%mul3A_266] : memref<10240xf32, #tpu.memory_space<vmem_shared>> -> memref<640xf32, #tpu.memory_space<vmem_shared>>
        tpu.wait_dma2 semaphore(%run_scoped3A : memref<!tpu.dma_semaphore, #tpu.memory_space<semaphore_mem>>) src(%dma_wait3A_271 : memref<640xf32, #tpu.memory_space<vmem_shared>>) dst(%dma_wait3A : memref<640xf32, #tpu.memory_space<hbm>>)
        tpu.yield
      }) : () -> ()
    } else {
    }
    return
  }
}

#map = affine_map<(d0, d1) -> (0, 0, 0)>
module attributes {stable_mosaic.version = 14 : i64} {
  func.func @_sc_aggregate(%arg0: i32, %arg1: i32, %arg2: memref<2x10000x128xf32, #tpu.memory_space<hbm>>, %arg3: memref<16x128x80xi32, #tpu.memory_space<hbm>>, %arg4: memref<16x128x80xi32, #tpu.memory_space<hbm>>, %arg5: memref<2x10240x128xf32, #tpu.memory_space<hbm>>, %arg6: memref<4x80xi32, #tpu.memory_space<vmem>>, %arg7: memref<4x80xi32, #tpu.memory_space<vmem>>, %arg8: memref<80x128xf32, #tpu.memory_space<vmem>>, %arg9: memref<80x128xf32, #tpu.memory_space<vmem>>, %arg10: memref<80x128xf32, #tpu.memory_space<vmem>>, %arg11: memref<80x128xf32, #tpu.memory_space<vmem>>, %arg12: memref<10240x128xf32, #tpu.memory_space<vmem_shared>>, %arg13: memref<!tpu.dma_semaphore, #tpu.memory_space<semaphore_mem>>, %arg14: memref<!tpu.dma_semaphore, #tpu.memory_space<semaphore_mem>>, %arg15: memref<!tpu.dma_semaphore, #tpu.memory_space<semaphore_mem>>, %arg16: memref<!tpu.dma_semaphore, #tpu.memory_space<semaphore_mem>>, %arg17: memref<!tpu.dma_semaphore, #tpu.memory_space<semaphore_mem>>, %arg18: memref<!tpu.dma_semaphore, #tpu.memory_space<semaphore_mem>>, %arg19: memref<!tpu.dma_semaphore, #tpu.memory_space<semaphore_mem>>, %arg20: memref<!tpu.dma_semaphore, #tpu.memory_space<semaphore_mem>>, %arg21: memref<!tpu.dma_semaphore, #tpu.memory_space<semaphore_mem>>, %arg22: memref<!tpu.dma_semaphore, #tpu.memory_space<semaphore_mem>>, %arg23: memref<!tpu.dma_semaphore, #tpu.memory_space<semaphore_mem>>, %arg24: memref<!tpu.dma_semaphore, #tpu.memory_space<semaphore_mem>>) attributes {dimension_semantics = [#tpu.dimension_semantics<core_parallel>, #tpu.dimension_semantics<subcore_parallel>], iteration_bounds = array<i64: 2, 16>, scalar_prefetch = 0 : i64, scratch_operands = 19 : i64, tpu.core_type = #tpu.core_type<sc_vector_subcore>, window_params = [{transform_indices = #map}, {transform_indices = #map}, {transform_indices = #map}, {transform_indices = #map}]} {
    %dma_start3A = arith.constant 0 : i32
    %dma_start3A_0 = arith.constant 0 : i32
    %dma_start3A_1 = arith.constant 0 : i32
    %dma_start3A_2 = tpu.memref_slice %arg6[%dma_start3A_0, %dma_start3A_1] : memref<4x80xi32, #tpu.memory_space<vmem>> -> memref<1x80xi32, #tpu.memory_space<vmem>>
    %dma_start3A_3 = tpu.memref_squeeze %dma_start3A_2 : memref<1x80xi32, #tpu.memory_space<vmem>> -> memref<80xi32, #tpu.memory_space<vmem>>
    %dma_start3A_4 = arith.constant 0 : i32
    %dma_start3A_5 = tpu.memref_slice %arg3[%arg1, %dma_start3A, %dma_start3A_4] : memref<16x128x80xi32, #tpu.memory_space<hbm>> -> memref<1x1x80xi32, #tpu.memory_space<hbm>>
    %dma_start3A_6 = tpu.memref_squeeze %dma_start3A_5 : memref<1x1x80xi32, #tpu.memory_space<hbm>> -> memref<80xi32, #tpu.memory_space<hbm>>
    %dma_start3A_7 = arith.constant 0 : i32
    %dma_start3A_8 = tpu.memref_slice %arg6[%dma_start3A_0, %dma_start3A_7] : memref<4x80xi32, #tpu.memory_space<vmem>> -> memref<1x80xi32, #tpu.memory_space<vmem>>
    %dma_start3A_9 = tpu.memref_squeeze %dma_start3A_8 : memref<1x80xi32, #tpu.memory_space<vmem>> -> memref<80xi32, #tpu.memory_space<vmem>>
    %dma_start3A_10 = arith.constant 0 : i32
    %dma_start3A_11 = tpu.memref_slice %arg3[%arg1, %dma_start3A, %dma_start3A_10] : memref<16x128x80xi32, #tpu.memory_space<hbm>> -> memref<1x1x80xi32, #tpu.memory_space<hbm>>
    %dma_start3A_12 = tpu.memref_squeeze %dma_start3A_11 : memref<1x1x80xi32, #tpu.memory_space<hbm>> -> memref<80xi32, #tpu.memory_space<hbm>>
    tpu.enqueue_dma source(%dma_start3A_12 : memref<80xi32, #tpu.memory_space<hbm>>) target(%dma_start3A_9 : memref<80xi32, #tpu.memory_space<vmem>>) target_semaphore(%arg13 : memref<!tpu.dma_semaphore, #tpu.memory_space<semaphore_mem>>)
    %dma_start3A_13 = arith.constant 0 : i32
    %dma_start3A_14 = arith.constant 0 : i32
    %dma_start3A_15 = arith.constant 0 : i32
    %dma_start3A_16 = tpu.memref_slice %arg7[%dma_start3A_14, %dma_start3A_15] : memref<4x80xi32, #tpu.memory_space<vmem>> -> memref<1x80xi32, #tpu.memory_space<vmem>>
    %dma_start3A_17 = tpu.memref_squeeze %dma_start3A_16 : memref<1x80xi32, #tpu.memory_space<vmem>> -> memref<80xi32, #tpu.memory_space<vmem>>
    %dma_start3A_18 = arith.constant 0 : i32
    %dma_start3A_19 = tpu.memref_slice %arg4[%arg1, %dma_start3A_13, %dma_start3A_18] : memref<16x128x80xi32, #tpu.memory_space<hbm>> -> memref<1x1x80xi32, #tpu.memory_space<hbm>>
    %dma_start3A_20 = tpu.memref_squeeze %dma_start3A_19 : memref<1x1x80xi32, #tpu.memory_space<hbm>> -> memref<80xi32, #tpu.memory_space<hbm>>
    %dma_start3A_21 = arith.constant 0 : i32
    %dma_start3A_22 = tpu.memref_slice %arg7[%dma_start3A_14, %dma_start3A_21] : memref<4x80xi32, #tpu.memory_space<vmem>> -> memref<1x80xi32, #tpu.memory_space<vmem>>
    %dma_start3A_23 = tpu.memref_squeeze %dma_start3A_22 : memref<1x80xi32, #tpu.memory_space<vmem>> -> memref<80xi32, #tpu.memory_space<vmem>>
    %dma_start3A_24 = arith.constant 0 : i32
    %dma_start3A_25 = tpu.memref_slice %arg4[%arg1, %dma_start3A_13, %dma_start3A_24] : memref<16x128x80xi32, #tpu.memory_space<hbm>> -> memref<1x1x80xi32, #tpu.memory_space<hbm>>
    %dma_start3A_26 = tpu.memref_squeeze %dma_start3A_25 : memref<1x1x80xi32, #tpu.memory_space<hbm>> -> memref<80xi32, #tpu.memory_space<hbm>>
    tpu.enqueue_dma source(%dma_start3A_26 : memref<80xi32, #tpu.memory_space<hbm>>) target(%dma_start3A_23 : memref<80xi32, #tpu.memory_space<vmem>>) target_semaphore(%arg17 : memref<!tpu.dma_semaphore, #tpu.memory_space<semaphore_mem>>)
    %dma_start3A_27 = arith.constant 1 : i32
    %dma_start3A_28 = arith.constant 1 : i32
    %dma_start3A_29 = arith.constant 0 : i32
    %dma_start3A_30 = tpu.memref_slice %arg6[%dma_start3A_28, %dma_start3A_29] : memref<4x80xi32, #tpu.memory_space<vmem>> -> memref<1x80xi32, #tpu.memory_space<vmem>>
    %dma_start3A_31 = tpu.memref_squeeze %dma_start3A_30 : memref<1x80xi32, #tpu.memory_space<vmem>> -> memref<80xi32, #tpu.memory_space<vmem>>
    %dma_start3A_32 = arith.constant 0 : i32
    %dma_start3A_33 = tpu.memref_slice %arg3[%arg1, %dma_start3A_27, %dma_start3A_32] : memref<16x128x80xi32, #tpu.memory_space<hbm>> -> memref<1x1x80xi32, #tpu.memory_space<hbm>>
    %dma_start3A_34 = tpu.memref_squeeze %dma_start3A_33 : memref<1x1x80xi32, #tpu.memory_space<hbm>> -> memref<80xi32, #tpu.memory_space<hbm>>
    %dma_start3A_35 = arith.constant 0 : i32
    %dma_start3A_36 = tpu.memref_slice %arg6[%dma_start3A_28, %dma_start3A_35] : memref<4x80xi32, #tpu.memory_space<vmem>> -> memref<1x80xi32, #tpu.memory_space<vmem>>
    %dma_start3A_37 = tpu.memref_squeeze %dma_start3A_36 : memref<1x80xi32, #tpu.memory_space<vmem>> -> memref<80xi32, #tpu.memory_space<vmem>>
    %dma_start3A_38 = arith.constant 0 : i32
    %dma_start3A_39 = tpu.memref_slice %arg3[%arg1, %dma_start3A_27, %dma_start3A_38] : memref<16x128x80xi32, #tpu.memory_space<hbm>> -> memref<1x1x80xi32, #tpu.memory_space<hbm>>
    %dma_start3A_40 = tpu.memref_squeeze %dma_start3A_39 : memref<1x1x80xi32, #tpu.memory_space<hbm>> -> memref<80xi32, #tpu.memory_space<hbm>>
    tpu.enqueue_dma source(%dma_start3A_40 : memref<80xi32, #tpu.memory_space<hbm>>) target(%dma_start3A_37 : memref<80xi32, #tpu.memory_space<vmem>>) target_semaphore(%arg14 : memref<!tpu.dma_semaphore, #tpu.memory_space<semaphore_mem>>)
    %dma_start3A_41 = arith.constant 1 : i32
    %dma_start3A_42 = arith.constant 1 : i32
    %dma_start3A_43 = arith.constant 0 : i32
    %dma_start3A_44 = tpu.memref_slice %arg7[%dma_start3A_42, %dma_start3A_43] : memref<4x80xi32, #tpu.memory_space<vmem>> -> memref<1x80xi32, #tpu.memory_space<vmem>>
    %dma_start3A_45 = tpu.memref_squeeze %dma_start3A_44 : memref<1x80xi32, #tpu.memory_space<vmem>> -> memref<80xi32, #tpu.memory_space<vmem>>
    %dma_start3A_46 = arith.constant 0 : i32
    %dma_start3A_47 = tpu.memref_slice %arg4[%arg1, %dma_start3A_41, %dma_start3A_46] : memref<16x128x80xi32, #tpu.memory_space<hbm>> -> memref<1x1x80xi32, #tpu.memory_space<hbm>>
    %dma_start3A_48 = tpu.memref_squeeze %dma_start3A_47 : memref<1x1x80xi32, #tpu.memory_space<hbm>> -> memref<80xi32, #tpu.memory_space<hbm>>
    %dma_start3A_49 = arith.constant 0 : i32
    %dma_start3A_50 = tpu.memref_slice %arg7[%dma_start3A_42, %dma_start3A_49] : memref<4x80xi32, #tpu.memory_space<vmem>> -> memref<1x80xi32, #tpu.memory_space<vmem>>
    %dma_start3A_51 = tpu.memref_squeeze %dma_start3A_50 : memref<1x80xi32, #tpu.memory_space<vmem>> -> memref<80xi32, #tpu.memory_space<vmem>>
    %dma_start3A_52 = arith.constant 0 : i32
    %dma_start3A_53 = tpu.memref_slice %arg4[%arg1, %dma_start3A_41, %dma_start3A_52] : memref<16x128x80xi32, #tpu.memory_space<hbm>> -> memref<1x1x80xi32, #tpu.memory_space<hbm>>
    %dma_start3A_54 = tpu.memref_squeeze %dma_start3A_53 : memref<1x1x80xi32, #tpu.memory_space<hbm>> -> memref<80xi32, #tpu.memory_space<hbm>>
    tpu.enqueue_dma source(%dma_start3A_54 : memref<80xi32, #tpu.memory_space<hbm>>) target(%dma_start3A_51 : memref<80xi32, #tpu.memory_space<vmem>>) target_semaphore(%arg18 : memref<!tpu.dma_semaphore, #tpu.memory_space<semaphore_mem>>)
    %dma_start3A_55 = arith.constant 2 : i32
    %dma_start3A_56 = arith.constant 2 : i32
    %dma_start3A_57 = arith.constant 0 : i32
    %dma_start3A_58 = tpu.memref_slice %arg6[%dma_start3A_56, %dma_start3A_57] : memref<4x80xi32, #tpu.memory_space<vmem>> -> memref<1x80xi32, #tpu.memory_space<vmem>>
    %dma_start3A_59 = tpu.memref_squeeze %dma_start3A_58 : memref<1x80xi32, #tpu.memory_space<vmem>> -> memref<80xi32, #tpu.memory_space<vmem>>
    %dma_start3A_60 = arith.constant 0 : i32
    %dma_start3A_61 = tpu.memref_slice %arg3[%arg1, %dma_start3A_55, %dma_start3A_60] : memref<16x128x80xi32, #tpu.memory_space<hbm>> -> memref<1x1x80xi32, #tpu.memory_space<hbm>>
    %dma_start3A_62 = tpu.memref_squeeze %dma_start3A_61 : memref<1x1x80xi32, #tpu.memory_space<hbm>> -> memref<80xi32, #tpu.memory_space<hbm>>
    %dma_start3A_63 = arith.constant 0 : i32
    %dma_start3A_64 = tpu.memref_slice %arg6[%dma_start3A_56, %dma_start3A_63] : memref<4x80xi32, #tpu.memory_space<vmem>> -> memref<1x80xi32, #tpu.memory_space<vmem>>
    %dma_start3A_65 = tpu.memref_squeeze %dma_start3A_64 : memref<1x80xi32, #tpu.memory_space<vmem>> -> memref<80xi32, #tpu.memory_space<vmem>>
    %dma_start3A_66 = arith.constant 0 : i32
    %dma_start3A_67 = tpu.memref_slice %arg3[%arg1, %dma_start3A_55, %dma_start3A_66] : memref<16x128x80xi32, #tpu.memory_space<hbm>> -> memref<1x1x80xi32, #tpu.memory_space<hbm>>
    %dma_start3A_68 = tpu.memref_squeeze %dma_start3A_67 : memref<1x1x80xi32, #tpu.memory_space<hbm>> -> memref<80xi32, #tpu.memory_space<hbm>>
    tpu.enqueue_dma source(%dma_start3A_68 : memref<80xi32, #tpu.memory_space<hbm>>) target(%dma_start3A_65 : memref<80xi32, #tpu.memory_space<vmem>>) target_semaphore(%arg15 : memref<!tpu.dma_semaphore, #tpu.memory_space<semaphore_mem>>)
    %dma_start3A_69 = arith.constant 2 : i32
    %dma_start3A_70 = arith.constant 2 : i32
    %dma_start3A_71 = arith.constant 0 : i32
    %dma_start3A_72 = tpu.memref_slice %arg7[%dma_start3A_70, %dma_start3A_71] : memref<4x80xi32, #tpu.memory_space<vmem>> -> memref<1x80xi32, #tpu.memory_space<vmem>>
    %dma_start3A_73 = tpu.memref_squeeze %dma_start3A_72 : memref<1x80xi32, #tpu.memory_space<vmem>> -> memref<80xi32, #tpu.memory_space<vmem>>
    %dma_start3A_74 = arith.constant 0 : i32
    %dma_start3A_75 = tpu.memref_slice %arg4[%arg1, %dma_start3A_69, %dma_start3A_74] : memref<16x128x80xi32, #tpu.memory_space<hbm>> -> memref<1x1x80xi32, #tpu.memory_space<hbm>>
    %dma_start3A_76 = tpu.memref_squeeze %dma_start3A_75 : memref<1x1x80xi32, #tpu.memory_space<hbm>> -> memref<80xi32, #tpu.memory_space<hbm>>
    %dma_start3A_77 = arith.constant 0 : i32
    %dma_start3A_78 = tpu.memref_slice %arg7[%dma_start3A_70, %dma_start3A_77] : memref<4x80xi32, #tpu.memory_space<vmem>> -> memref<1x80xi32, #tpu.memory_space<vmem>>
    %dma_start3A_79 = tpu.memref_squeeze %dma_start3A_78 : memref<1x80xi32, #tpu.memory_space<vmem>> -> memref<80xi32, #tpu.memory_space<vmem>>
    %dma_start3A_80 = arith.constant 0 : i32
    %dma_start3A_81 = tpu.memref_slice %arg4[%arg1, %dma_start3A_69, %dma_start3A_80] : memref<16x128x80xi32, #tpu.memory_space<hbm>> -> memref<1x1x80xi32, #tpu.memory_space<hbm>>
    %dma_start3A_82 = tpu.memref_squeeze %dma_start3A_81 : memref<1x1x80xi32, #tpu.memory_space<hbm>> -> memref<80xi32, #tpu.memory_space<hbm>>
    tpu.enqueue_dma source(%dma_start3A_82 : memref<80xi32, #tpu.memory_space<hbm>>) target(%dma_start3A_79 : memref<80xi32, #tpu.memory_space<vmem>>) target_semaphore(%arg19 : memref<!tpu.dma_semaphore, #tpu.memory_space<semaphore_mem>>)
    %dma_start3A_83 = arith.constant 3 : i32
    %dma_start3A_84 = arith.constant 3 : i32
    %dma_start3A_85 = arith.constant 0 : i32
    %dma_start3A_86 = tpu.memref_slice %arg6[%dma_start3A_84, %dma_start3A_85] : memref<4x80xi32, #tpu.memory_space<vmem>> -> memref<1x80xi32, #tpu.memory_space<vmem>>
    %dma_start3A_87 = tpu.memref_squeeze %dma_start3A_86 : memref<1x80xi32, #tpu.memory_space<vmem>> -> memref<80xi32, #tpu.memory_space<vmem>>
    %dma_start3A_88 = arith.constant 0 : i32
    %dma_start3A_89 = tpu.memref_slice %arg3[%arg1, %dma_start3A_83, %dma_start3A_88] : memref<16x128x80xi32, #tpu.memory_space<hbm>> -> memref<1x1x80xi32, #tpu.memory_space<hbm>>
    %dma_start3A_90 = tpu.memref_squeeze %dma_start3A_89 : memref<1x1x80xi32, #tpu.memory_space<hbm>> -> memref<80xi32, #tpu.memory_space<hbm>>
    %dma_start3A_91 = arith.constant 0 : i32
    %dma_start3A_92 = tpu.memref_slice %arg6[%dma_start3A_84, %dma_start3A_91] : memref<4x80xi32, #tpu.memory_space<vmem>> -> memref<1x80xi32, #tpu.memory_space<vmem>>
    %dma_start3A_93 = tpu.memref_squeeze %dma_start3A_92 : memref<1x80xi32, #tpu.memory_space<vmem>> -> memref<80xi32, #tpu.memory_space<vmem>>
    %dma_start3A_94 = arith.constant 0 : i32
    %dma_start3A_95 = tpu.memref_slice %arg3[%arg1, %dma_start3A_83, %dma_start3A_94] : memref<16x128x80xi32, #tpu.memory_space<hbm>> -> memref<1x1x80xi32, #tpu.memory_space<hbm>>
    %dma_start3A_96 = tpu.memref_squeeze %dma_start3A_95 : memref<1x1x80xi32, #tpu.memory_space<hbm>> -> memref<80xi32, #tpu.memory_space<hbm>>
    tpu.enqueue_dma source(%dma_start3A_96 : memref<80xi32, #tpu.memory_space<hbm>>) target(%dma_start3A_93 : memref<80xi32, #tpu.memory_space<vmem>>) target_semaphore(%arg16 : memref<!tpu.dma_semaphore, #tpu.memory_space<semaphore_mem>>)
    %dma_start3A_97 = arith.constant 3 : i32
    %dma_start3A_98 = arith.constant 3 : i32
    %dma_start3A_99 = arith.constant 0 : i32
    %dma_start3A_100 = tpu.memref_slice %arg7[%dma_start3A_98, %dma_start3A_99] : memref<4x80xi32, #tpu.memory_space<vmem>> -> memref<1x80xi32, #tpu.memory_space<vmem>>
    %dma_start3A_101 = tpu.memref_squeeze %dma_start3A_100 : memref<1x80xi32, #tpu.memory_space<vmem>> -> memref<80xi32, #tpu.memory_space<vmem>>
    %dma_start3A_102 = arith.constant 0 : i32
    %dma_start3A_103 = tpu.memref_slice %arg4[%arg1, %dma_start3A_97, %dma_start3A_102] : memref<16x128x80xi32, #tpu.memory_space<hbm>> -> memref<1x1x80xi32, #tpu.memory_space<hbm>>
    %dma_start3A_104 = tpu.memref_squeeze %dma_start3A_103 : memref<1x1x80xi32, #tpu.memory_space<hbm>> -> memref<80xi32, #tpu.memory_space<hbm>>
    %dma_start3A_105 = arith.constant 0 : i32
    %dma_start3A_106 = tpu.memref_slice %arg7[%dma_start3A_98, %dma_start3A_105] : memref<4x80xi32, #tpu.memory_space<vmem>> -> memref<1x80xi32, #tpu.memory_space<vmem>>
    %dma_start3A_107 = tpu.memref_squeeze %dma_start3A_106 : memref<1x80xi32, #tpu.memory_space<vmem>> -> memref<80xi32, #tpu.memory_space<vmem>>
    %dma_start3A_108 = arith.constant 0 : i32
    %dma_start3A_109 = tpu.memref_slice %arg4[%arg1, %dma_start3A_97, %dma_start3A_108] : memref<16x128x80xi32, #tpu.memory_space<hbm>> -> memref<1x1x80xi32, #tpu.memory_space<hbm>>
    %dma_start3A_110 = tpu.memref_squeeze %dma_start3A_109 : memref<1x1x80xi32, #tpu.memory_space<hbm>> -> memref<80xi32, #tpu.memory_space<hbm>>
    tpu.enqueue_dma source(%dma_start3A_110 : memref<80xi32, #tpu.memory_space<hbm>>) target(%dma_start3A_107 : memref<80xi32, #tpu.memory_space<vmem>>) target_semaphore(%arg20 : memref<!tpu.dma_semaphore, #tpu.memory_space<semaphore_mem>>)
    %scan3A = arith.constant 0 : i32
    %scan3A_111 = arith.constant 0 : i32
    %scan3A_112 = arith.constant 80 : i32
    %scan3A_113 = arith.addi %scan3A_111, %scan3A_112 : i32
    %scan3A_114 = arith.constant 1 : i32
    scf.for %scan3A_231 = %scan3A_111 to %scan3A_113 step %scan3A_114  : i32 {
      %broadcast_in_dim3A = arith.constant 0.000000e+00 : f32
      %broadcast_in_dim3A_232 = vector.broadcast %broadcast_in_dim3A : f32 to vector<16xf32>
      %swap3A = arith.index_cast %scan3A_231 : i32 to index
      %swap3A_233 = arith.constant 0 : index
      %swap3A_234 = tpu.vector_load %arg8[%swap3A, %swap3A_233] {strides = array<i32>} : memref<80x128xf32, #tpu.memory_space<vmem>>, vector<1x16xf32>,
      %swap3A_235 = vector.shape_cast %swap3A_234 : vector<1x16xf32> to vector<16xf32>
      %swap3A_236 = vector.shape_cast %broadcast_in_dim3A_232 : vector<16xf32> to vector<1x16xf32>
      tpu.vector_store %arg8[%swap3A, %swap3A_233], %swap3A_236 {strides = array<i32>} : memref<80x128xf32, #tpu.memory_space<vmem>>, vector<1x16xf32>,
      %swap3A_237 = arith.index_cast %scan3A_231 : i32 to index
      %swap3A_238 = arith.constant 16 : index
      %swap3A_239 = tpu.vector_load %arg8[%swap3A_237, %swap3A_238] {strides = array<i32>} : memref<80x128xf32, #tpu.memory_space<vmem>>, vector<1x16xf32>,
      %swap3A_240 = vector.shape_cast %swap3A_239 : vector<1x16xf32> to vector<16xf32>
      %swap3A_241 = vector.shape_cast %broadcast_in_dim3A_232 : vector<16xf32> to vector<1x16xf32>
      tpu.vector_store %arg8[%swap3A_237, %swap3A_238], %swap3A_241 {strides = array<i32>} : memref<80x128xf32, #tpu.memory_space<vmem>>, vector<1x16xf32>,
      %swap3A_242 = arith.index_cast %scan3A_231 : i32 to index
      %swap3A_243 = arith.constant 32 : index
      %swap3A_244 = tpu.vector_load %arg8[%swap3A_242, %swap3A_243] {strides = array<i32>} : memref<80x128xf32, #tpu.memory_space<vmem>>, vector<1x16xf32>,
      %swap3A_245 = vector.shape_cast %swap3A_244 : vector<1x16xf32> to vector<16xf32>
      %swap3A_246 = vector.shape_cast %broadcast_in_dim3A_232 : vector<16xf32> to vector<1x16xf32>
      tpu.vector_store %arg8[%swap3A_242, %swap3A_243], %swap3A_246 {strides = array<i32>} : memref<80x128xf32, #tpu.memory_space<vmem>>, vector<1x16xf32>,
      %swap3A_247 = arith.index_cast %scan3A_231 : i32 to index
      %swap3A_248 = arith.constant 48 : index
      %swap3A_249 = tpu.vector_load %arg8[%swap3A_247, %swap3A_248] {strides = array<i32>} : memref<80x128xf32, #tpu.memory_space<vmem>>, vector<1x16xf32>,
      %swap3A_250 = vector.shape_cast %swap3A_249 : vector<1x16xf32> to vector<16xf32>
      %swap3A_251 = vector.shape_cast %broadcast_in_dim3A_232 : vector<16xf32> to vector<1x16xf32>
      tpu.vector_store %arg8[%swap3A_247, %swap3A_248], %swap3A_251 {strides = array<i32>} : memref<80x128xf32, #tpu.memory_space<vmem>>, vector<1x16xf32>,
      %swap3A_252 = arith.index_cast %scan3A_231 : i32 to index
      %swap3A_253 = arith.constant 64 : index
      %swap3A_254 = tpu.vector_load %arg8[%swap3A_252, %swap3A_253] {strides = array<i32>} : memref<80x128xf32, #tpu.memory_space<vmem>>, vector<1x16xf32>,
      %swap3A_255 = vector.shape_cast %swap3A_254 : vector<1x16xf32> to vector<16xf32>
      %swap3A_256 = vector.shape_cast %broadcast_in_dim3A_232 : vector<16xf32> to vector<1x16xf32>
      tpu.vector_store %arg8[%swap3A_252, %swap3A_253], %swap3A_256 {strides = array<i32>} : memref<80x128xf32, #tpu.memory_space<vmem>>, vector<1x16xf32>,
      %swap3A_257 = arith.index_cast %scan3A_231 : i32 to index
      %swap3A_258 = arith.constant 80 : index
      %swap3A_259 = tpu.vector_load %arg8[%swap3A_257, %swap3A_258] {strides = array<i32>} : memref<80x128xf32, #tpu.memory_space<vmem>>, vector<1x16xf32>,
      %swap3A_260 = vector.shape_cast %swap3A_259 : vector<1x16xf32> to vector<16xf32>
      %swap3A_261 = vector.shape_cast %broadcast_in_dim3A_232 : vector<16xf32> to vector<1x16xf32>
      tpu.vector_store %arg8[%swap3A_257, %swap3A_258], %swap3A_261 {strides = array<i32>} : memref<80x128xf32, #tpu.memory_space<vmem>>, vector<1x16xf32>,
      %swap3A_262 = arith.index_cast %scan3A_231 : i32 to index
      %swap3A_263 = arith.constant 96 : index
      %swap3A_264 = tpu.vector_load %arg8[%swap3A_262, %swap3A_263] {strides = array<i32>} : memref<80x128xf32, #tpu.memory_space<vmem>>, vector<1x16xf32>,
      %swap3A_265 = vector.shape_cast %swap3A_264 : vector<1x16xf32> to vector<16xf32>
      %swap3A_266 = vector.shape_cast %broadcast_in_dim3A_232 : vector<16xf32> to vector<1x16xf32>
      tpu.vector_store %arg8[%swap3A_262, %swap3A_263], %swap3A_266 {strides = array<i32>} : memref<80x128xf32, #tpu.memory_space<vmem>>, vector<1x16xf32>,
      %swap3A_267 = arith.index_cast %scan3A_231 : i32 to index
      %swap3A_268 = arith.constant 112 : index
      %swap3A_269 = tpu.vector_load %arg8[%swap3A_267, %swap3A_268] {strides = array<i32>} : memref<80x128xf32, #tpu.memory_space<vmem>>, vector<1x16xf32>,
      %swap3A_270 = vector.shape_cast %swap3A_269 : vector<1x16xf32> to vector<16xf32>
      %swap3A_271 = vector.shape_cast %broadcast_in_dim3A_232 : vector<16xf32> to vector<1x16xf32>
      tpu.vector_store %arg8[%swap3A_267, %swap3A_268], %swap3A_271 {strides = array<i32>} : memref<80x128xf32, #tpu.memory_space<vmem>>, vector<1x16xf32>,
    }
    %scan3A_115 = arith.constant 80 : i32
    %mul3A = arith.constant 640 : i32
    %mul3A_116 = arith.muli %arg1, %mul3A : i32
    %add3A = arith.constant 0 : i32
    %add3A_117 = arith.addi %mul3A_116, %add3A : i32
    "tpu.region"() ({
      %run_scoped3A = tpu.sem_alloc : memref<!tpu.dma_semaphore, #tpu.memory_space<semaphore_mem>>
      %dma_start3A_231 = arith.constant 0 : i32
      %dma_start3A_232 = tpu.memref_slice %arg12[%add3A_117, %dma_start3A_231] : memref<10240x128xf32, #tpu.memory_space<vmem_shared>> -> memref<80x128xf32, #tpu.memory_space<vmem_shared>>
      %dma_start3A_233 = arith.constant 0 : i32
      %dma_start3A_234 = tpu.memref_slice %arg12[%add3A_117, %dma_start3A_233] : memref<10240x128xf32, #tpu.memory_space<vmem_shared>> -> memref<80x128xf32, #tpu.memory_space<vmem_shared>>
      tpu.enqueue_dma source(%arg8 : memref<80x128xf32, #tpu.memory_space<vmem>>) target(%dma_start3A_234 : memref<80x128xf32, #tpu.memory_space<vmem_shared>>) target_semaphore(%run_scoped3A : memref<!tpu.dma_semaphore, #tpu.memory_space<semaphore_mem>>)
      %dma_wait3A_235 = arith.constant 0 : i32
      %dma_wait3A_236 = tpu.memref_slice %arg12[%add3A_117, %dma_wait3A_235] : memref<10240x128xf32, #tpu.memory_space<vmem_shared>> -> memref<80x128xf32, #tpu.memory_space<vmem_shared>>
      %dma_wait3A_237 = arith.constant 0 : i32
      %dma_wait3A_238 = tpu.memref_slice %arg12[%add3A_117, %dma_wait3A_237] : memref<10240x128xf32, #tpu.memory_space<vmem_shared>> -> memref<80x128xf32, #tpu.memory_space<vmem_shared>>
      tpu.wait_dma2 semaphore(%run_scoped3A : memref<!tpu.dma_semaphore, #tpu.memory_space<semaphore_mem>>) src(%arg8 : memref<80x128xf32, #tpu.memory_space<vmem>>) dst(%dma_wait3A_238 : memref<80x128xf32, #tpu.memory_space<vmem_shared>>)
      tpu.yield
    }) : () -> ()
    %mul3A_118 = arith.constant 640 : i32
    %mul3A_119 = arith.muli %arg1, %mul3A_118 : i32
    %add3A_120 = arith.constant 80 : i32
    %add3A_121 = arith.addi %mul3A_119, %add3A_120 : i32
    "tpu.region"() ({
      %run_scoped3A = tpu.sem_alloc : memref<!tpu.dma_semaphore, #tpu.memory_space<semaphore_mem>>
      %dma_start3A_231 = arith.constant 0 : i32
      %dma_start3A_232 = tpu.memref_slice %arg12[%add3A_121, %dma_start3A_231] : memref<10240x128xf32, #tpu.memory_space<vmem_shared>> -> memref<80x128xf32, #tpu.memory_space<vmem_shared>>
      %dma_start3A_233 = arith.constant 0 : i32
      %dma_start3A_234 = tpu.memref_slice %arg12[%add3A_121, %dma_start3A_233] : memref<10240x128xf32, #tpu.memory_space<vmem_shared>> -> memref<80x128xf32, #tpu.memory_space<vmem_shared>>
      tpu.enqueue_dma source(%arg8 : memref<80x128xf32, #tpu.memory_space<vmem>>) target(%dma_start3A_234 : memref<80x128xf32, #tpu.memory_space<vmem_shared>>) target_semaphore(%run_scoped3A : memref<!tpu.dma_semaphore, #tpu.memory_space<semaphore_mem>>)
      %dma_wait3A_235 = arith.constant 0 : i32
      %dma_wait3A_236 = tpu.memref_slice %arg12[%add3A_121, %dma_wait3A_235] : memref<10240x128xf32, #tpu.memory_space<vmem_shared>> -> memref<80x128xf32, #tpu.memory_space<vmem_shared>>
      %dma_wait3A_237 = arith.constant 0 : i32
      %dma_wait3A_238 = tpu.memref_slice %arg12[%add3A_121, %dma_wait3A_237] : memref<10240x128xf32, #tpu.memory_space<vmem_shared>> -> memref<80x128xf32, #tpu.memory_space<vmem_shared>>
      tpu.wait_dma2 semaphore(%run_scoped3A : memref<!tpu.dma_semaphore, #tpu.memory_space<semaphore_mem>>) src(%arg8 : memref<80x128xf32, #tpu.memory_space<vmem>>) dst(%dma_wait3A_238 : memref<80x128xf32, #tpu.memory_space<vmem_shared>>)
      tpu.yield
    }) : () -> ()
    %mul3A_122 = arith.constant 640 : i32
    %mul3A_123 = arith.muli %arg1, %mul3A_122 : i32
    %add3A_124 = arith.constant 160 : i32
    %add3A_125 = arith.addi %mul3A_123, %add3A_124 : i32
    "tpu.region"() ({
      %run_scoped3A = tpu.sem_alloc : memref<!tpu.dma_semaphore, #tpu.memory_space<semaphore_mem>>
      %dma_start3A_231 = arith.constant 0 : i32
      %dma_start3A_232 = tpu.memref_slice %arg12[%add3A_125, %dma_start3A_231] : memref<10240x128xf32, #tpu.memory_space<vmem_shared>> -> memref<80x128xf32, #tpu.memory_space<vmem_shared>>
      %dma_start3A_233 = arith.constant 0 : i32
      %dma_start3A_234 = tpu.memref_slice %arg12[%add3A_125, %dma_start3A_233] : memref<10240x128xf32, #tpu.memory_space<vmem_shared>> -> memref<80x128xf32, #tpu.memory_space<vmem_shared>>
      tpu.enqueue_dma source(%arg8 : memref<80x128xf32, #tpu.memory_space<vmem>>) target(%dma_start3A_234 : memref<80x128xf32, #tpu.memory_space<vmem_shared>>) target_semaphore(%run_scoped3A : memref<!tpu.dma_semaphore, #tpu.memory_space<semaphore_mem>>)
      %dma_wait3A_235 = arith.constant 0 : i32
      %dma_wait3A_236 = tpu.memref_slice %arg12[%add3A_125, %dma_wait3A_235] : memref<10240x128xf32, #tpu.memory_space<vmem_shared>> -> memref<80x128xf32, #tpu.memory_space<vmem_shared>>
      %dma_wait3A_237 = arith.constant 0 : i32
      %dma_wait3A_238 = tpu.memref_slice %arg12[%add3A_125, %dma_wait3A_237] : memref<10240x128xf32, #tpu.memory_space<vmem_shared>> -> memref<80x128xf32, #tpu.memory_space<vmem_shared>>
      tpu.wait_dma2 semaphore(%run_scoped3A : memref<!tpu.dma_semaphore, #tpu.memory_space<semaphore_mem>>) src(%arg8 : memref<80x128xf32, #tpu.memory_space<vmem>>) dst(%dma_wait3A_238 : memref<80x128xf32, #tpu.memory_space<vmem_shared>>)
      tpu.yield
    }) : () -> ()
    %mul3A_126 = arith.constant 640 : i32
    %mul3A_127 = arith.muli %arg1, %mul3A_126 : i32
    %add3A_128 = arith.constant 240 : i32
    %add3A_129 = arith.addi %mul3A_127, %add3A_128 : i32
    "tpu.region"() ({
      %run_scoped3A = tpu.sem_alloc : memref<!tpu.dma_semaphore, #tpu.memory_space<semaphore_mem>>
      %dma_start3A_231 = arith.constant 0 : i32
      %dma_start3A_232 = tpu.memref_slice %arg12[%add3A_129, %dma_start3A_231] : memref<10240x128xf32, #tpu.memory_space<vmem_shared>> -> memref<80x128xf32, #tpu.memory_space<vmem_shared>>
      %dma_start3A_233 = arith.constant 0 : i32
      %dma_start3A_234 = tpu.memref_slice %arg12[%add3A_129, %dma_start3A_233] : memref<10240x128xf32, #tpu.memory_space<vmem_shared>> -> memref<80x128xf32, #tpu.memory_space<vmem_shared>>
      tpu.enqueue_dma source(%arg8 : memref<80x128xf32, #tpu.memory_space<vmem>>) target(%dma_start3A_234 : memref<80x128xf32, #tpu.memory_space<vmem_shared>>) target_semaphore(%run_scoped3A : memref<!tpu.dma_semaphore, #tpu.memory_space<semaphore_mem>>)
      %dma_wait3A_235 = arith.constant 0 : i32
      %dma_wait3A_236 = tpu.memref_slice %arg12[%add3A_129, %dma_wait3A_235] : memref<10240x128xf32, #tpu.memory_space<vmem_shared>> -> memref<80x128xf32, #tpu.memory_space<vmem_shared>>
      %dma_wait3A_237 = arith.constant 0 : i32
      %dma_wait3A_238 = tpu.memref_slice %arg12[%add3A_129, %dma_wait3A_237] : memref<10240x128xf32, #tpu.memory_space<vmem_shared>> -> memref<80x128xf32, #tpu.memory_space<vmem_shared>>
      tpu.wait_dma2 semaphore(%run_scoped3A : memref<!tpu.dma_semaphore, #tpu.memory_space<semaphore_mem>>) src(%arg8 : memref<80x128xf32, #tpu.memory_space<vmem>>) dst(%dma_wait3A_238 : memref<80x128xf32, #tpu.memory_space<vmem_shared>>)
      tpu.yield
    }) : () -> ()
    %mul3A_130 = arith.constant 640 : i32
    %mul3A_131 = arith.muli %arg1, %mul3A_130 : i32
    %add3A_132 = arith.constant 320 : i32
    %add3A_133 = arith.addi %mul3A_131, %add3A_132 : i32
    "tpu.region"() ({
      %run_scoped3A = tpu.sem_alloc : memref<!tpu.dma_semaphore, #tpu.memory_space<semaphore_mem>>
      %dma_start3A_231 = arith.constant 0 : i32
      %dma_start3A_232 = tpu.memref_slice %arg12[%add3A_133, %dma_start3A_231] : memref<10240x128xf32, #tpu.memory_space<vmem_shared>> -> memref<80x128xf32, #tpu.memory_space<vmem_shared>>
      %dma_start3A_233 = arith.constant 0 : i32
      %dma_start3A_234 = tpu.memref_slice %arg12[%add3A_133, %dma_start3A_233] : memref<10240x128xf32, #tpu.memory_space<vmem_shared>> -> memref<80x128xf32, #tpu.memory_space<vmem_shared>>
      tpu.enqueue_dma source(%arg8 : memref<80x128xf32, #tpu.memory_space<vmem>>) target(%dma_start3A_234 : memref<80x128xf32, #tpu.memory_space<vmem_shared>>) target_semaphore(%run_scoped3A : memref<!tpu.dma_semaphore, #tpu.memory_space<semaphore_mem>>)
      %dma_wait3A_235 = arith.constant 0 : i32
      %dma_wait3A_236 = tpu.memref_slice %arg12[%add3A_133, %dma_wait3A_235] : memref<10240x128xf32, #tpu.memory_space<vmem_shared>> -> memref<80x128xf32, #tpu.memory_space<vmem_shared>>
      %dma_wait3A_237 = arith.constant 0 : i32
      %dma_wait3A_238 = tpu.memref_slice %arg12[%add3A_133, %dma_wait3A_237] : memref<10240x128xf32, #tpu.memory_space<vmem_shared>> -> memref<80x128xf32, #tpu.memory_space<vmem_shared>>
      tpu.wait_dma2 semaphore(%run_scoped3A : memref<!tpu.dma_semaphore, #tpu.memory_space<semaphore_mem>>) src(%arg8 : memref<80x128xf32, #tpu.memory_space<vmem>>) dst(%dma_wait3A_238 : memref<80x128xf32, #tpu.memory_space<vmem_shared>>)
      tpu.yield
    }) : () -> ()
    %mul3A_134 = arith.constant 640 : i32
    %mul3A_135 = arith.muli %arg1, %mul3A_134 : i32
    %add3A_136 = arith.constant 400 : i32
    %add3A_137 = arith.addi %mul3A_135, %add3A_136 : i32
    "tpu.region"() ({
      %run_scoped3A = tpu.sem_alloc : memref<!tpu.dma_semaphore, #tpu.memory_space<semaphore_mem>>
      %dma_start3A_231 = arith.constant 0 : i32
      %dma_start3A_232 = tpu.memref_slice %arg12[%add3A_137, %dma_start3A_231] : memref<10240x128xf32, #tpu.memory_space<vmem_shared>> -> memref<80x128xf32, #tpu.memory_space<vmem_shared>>
      %dma_start3A_233 = arith.constant 0 : i32
      %dma_start3A_234 = tpu.memref_slice %arg12[%add3A_137, %dma_start3A_233] : memref<10240x128xf32, #tpu.memory_space<vmem_shared>> -> memref<80x128xf32, #tpu.memory_space<vmem_shared>>
      tpu.enqueue_dma source(%arg8 : memref<80x128xf32, #tpu.memory_space<vmem>>) target(%dma_start3A_234 : memref<80x128xf32, #tpu.memory_space<vmem_shared>>) target_semaphore(%run_scoped3A : memref<!tpu.dma_semaphore, #tpu.memory_space<semaphore_mem>>)
      %dma_wait3A_235 = arith.constant 0 : i32
      %dma_wait3A_236 = tpu.memref_slice %arg12[%add3A_137, %dma_wait3A_235] : memref<10240x128xf32, #tpu.memory_space<vmem_shared>> -> memref<80x128xf32, #tpu.memory_space<vmem_shared>>
      %dma_wait3A_237 = arith.constant 0 : i32
      %dma_wait3A_238 = tpu.memref_slice %arg12[%add3A_137, %dma_wait3A_237] : memref<10240x128xf32, #tpu.memory_space<vmem_shared>> -> memref<80x128xf32, #tpu.memory_space<vmem_shared>>
      tpu.wait_dma2 semaphore(%run_scoped3A : memref<!tpu.dma_semaphore, #tpu.memory_space<semaphore_mem>>) src(%arg8 : memref<80x128xf32, #tpu.memory_space<vmem>>) dst(%dma_wait3A_238 : memref<80x128xf32, #tpu.memory_space<vmem_shared>>)
      tpu.yield
    }) : () -> ()
    %mul3A_138 = arith.constant 640 : i32
    %mul3A_139 = arith.muli %arg1, %mul3A_138 : i32
    %add3A_140 = arith.constant 480 : i32
    %add3A_141 = arith.addi %mul3A_139, %add3A_140 : i32
    "tpu.region"() ({
      %run_scoped3A = tpu.sem_alloc : memref<!tpu.dma_semaphore, #tpu.memory_space<semaphore_mem>>
      %dma_start3A_231 = arith.constant 0 : i32
      %dma_start3A_232 = tpu.memref_slice %arg12[%add3A_141, %dma_start3A_231] : memref<10240x128xf32, #tpu.memory_space<vmem_shared>> -> memref<80x128xf32, #tpu.memory_space<vmem_shared>>
      %dma_start3A_233 = arith.constant 0 : i32
      %dma_start3A_234 = tpu.memref_slice %arg12[%add3A_141, %dma_start3A_233] : memref<10240x128xf32, #tpu.memory_space<vmem_shared>> -> memref<80x128xf32, #tpu.memory_space<vmem_shared>>
      tpu.enqueue_dma source(%arg8 : memref<80x128xf32, #tpu.memory_space<vmem>>) target(%dma_start3A_234 : memref<80x128xf32, #tpu.memory_space<vmem_shared>>) target_semaphore(%run_scoped3A : memref<!tpu.dma_semaphore, #tpu.memory_space<semaphore_mem>>)
      %dma_wait3A_235 = arith.constant 0 : i32
      %dma_wait3A_236 = tpu.memref_slice %arg12[%add3A_141, %dma_wait3A_235] : memref<10240x128xf32, #tpu.memory_space<vmem_shared>> -> memref<80x128xf32, #tpu.memory_space<vmem_shared>>
      %dma_wait3A_237 = arith.constant 0 : i32
      %dma_wait3A_238 = tpu.memref_slice %arg12[%add3A_141, %dma_wait3A_237] : memref<10240x128xf32, #tpu.memory_space<vmem_shared>> -> memref<80x128xf32, #tpu.memory_space<vmem_shared>>
      tpu.wait_dma2 semaphore(%run_scoped3A : memref<!tpu.dma_semaphore, #tpu.memory_space<semaphore_mem>>) src(%arg8 : memref<80x128xf32, #tpu.memory_space<vmem>>) dst(%dma_wait3A_238 : memref<80x128xf32, #tpu.memory_space<vmem_shared>>)
      tpu.yield
    }) : () -> ()
    %mul3A_142 = arith.constant 640 : i32
    %mul3A_143 = arith.muli %arg1, %mul3A_142 : i32
    %add3A_144 = arith.constant 560 : i32
    %add3A_145 = arith.addi %mul3A_143, %add3A_144 : i32
    "tpu.region"() ({
      %run_scoped3A = tpu.sem_alloc : memref<!tpu.dma_semaphore, #tpu.memory_space<semaphore_mem>>
      %dma_start3A_231 = arith.constant 0 : i32
      %dma_start3A_232 = tpu.memref_slice %arg12[%add3A_145, %dma_start3A_231] : memref<10240x128xf32, #tpu.memory_space<vmem_shared>> -> memref<80x128xf32, #tpu.memory_space<vmem_shared>>
      %dma_start3A_233 = arith.constant 0 : i32
      %dma_start3A_234 = tpu.memref_slice %arg12[%add3A_145, %dma_start3A_233] : memref<10240x128xf32, #tpu.memory_space<vmem_shared>> -> memref<80x128xf32, #tpu.memory_space<vmem_shared>>
      tpu.enqueue_dma source(%arg8 : memref<80x128xf32, #tpu.memory_space<vmem>>) target(%dma_start3A_234 : memref<80x128xf32, #tpu.memory_space<vmem_shared>>) target_semaphore(%run_scoped3A : memref<!tpu.dma_semaphore, #tpu.memory_space<semaphore_mem>>)
      %dma_wait3A_235 = arith.constant 0 : i32
      %dma_wait3A_236 = tpu.memref_slice %arg12[%add3A_145, %dma_wait3A_235] : memref<10240x128xf32, #tpu.memory_space<vmem_shared>> -> memref<80x128xf32, #tpu.memory_space<vmem_shared>>
      %dma_wait3A_237 = arith.constant 0 : i32
      %dma_wait3A_238 = tpu.memref_slice %arg12[%add3A_145, %dma_wait3A_237] : memref<10240x128xf32, #tpu.memory_space<vmem_shared>> -> memref<80x128xf32, #tpu.memory_space<vmem_shared>>
      tpu.wait_dma2 semaphore(%run_scoped3A : memref<!tpu.dma_semaphore, #tpu.memory_space<semaphore_mem>>) src(%arg8 : memref<80x128xf32, #tpu.memory_space<vmem>>) dst(%dma_wait3A_238 : memref<80x128xf32, #tpu.memory_space<vmem_shared>>)
      tpu.yield
    }) : () -> ()
    %barrier3A = arith.constant 0 : index
    tpu.barrier barrier_id(%barrier3A)
    %dma_wait3A = arith.constant 0 : i32
    %dma_wait3A_146 = arith.constant 0 : i32
    %dma_wait3A_147 = arith.constant 0 : i32
    %dma_wait3A_148 = tpu.memref_slice %arg6[%dma_wait3A_146, %dma_wait3A_147] : memref<4x80xi32, #tpu.memory_space<vmem>> -> memref<1x80xi32, #tpu.memory_space<vmem>>
    %dma_wait3A_149 = tpu.memref_squeeze %dma_wait3A_148 : memref<1x80xi32, #tpu.memory_space<vmem>> -> memref<80xi32, #tpu.memory_space<vmem>>
    %dma_wait3A_150 = arith.constant 0 : i32
    %dma_wait3A_151 = tpu.memref_slice %arg3[%arg1, %dma_wait3A, %dma_wait3A_150] : memref<16x128x80xi32, #tpu.memory_space<hbm>> -> memref<1x1x80xi32, #tpu.memory_space<hbm>>
    %dma_wait3A_152 = tpu.memref_squeeze %dma_wait3A_151 : memref<1x1x80xi32, #tpu.memory_space<hbm>> -> memref<80xi32, #tpu.memory_space<hbm>>
    %dma_wait3A_153 = arith.constant 0 : i32
    %dma_wait3A_154 = tpu.memref_slice %arg6[%dma_wait3A_146, %dma_wait3A_153] : memref<4x80xi32, #tpu.memory_space<vmem>> -> memref<1x80xi32, #tpu.memory_space<vmem>>
    %dma_wait3A_155 = tpu.memref_squeeze %dma_wait3A_154 : memref<1x80xi32, #tpu.memory_space<vmem>> -> memref<80xi32, #tpu.memory_space<vmem>>
    %dma_wait3A_156 = arith.constant 0 : i32
    %dma_wait3A_157 = tpu.memref_slice %arg3[%arg1, %dma_wait3A, %dma_wait3A_156] : memref<16x128x80xi32, #tpu.memory_space<hbm>> -> memref<1x1x80xi32, #tpu.memory_space<hbm>>
    %dma_wait3A_158 = tpu.memref_squeeze %dma_wait3A_157 : memref<1x1x80xi32, #tpu.memory_space<hbm>> -> memref<80xi32, #tpu.memory_space<hbm>>
    tpu.wait_dma2 semaphore(%arg13 : memref<!tpu.dma_semaphore, #tpu.memory_space<semaphore_mem>>) src(%dma_wait3A_158 : memref<80xi32, #tpu.memory_space<hbm>>) dst(%dma_wait3A_155 : memref<80xi32, #tpu.memory_space<vmem>>)
    %dma_start3A_159 = arith.constant 0 : i32
    %dma_start3A_160 = arith.constant 0 : i32
    %dma_start3A_161 = tpu.memref_slice %arg6[%dma_start3A_159, %dma_start3A_160] : memref<4x80xi32, #tpu.memory_space<vmem>> -> memref<1x80xi32, #tpu.memory_space<vmem>>
    %dma_start3A_162 = tpu.memref_squeeze %dma_start3A_161 : memref<1x80xi32, #tpu.memory_space<vmem>> -> memref<80xi32, #tpu.memory_space<vmem>>
    %dma_start3A_163 = arith.constant 0 : i32
    %dma_start3A_164 = arith.constant 0 : i32
    %dma_start3A_165 = tpu.memref_slice %arg2[%arg0, %dma_start3A_163, %dma_start3A_164] : memref<2x10000x128xf32, #tpu.memory_space<hbm>> -> memref<1x10000x128xf32, #tpu.memory_space<hbm>>
    %dma_start3A_166 = tpu.memref_squeeze %dma_start3A_165 : memref<1x10000x128xf32, #tpu.memory_space<hbm>> -> memref<10000x128xf32, #tpu.memory_space<hbm>>
    %dma_start3A_167 = arith.constant 0 : i32
    %dma_start3A_168 = arith.constant 0 : i32
    %dma_start3A_169 = tpu.memref_slice %dma_start3A_166[%dma_start3A_167, %dma_start3A_168] : memref<10000x128xf32, #tpu.memory_space<hbm>> -> memref<10000x128xf32, #tpu.memory_space<hbm>>
    tpu.enqueue_indirect_dma source(%dma_start3A_169 : memref<10000x128xf32, #tpu.memory_space<hbm>>) target(%arg8 : memref<80x128xf32, #tpu.memory_space<vmem>>) offsets(%dma_start3A_162 : memref<80xi32, #tpu.memory_space<vmem>>) semaphore(%arg21 : memref<!tpu.dma_semaphore, #tpu.memory_space<semaphore_mem>>)
    %dma_wait3A_170 = arith.constant 1 : i32
    %dma_wait3A_171 = arith.constant 1 : i32
    %dma_wait3A_172 = arith.constant 0 : i32
    %dma_wait3A_173 = tpu.memref_slice %arg6[%dma_wait3A_171, %dma_wait3A_172] : memref<4x80xi32, #tpu.memory_space<vmem>> -> memref<1x80xi32, #tpu.memory_space<vmem>>
    %dma_wait3A_174 = tpu.memref_squeeze %dma_wait3A_173 : memref<1x80xi32, #tpu.memory_space<vmem>> -> memref<80xi32, #tpu.memory_space<vmem>>
    %dma_wait3A_175 = arith.constant 0 : i32
    %dma_wait3A_176 = tpu.memref_slice %arg3[%arg1, %dma_wait3A_170, %dma_wait3A_175] : memref<16x128x80xi32, #tpu.memory_space<hbm>> -> memref<1x1x80xi32, #tpu.memory_space<hbm>>
    %dma_wait3A_177 = tpu.memref_squeeze %dma_wait3A_176 : memref<1x1x80xi32, #tpu.memory_space<hbm>> -> memref<80xi32, #tpu.memory_space<hbm>>
    %dma_wait3A_178 = arith.constant 0 : i32
    %dma_wait3A_179 = tpu.memref_slice %arg6[%dma_wait3A_171, %dma_wait3A_178] : memref<4x80xi32, #tpu.memory_space<vmem>> -> memref<1x80xi32, #tpu.memory_space<vmem>>
    %dma_wait3A_180 = tpu.memref_squeeze %dma_wait3A_179 : memref<1x80xi32, #tpu.memory_space<vmem>> -> memref<80xi32, #tpu.memory_space<vmem>>
    %dma_wait3A_181 = arith.constant 0 : i32
    %dma_wait3A_182 = tpu.memref_slice %arg3[%arg1, %dma_wait3A_170, %dma_wait3A_181] : memref<16x128x80xi32, #tpu.memory_space<hbm>> -> memref<1x1x80xi32, #tpu.memory_space<hbm>>
    %dma_wait3A_183 = tpu.memref_squeeze %dma_wait3A_182 : memref<1x1x80xi32, #tpu.memory_space<hbm>> -> memref<80xi32, #tpu.memory_space<hbm>>
    tpu.wait_dma2 semaphore(%arg14 : memref<!tpu.dma_semaphore, #tpu.memory_space<semaphore_mem>>) src(%dma_wait3A_183 : memref<80xi32, #tpu.memory_space<hbm>>) dst(%dma_wait3A_180 : memref<80xi32, #tpu.memory_space<vmem>>)
    %dma_start3A_184 = arith.constant 1 : i32
    %dma_start3A_185 = arith.constant 0 : i32
    %dma_start3A_186 = tpu.memref_slice %arg6[%dma_start3A_184, %dma_start3A_185] : memref<4x80xi32, #tpu.memory_space<vmem>> -> memref<1x80xi32, #tpu.memory_space<vmem>>
    %dma_start3A_187 = tpu.memref_squeeze %dma_start3A_186 : memref<1x80xi32, #tpu.memory_space<vmem>> -> memref<80xi32, #tpu.memory_space<vmem>>
    %dma_start3A_188 = arith.constant 0 : i32
    %dma_start3A_189 = arith.constant 0 : i32
    %dma_start3A_190 = tpu.memref_slice %arg2[%arg0, %dma_start3A_188, %dma_start3A_189] : memref<2x10000x128xf32, #tpu.memory_space<hbm>> -> memref<1x10000x128xf32, #tpu.memory_space<hbm>>
    %dma_start3A_191 = tpu.memref_squeeze %dma_start3A_190 : memref<1x10000x128xf32, #tpu.memory_space<hbm>> -> memref<10000x128xf32, #tpu.memory_space<hbm>>
    %dma_start3A_192 = arith.constant 0 : i32
    %dma_start3A_193 = arith.constant 0 : i32
    %dma_start3A_194 = tpu.memref_slice %dma_start3A_191[%dma_start3A_192, %dma_start3A_193] : memref<10000x128xf32, #tpu.memory_space<hbm>> -> memref<10000x128xf32, #tpu.memory_space<hbm>>
    tpu.enqueue_indirect_dma source(%dma_start3A_194 : memref<10000x128xf32, #tpu.memory_space<hbm>>) target(%arg9 : memref<80x128xf32, #tpu.memory_space<vmem>>) offsets(%dma_start3A_187 : memref<80xi32, #tpu.memory_space<vmem>>) semaphore(%arg22 : memref<!tpu.dma_semaphore, #tpu.memory_space<semaphore_mem>>)
    %dma_wait3A_195 = arith.constant 2 : i32
    %dma_wait3A_196 = arith.constant 2 : i32
    %dma_wait3A_197 = arith.constant 0 : i32
    %dma_wait3A_198 = tpu.memref_slice %arg6[%dma_wait3A_196, %dma_wait3A_197] : memref<4x80xi32, #tpu.memory_space<vmem>> -> memref<1x80xi32, #tpu.memory_space<vmem>>
    %dma_wait3A_199 = tpu.memref_squeeze %dma_wait3A_198 : memref<1x80xi32, #tpu.memory_space<vmem>> -> memref<80xi32, #tpu.memory_space<vmem>>
    %dma_wait3A_200 = arith.constant 0 : i32
    %dma_wait3A_201 = tpu.memref_slice %arg3[%arg1, %dma_wait3A_195, %dma_wait3A_200] : memref<16x128x80xi32, #tpu.memory_space<hbm>> -> memref<1x1x80xi32, #tpu.memory_space<hbm>>
    %dma_wait3A_202 = tpu.memref_squeeze %dma_wait3A_201 : memref<1x1x80xi32, #tpu.memory_space<hbm>> -> memref<80xi32, #tpu.memory_space<hbm>>
    %dma_wait3A_203 = arith.constant 0 : i32
    %dma_wait3A_204 = tpu.memref_slice %arg6[%dma_wait3A_196, %dma_wait3A_203] : memref<4x80xi32, #tpu.memory_space<vmem>> -> memref<1x80xi32, #tpu.memory_space<vmem>>
    %dma_wait3A_205 = tpu.memref_squeeze %dma_wait3A_204 : memref<1x80xi32, #tpu.memory_space<vmem>> -> memref<80xi32, #tpu.memory_space<vmem>>
    %dma_wait3A_206 = arith.constant 0 : i32
    %dma_wait3A_207 = tpu.memref_slice %arg3[%arg1, %dma_wait3A_195, %dma_wait3A_206] : memref<16x128x80xi32, #tpu.memory_space<hbm>> -> memref<1x1x80xi32, #tpu.memory_space<hbm>>
    %dma_wait3A_208 = tpu.memref_squeeze %dma_wait3A_207 : memref<1x1x80xi32, #tpu.memory_space<hbm>> -> memref<80xi32, #tpu.memory_space<hbm>>
    tpu.wait_dma2 semaphore(%arg15 : memref<!tpu.dma_semaphore, #tpu.memory_space<semaphore_mem>>) src(%dma_wait3A_208 : memref<80xi32, #tpu.memory_space<hbm>>) dst(%dma_wait3A_205 : memref<80xi32, #tpu.memory_space<vmem>>)
    %dma_start3A_209 = arith.constant 2 : i32
    %dma_start3A_210 = arith.constant 0 : i32
    %dma_start3A_211 = tpu.memref_slice %arg6[%dma_start3A_209, %dma_start3A_210] : memref<4x80xi32, #tpu.memory_space<vmem>> -> memref<1x80xi32, #tpu.memory_space<vmem>>
    %dma_start3A_212 = tpu.memref_squeeze %dma_start3A_211 : memref<1x80xi32, #tpu.memory_space<vmem>> -> memref<80xi32, #tpu.memory_space<vmem>>
    %dma_start3A_213 = arith.constant 0 : i32
    %dma_start3A_214 = arith.constant 0 : i32
    %dma_start3A_215 = tpu.memref_slice %arg2[%arg0, %dma_start3A_213, %dma_start3A_214] : memref<2x10000x128xf32, #tpu.memory_space<hbm>> -> memref<1x10000x128xf32, #tpu.memory_space<hbm>>
    %dma_start3A_216 = tpu.memref_squeeze %dma_start3A_215 : memref<1x10000x128xf32, #tpu.memory_space<hbm>> -> memref<10000x128xf32, #tpu.memory_space<hbm>>
    %dma_start3A_217 = arith.constant 0 : i32
    %dma_start3A_218 = arith.constant 0 : i32
    %dma_start3A_219 = tpu.memref_slice %dma_start3A_216[%dma_start3A_217, %dma_start3A_218] : memref<10000x128xf32, #tpu.memory_space<hbm>> -> memref<10000x128xf32, #tpu.memory_space<hbm>>
    tpu.enqueue_indirect_dma source(%dma_start3A_219 : memref<10000x128xf32, #tpu.memory_space<hbm>>) target(%arg10 : memref<80x128xf32, #tpu.memory_space<vmem>>) offsets(%dma_start3A_212 : memref<80xi32, #tpu.memory_space<vmem>>) semaphore(%arg23 : memref<!tpu.dma_semaphore, #tpu.memory_space<semaphore_mem>>)
    %scan3A_220 = arith.constant 0 : i32
    %scan3A_221 = arith.constant 0 : i32
    %scan3A_222 = arith.constant 32 : i32
    %scan3A_223 = arith.addi %scan3A_221, %scan3A_222 : i32
    %scan3A_224 = arith.constant 1 : i32
    scf.for %scan3A_231 = %scan3A_221 to %scan3A_223 step %scan3A_224  : i32 {
      %mul3A_232 = arith.constant 4 : i32
      %mul3A_233 = arith.muli %scan3A_231, %mul3A_232 : i32
      %dma_wait3A_234 = arith.constant 0 : i32
      %dma_wait3A_235 = arith.constant 0 : i32
      %dma_wait3A_236 = tpu.memref_slice %arg6[%dma_wait3A_234, %dma_wait3A_235] : memref<4x80xi32, #tpu.memory_space<vmem>> -> memref<1x80xi32, #tpu.memory_space<vmem>>
      %dma_wait3A_237 = tpu.memref_squeeze %dma_wait3A_236 : memref<1x80xi32, #tpu.memory_space<vmem>> -> memref<80xi32, #tpu.memory_space<vmem>>
      %dma_wait3A_238 = arith.constant 0 : i32
      %dma_wait3A_239 = arith.constant 0 : i32
      %dma_wait3A_240 = tpu.memref_slice %arg2[%arg0, %dma_wait3A_238, %dma_wait3A_239] : memref<2x10000x128xf32, #tpu.memory_space<hbm>> -> memref<1x10000x128xf32, #tpu.memory_space<hbm>>
      %dma_wait3A_241 = tpu.memref_squeeze %dma_wait3A_240 : memref<1x10000x128xf32, #tpu.memory_space<hbm>> -> memref<10000x128xf32, #tpu.memory_space<hbm>>
      %dma_wait3A_242 = arith.constant 0 : i32
      %dma_wait3A_243 = arith.constant 0 : i32
      %dma_wait3A_244 = tpu.memref_slice %dma_wait3A_241[%dma_wait3A_242, %dma_wait3A_243] : memref<10000x128xf32, #tpu.memory_space<hbm>> -> memref<10000x128xf32, #tpu.memory_space<hbm>>
      tpu.wait_indirect_dma semaphore(%arg21 : memref<!tpu.dma_semaphore, #tpu.memory_space<semaphore_mem>>) src(%dma_wait3A_244 : memref<10000x128xf32, #tpu.memory_space<hbm>>) dst(%arg8 : memref<80x128xf32, #tpu.memory_space<vmem>>)
      %add3A_245 = arith.constant 0 : i32
      %add3A_246 = arith.addi %mul3A_233, %add3A_245 : i32
      %dma_wait3A_247 = arith.constant 0 : i32
      %dma_wait3A_248 = arith.constant 0 : i32
      %dma_wait3A_249 = tpu.memref_slice %arg7[%dma_wait3A_247, %dma_wait3A_248] : memref<4x80xi32, #tpu.memory_space<vmem>> -> memref<1x80xi32, #tpu.memory_space<vmem>>
      %dma_wait3A_250 = tpu.memref_squeeze %dma_wait3A_249 : memref<1x80xi32, #tpu.memory_space<vmem>> -> memref<80xi32, #tpu.memory_space<vmem>>
      %dma_wait3A_251 = arith.constant 0 : i32
      %dma_wait3A_252 = tpu.memref_slice %arg4[%arg1, %add3A_246, %dma_wait3A_251] : memref<16x128x80xi32, #tpu.memory_space<hbm>> -> memref<1x1x80xi32, #tpu.memory_space<hbm>>
      %dma_wait3A_253 = tpu.memref_squeeze %dma_wait3A_252 : memref<1x1x80xi32, #tpu.memory_space<hbm>> -> memref<80xi32, #tpu.memory_space<hbm>>
      %dma_wait3A_254 = arith.constant 0 : i32
      %dma_wait3A_255 = tpu.memref_slice %arg7[%dma_wait3A_247, %dma_wait3A_254] : memref<4x80xi32, #tpu.memory_space<vmem>> -> memref<1x80xi32, #tpu.memory_space<vmem>>
      %dma_wait3A_256 = tpu.memref_squeeze %dma_wait3A_255 : memref<1x80xi32, #tpu.memory_space<vmem>> -> memref<80xi32, #tpu.memory_space<vmem>>
      %dma_wait3A_257 = arith.constant 0 : i32
      %dma_wait3A_258 = tpu.memref_slice %arg4[%arg1, %add3A_246, %dma_wait3A_257] : memref<16x128x80xi32, #tpu.memory_space<hbm>> -> memref<1x1x80xi32, #tpu.memory_space<hbm>>
      %dma_wait3A_259 = tpu.memref_squeeze %dma_wait3A_258 : memref<1x1x80xi32, #tpu.memory_space<hbm>> -> memref<80xi32, #tpu.memory_space<hbm>>
      tpu.wait_dma2 semaphore(%arg17 : memref<!tpu.dma_semaphore, #tpu.memory_space<semaphore_mem>>) src(%dma_wait3A_259 : memref<80xi32, #tpu.memory_space<hbm>>) dst(%dma_wait3A_256 : memref<80xi32, #tpu.memory_space<vmem>>)
      %run_scoped3A = arith.constant 0 : i32
      "tpu.region"() ({
        %run_scoped3A_410 = tpu.sem_alloc : memref<!tpu.dma_semaphore, #tpu.memory_space<semaphore_mem>>
        %dma_start3A_411 = arith.constant 0 : i32
        %dma_start3A_412 = tpu.memref_slice %arg7[%run_scoped3A, %dma_start3A_411] : memref<4x80xi32, #tpu.memory_space<vmem>> -> memref<1x80xi32, #tpu.memory_space<vmem>>
        %dma_start3A_413 = tpu.memref_squeeze %dma_start3A_412 : memref<1x80xi32, #tpu.memory_space<vmem>> -> memref<80xi32, #tpu.memory_space<vmem>>
        %dma_start3A_414 = arith.constant 0 : i32
        %dma_start3A_415 = arith.constant 0 : i32
        %dma_start3A_416 = tpu.memref_slice %arg12[%dma_start3A_414, %dma_start3A_415] : memref<10240x128xf32, #tpu.memory_space<vmem_shared>> -> memref<10240x128xf32, #tpu.memory_space<vmem_shared>>
        tpu.enqueue_indirect_dma source(%arg8 : memref<80x128xf32, #tpu.memory_space<vmem>>) target(%dma_start3A_416 : memref<10240x128xf32, #tpu.memory_space<vmem_shared>>) offsets(%dma_start3A_413 : memref<80xi32, #tpu.memory_space<vmem>>) semaphore(%run_scoped3A_410 : memref<!tpu.dma_semaphore, #tpu.memory_space<semaphore_mem>>) {add = true}
        %dma_wait3A_417 = arith.constant 0 : i32
        %dma_wait3A_418 = tpu.memref_slice %arg7[%run_scoped3A, %dma_wait3A_417] : memref<4x80xi32, #tpu.memory_space<vmem>> -> memref<1x80xi32, #tpu.memory_space<vmem>>
        %dma_wait3A_419 = tpu.memref_squeeze %dma_wait3A_418 : memref<1x80xi32, #tpu.memory_space<vmem>> -> memref<80xi32, #tpu.memory_space<vmem>>
        %dma_wait3A_420 = arith.constant 0 : i32
        %dma_wait3A_421 = arith.constant 0 : i32
        %dma_wait3A_422 = tpu.memref_slice %arg12[%dma_wait3A_420, %dma_wait3A_421] : memref<10240x128xf32, #tpu.memory_space<vmem_shared>> -> memref<10240x128xf32, #tpu.memory_space<vmem_shared>>
        tpu.wait_indirect_dma semaphore(%run_scoped3A_410 : memref<!tpu.dma_semaphore, #tpu.memory_space<semaphore_mem>>) src(%arg8 : memref<80x128xf32, #tpu.memory_space<vmem>>) dst(%dma_wait3A_422 : memref<10240x128xf32, #tpu.memory_space<vmem_shared>>)
        tpu.yield
      }) : () -> ()
      %add3A_260 = arith.constant 0 : i32
      %add3A_261 = arith.addi %mul3A_233, %add3A_260 : i32
      %add3A_262 = arith.constant 4 : i32
      %add3A_263 = arith.addi %add3A_261, %add3A_262 : i32
      %lt3A = arith.constant 128 : i32
      %lt3A_264 = arith.cmpi slt, %add3A_263, %lt3A : i32
      %convert_element_type3A = arith.extui %lt3A_264 : i1 to i32
      %cond3A = arith.constant 0 : i32
      %cond3A_265 = arith.cmpi ne, %convert_element_type3A, %cond3A : i32
      scf.if %cond3A_265 {
        %add3A_410 = arith.constant 0 : i32
        %add3A_411 = arith.addi %mul3A_233, %add3A_410 : i32
        %add3A_412 = arith.constant 4 : i32
        %add3A_413 = arith.addi %add3A_411, %add3A_412 : i32
        %dma_start3A_414 = arith.constant 0 : i32
        %dma_start3A_415 = arith.constant 0 : i32
        %dma_start3A_416 = tpu.memref_slice %arg6[%dma_start3A_414, %dma_start3A_415] : memref<4x80xi32, #tpu.memory_space<vmem>> -> memref<1x80xi32, #tpu.memory_space<vmem>>
        %dma_start3A_417 = tpu.memref_squeeze %dma_start3A_416 : memref<1x80xi32, #tpu.memory_space<vmem>> -> memref<80xi32, #tpu.memory_space<vmem>>
        %dma_start3A_418 = arith.constant 0 : i32
        %dma_start3A_419 = tpu.memref_slice %arg3[%arg1, %add3A_413, %dma_start3A_418] : memref<16x128x80xi32, #tpu.memory_space<hbm>> -> memref<1x1x80xi32, #tpu.memory_space<hbm>>
        %dma_start3A_420 = tpu.memref_squeeze %dma_start3A_419 : memref<1x1x80xi32, #tpu.memory_space<hbm>> -> memref<80xi32, #tpu.memory_space<hbm>>
        %dma_start3A_421 = arith.constant 0 : i32
        %dma_start3A_422 = tpu.memref_slice %arg6[%dma_start3A_414, %dma_start3A_421] : memref<4x80xi32, #tpu.memory_space<vmem>> -> memref<1x80xi32, #tpu.memory_space<vmem>>
        %dma_start3A_423 = tpu.memref_squeeze %dma_start3A_422 : memref<1x80xi32, #tpu.memory_space<vmem>> -> memref<80xi32, #tpu.memory_space<vmem>>
        %dma_start3A_424 = arith.constant 0 : i32
        %dma_start3A_425 = tpu.memref_slice %arg3[%arg1, %add3A_413, %dma_start3A_424] : memref<16x128x80xi32, #tpu.memory_space<hbm>> -> memref<1x1x80xi32, #tpu.memory_space<hbm>>
        %dma_start3A_426 = tpu.memref_squeeze %dma_start3A_425 : memref<1x1x80xi32, #tpu.memory_space<hbm>> -> memref<80xi32, #tpu.memory_space<hbm>>
        tpu.enqueue_dma source(%dma_start3A_426 : memref<80xi32, #tpu.memory_space<hbm>>) target(%dma_start3A_423 : memref<80xi32, #tpu.memory_space<vmem>>) target_semaphore(%arg13 : memref<!tpu.dma_semaphore, #tpu.memory_space<semaphore_mem>>)
        %dma_start3A_427 = arith.constant 0 : i32
        %dma_start3A_428 = arith.constant 0 : i32
        %dma_start3A_429 = tpu.memref_slice %arg7[%dma_start3A_427, %dma_start3A_428] : memref<4x80xi32, #tpu.memory_space<vmem>> -> memref<1x80xi32, #tpu.memory_space<vmem>>
        %dma_start3A_430 = tpu.memref_squeeze %dma_start3A_429 : memref<1x80xi32, #tpu.memory_space<vmem>> -> memref<80xi32, #tpu.memory_space<vmem>>
        %dma_start3A_431 = arith.constant 0 : i32
        %dma_start3A_432 = tpu.memref_slice %arg4[%arg1, %add3A_413, %dma_start3A_431] : memref<16x128x80xi32, #tpu.memory_space<hbm>> -> memref<1x1x80xi32, #tpu.memory_space<hbm>>
        %dma_start3A_433 = tpu.memref_squeeze %dma_start3A_432 : memref<1x1x80xi32, #tpu.memory_space<hbm>> -> memref<80xi32, #tpu.memory_space<hbm>>
        %dma_start3A_434 = arith.constant 0 : i32
        %dma_start3A_435 = tpu.memref_slice %arg7[%dma_start3A_427, %dma_start3A_434] : memref<4x80xi32, #tpu.memory_space<vmem>> -> memref<1x80xi32, #tpu.memory_space<vmem>>
        %dma_start3A_436 = tpu.memref_squeeze %dma_start3A_435 : memref<1x80xi32, #tpu.memory_space<vmem>> -> memref<80xi32, #tpu.memory_space<vmem>>
        %dma_start3A_437 = arith.constant 0 : i32
        %dma_start3A_438 = tpu.memref_slice %arg4[%arg1, %add3A_413, %dma_start3A_437] : memref<16x128x80xi32, #tpu.memory_space<hbm>> -> memref<1x1x80xi32, #tpu.memory_space<hbm>>
        %dma_start3A_439 = tpu.memref_squeeze %dma_start3A_438 : memref<1x1x80xi32, #tpu.memory_space<hbm>> -> memref<80xi32, #tpu.memory_space<hbm>>
        tpu.enqueue_dma source(%dma_start3A_439 : memref<80xi32, #tpu.memory_space<hbm>>) target(%dma_start3A_436 : memref<80xi32, #tpu.memory_space<vmem>>) target_semaphore(%arg17 : memref<!tpu.dma_semaphore, #tpu.memory_space<semaphore_mem>>)
      } else {
      }
      %add3A_266 = arith.constant 0 : i32
      %add3A_267 = arith.addi %mul3A_233, %add3A_266 : i32
      %add3A_268 = arith.constant 3 : i32
      %add3A_269 = arith.addi %add3A_267, %add3A_268 : i32
      %lt3A_270 = arith.constant 128 : i32
      %lt3A_271 = arith.cmpi slt, %add3A_269, %lt3A_270 : i32
      %convert_element_type3A_272 = arith.extui %lt3A_271 : i1 to i32
      %cond3A_273 = arith.constant 0 : i32
      %cond3A_274 = arith.cmpi ne, %convert_element_type3A_272, %cond3A_273 : i32
      scf.if %cond3A_274 {
        %add3A_410 = arith.constant 0 : i32
        %add3A_411 = arith.addi %mul3A_233, %add3A_410 : i32
        %add3A_412 = arith.constant 3 : i32
        %add3A_413 = arith.addi %add3A_411, %add3A_412 : i32
        %dma_wait3A_414 = arith.constant 3 : i32
        %dma_wait3A_415 = arith.constant 0 : i32
        %dma_wait3A_416 = tpu.memref_slice %arg6[%dma_wait3A_414, %dma_wait3A_415] : memref<4x80xi32, #tpu.memory_space<vmem>> -> memref<1x80xi32, #tpu.memory_space<vmem>>
        %dma_wait3A_417 = tpu.memref_squeeze %dma_wait3A_416 : memref<1x80xi32, #tpu.memory_space<vmem>> -> memref<80xi32, #tpu.memory_space<vmem>>
        %dma_wait3A_418 = arith.constant 0 : i32
        %dma_wait3A_419 = tpu.memref_slice %arg3[%arg1, %add3A_413, %dma_wait3A_418] : memref<16x128x80xi32, #tpu.memory_space<hbm>> -> memref<1x1x80xi32, #tpu.memory_space<hbm>>
        %dma_wait3A_420 = tpu.memref_squeeze %dma_wait3A_419 : memref<1x1x80xi32, #tpu.memory_space<hbm>> -> memref<80xi32, #tpu.memory_space<hbm>>
        %dma_wait3A_421 = arith.constant 0 : i32
        %dma_wait3A_422 = tpu.memref_slice %arg6[%dma_wait3A_414, %dma_wait3A_421] : memref<4x80xi32, #tpu.memory_space<vmem>> -> memref<1x80xi32, #tpu.memory_space<vmem>>
        %dma_wait3A_423 = tpu.memref_squeeze %dma_wait3A_422 : memref<1x80xi32, #tpu.memory_space<vmem>> -> memref<80xi32, #tpu.memory_space<vmem>>
        %dma_wait3A_424 = arith.constant 0 : i32
        %dma_wait3A_425 = tpu.memref_slice %arg3[%arg1, %add3A_413, %dma_wait3A_424] : memref<16x128x80xi32, #tpu.memory_space<hbm>> -> memref<1x1x80xi32, #tpu.memory_space<hbm>>
        %dma_wait3A_426 = tpu.memref_squeeze %dma_wait3A_425 : memref<1x1x80xi32, #tpu.memory_space<hbm>> -> memref<80xi32, #tpu.memory_space<hbm>>
        tpu.wait_dma2 semaphore(%arg16 : memref<!tpu.dma_semaphore, #tpu.memory_space<semaphore_mem>>) src(%dma_wait3A_426 : memref<80xi32, #tpu.memory_space<hbm>>) dst(%dma_wait3A_423 : memref<80xi32, #tpu.memory_space<vmem>>)
        %dma_start3A_427 = arith.constant 3 : i32
        %dma_start3A_428 = arith.constant 0 : i32
        %dma_start3A_429 = tpu.memref_slice %arg6[%dma_start3A_427, %dma_start3A_428] : memref<4x80xi32, #tpu.memory_space<vmem>> -> memref<1x80xi32, #tpu.memory_space<vmem>>
        %dma_start3A_430 = tpu.memref_squeeze %dma_start3A_429 : memref<1x80xi32, #tpu.memory_space<vmem>> -> memref<80xi32, #tpu.memory_space<vmem>>
        %dma_start3A_431 = arith.constant 0 : i32
        %dma_start3A_432 = arith.constant 0 : i32
        %dma_start3A_433 = tpu.memref_slice %arg2[%arg0, %dma_start3A_431, %dma_start3A_432] : memref<2x10000x128xf32, #tpu.memory_space<hbm>> -> memref<1x10000x128xf32, #tpu.memory_space<hbm>>
        %dma_start3A_434 = tpu.memref_squeeze %dma_start3A_433 : memref<1x10000x128xf32, #tpu.memory_space<hbm>> -> memref<10000x128xf32, #tpu.memory_space<hbm>>
        %dma_start3A_435 = arith.constant 0 : i32
        %dma_start3A_436 = arith.constant 0 : i32
        %dma_start3A_437 = tpu.memref_slice %dma_start3A_434[%dma_start3A_435, %dma_start3A_436] : memref<10000x128xf32, #tpu.memory_space<hbm>> -> memref<10000x128xf32, #tpu.memory_space<hbm>>
        tpu.enqueue_indirect_dma source(%dma_start3A_437 : memref<10000x128xf32, #tpu.memory_space<hbm>>) target(%arg11 : memref<80x128xf32, #tpu.memory_space<vmem>>) offsets(%dma_start3A_430 : memref<80xi32, #tpu.memory_space<vmem>>) semaphore(%arg24 : memref<!tpu.dma_semaphore, #tpu.memory_space<semaphore_mem>>)
      } else {
      }
      %dma_wait3A_275 = arith.constant 1 : i32
      %dma_wait3A_276 = arith.constant 0 : i32
      %dma_wait3A_277 = tpu.memref_slice %arg6[%dma_wait3A_275, %dma_wait3A_276] : memref<4x80xi32, #tpu.memory_space<vmem>> -> memref<1x80xi32, #tpu.memory_space<vmem>>
      %dma_wait3A_278 = tpu.memref_squeeze %dma_wait3A_277 : memref<1x80xi32, #tpu.memory_space<vmem>> -> memref<80xi32, #tpu.memory_space<vmem>>
      %dma_wait3A_279 = arith.constant 0 : i32
      %dma_wait3A_280 = arith.constant 0 : i32
      %dma_wait3A_281 = tpu.memref_slice %arg2[%arg0, %dma_wait3A_279, %dma_wait3A_280] : memref<2x10000x128xf32, #tpu.memory_space<hbm>> -> memref<1x10000x128xf32, #tpu.memory_space<hbm>>
      %dma_wait3A_282 = tpu.memref_squeeze %dma_wait3A_281 : memref<1x10000x128xf32, #tpu.memory_space<hbm>> -> memref<10000x128xf32, #tpu.memory_space<hbm>>
      %dma_wait3A_283 = arith.constant 0 : i32
      %dma_wait3A_284 = arith.constant 0 : i32
      %dma_wait3A_285 = tpu.memref_slice %dma_wait3A_282[%dma_wait3A_283, %dma_wait3A_284] : memref<10000x128xf32, #tpu.memory_space<hbm>> -> memref<10000x128xf32, #tpu.memory_space<hbm>>
      tpu.wait_indirect_dma semaphore(%arg22 : memref<!tpu.dma_semaphore, #tpu.memory_space<semaphore_mem>>) src(%dma_wait3A_285 : memref<10000x128xf32, #tpu.memory_space<hbm>>) dst(%arg9 : memref<80x128xf32, #tpu.memory_space<vmem>>)
      %add3A_286 = arith.constant 1 : i32
      %add3A_287 = arith.addi %mul3A_233, %add3A_286 : i32
      %dma_wait3A_288 = arith.constant 1 : i32
      %dma_wait3A_289 = arith.constant 0 : i32
      %dma_wait3A_290 = tpu.memref_slice %arg7[%dma_wait3A_288, %dma_wait3A_289] : memref<4x80xi32, #tpu.memory_space<vmem>> -> memref<1x80xi32, #tpu.memory_space<vmem>>
      %dma_wait3A_291 = tpu.memref_squeeze %dma_wait3A_290 : memref<1x80xi32, #tpu.memory_space<vmem>> -> memref<80xi32, #tpu.memory_space<vmem>>
      %dma_wait3A_292 = arith.constant 0 : i32
      %dma_wait3A_293 = tpu.memref_slice %arg4[%arg1, %add3A_287, %dma_wait3A_292] : memref<16x128x80xi32, #tpu.memory_space<hbm>> -> memref<1x1x80xi32, #tpu.memory_space<hbm>>
      %dma_wait3A_294 = tpu.memref_squeeze %dma_wait3A_293 : memref<1x1x80xi32, #tpu.memory_space<hbm>> -> memref<80xi32, #tpu.memory_space<hbm>>
      %dma_wait3A_295 = arith.constant 0 : i32
      %dma_wait3A_296 = tpu.memref_slice %arg7[%dma_wait3A_288, %dma_wait3A_295] : memref<4x80xi32, #tpu.memory_space<vmem>> -> memref<1x80xi32, #tpu.memory_space<vmem>>
      %dma_wait3A_297 = tpu.memref_squeeze %dma_wait3A_296 : memref<1x80xi32, #tpu.memory_space<vmem>> -> memref<80xi32, #tpu.memory_space<vmem>>
      %dma_wait3A_298 = arith.constant 0 : i32
      %dma_wait3A_299 = tpu.memref_slice %arg4[%arg1, %add3A_287, %dma_wait3A_298] : memref<16x128x80xi32, #tpu.memory_space<hbm>> -> memref<1x1x80xi32, #tpu.memory_space<hbm>>
      %dma_wait3A_300 = tpu.memref_squeeze %dma_wait3A_299 : memref<1x1x80xi32, #tpu.memory_space<hbm>> -> memref<80xi32, #tpu.memory_space<hbm>>
      tpu.wait_dma2 semaphore(%arg18 : memref<!tpu.dma_semaphore, #tpu.memory_space<semaphore_mem>>) src(%dma_wait3A_300 : memref<80xi32, #tpu.memory_space<hbm>>) dst(%dma_wait3A_297 : memref<80xi32, #tpu.memory_space<vmem>>)
      %run_scoped3A_301 = arith.constant 1 : i32
      "tpu.region"() ({
        %run_scoped3A_410 = tpu.sem_alloc : memref<!tpu.dma_semaphore, #tpu.memory_space<semaphore_mem>>
        %dma_start3A_411 = arith.constant 0 : i32
        %dma_start3A_412 = tpu.memref_slice %arg7[%run_scoped3A_301, %dma_start3A_411] : memref<4x80xi32, #tpu.memory_space<vmem>> -> memref<1x80xi32, #tpu.memory_space<vmem>>
        %dma_start3A_413 = tpu.memref_squeeze %dma_start3A_412 : memref<1x80xi32, #tpu.memory_space<vmem>> -> memref<80xi32, #tpu.memory_space<vmem>>
        %dma_start3A_414 = arith.constant 0 : i32
        %dma_start3A_415 = arith.constant 0 : i32
        %dma_start3A_416 = tpu.memref_slice %arg12[%dma_start3A_414, %dma_start3A_415] : memref<10240x128xf32, #tpu.memory_space<vmem_shared>> -> memref<10240x128xf32, #tpu.memory_space<vmem_shared>>
        tpu.enqueue_indirect_dma source(%arg9 : memref<80x128xf32, #tpu.memory_space<vmem>>) target(%dma_start3A_416 : memref<10240x128xf32, #tpu.memory_space<vmem_shared>>) offsets(%dma_start3A_413 : memref<80xi32, #tpu.memory_space<vmem>>) semaphore(%run_scoped3A_410 : memref<!tpu.dma_semaphore, #tpu.memory_space<semaphore_mem>>) {add = true}
        %dma_wait3A_417 = arith.constant 0 : i32
        %dma_wait3A_418 = tpu.memref_slice %arg7[%run_scoped3A_301, %dma_wait3A_417] : memref<4x80xi32, #tpu.memory_space<vmem>> -> memref<1x80xi32, #tpu.memory_space<vmem>>
        %dma_wait3A_419 = tpu.memref_squeeze %dma_wait3A_418 : memref<1x80xi32, #tpu.memory_space<vmem>> -> memref<80xi32, #tpu.memory_space<vmem>>
        %dma_wait3A_420 = arith.constant 0 : i32
        %dma_wait3A_421 = arith.constant 0 : i32
        %dma_wait3A_422 = tpu.memref_slice %arg12[%dma_wait3A_420, %dma_wait3A_421] : memref<10240x128xf32, #tpu.memory_space<vmem_shared>> -> memref<10240x128xf32, #tpu.memory_space<vmem_shared>>
        tpu.wait_indirect_dma semaphore(%run_scoped3A_410 : memref<!tpu.dma_semaphore, #tpu.memory_space<semaphore_mem>>) src(%arg9 : memref<80x128xf32, #tpu.memory_space<vmem>>) dst(%dma_wait3A_422 : memref<10240x128xf32, #tpu.memory_space<vmem_shared>>)
        tpu.yield
      }) : () -> ()
      %add3A_302 = arith.constant 1 : i32
      %add3A_303 = arith.addi %mul3A_233, %add3A_302 : i32
      %add3A_304 = arith.constant 4 : i32
      %add3A_305 = arith.addi %add3A_303, %add3A_304 : i32
      %lt3A_306 = arith.constant 128 : i32
      %lt3A_307 = arith.cmpi slt, %add3A_305, %lt3A_306 : i32
      %convert_element_type3A_308 = arith.extui %lt3A_307 : i1 to i32
      %cond3A_309 = arith.constant 0 : i32
      %cond3A_310 = arith.cmpi ne, %convert_element_type3A_308, %cond3A_309 : i32
      scf.if %cond3A_310 {
        %add3A_410 = arith.constant 1 : i32
        %add3A_411 = arith.addi %mul3A_233, %add3A_410 : i32
        %add3A_412 = arith.constant 4 : i32
        %add3A_413 = arith.addi %add3A_411, %add3A_412 : i32
        %dma_start3A_414 = arith.constant 1 : i32
        %dma_start3A_415 = arith.constant 0 : i32
        %dma_start3A_416 = tpu.memref_slice %arg6[%dma_start3A_414, %dma_start3A_415] : memref<4x80xi32, #tpu.memory_space<vmem>> -> memref<1x80xi32, #tpu.memory_space<vmem>>
        %dma_start3A_417 = tpu.memref_squeeze %dma_start3A_416 : memref<1x80xi32, #tpu.memory_space<vmem>> -> memref<80xi32, #tpu.memory_space<vmem>>
        %dma_start3A_418 = arith.constant 0 : i32
        %dma_start3A_419 = tpu.memref_slice %arg3[%arg1, %add3A_413, %dma_start3A_418] : memref<16x128x80xi32, #tpu.memory_space<hbm>> -> memref<1x1x80xi32, #tpu.memory_space<hbm>>
        %dma_start3A_420 = tpu.memref_squeeze %dma_start3A_419 : memref<1x1x80xi32, #tpu.memory_space<hbm>> -> memref<80xi32, #tpu.memory_space<hbm>>
        %dma_start3A_421 = arith.constant 0 : i32
        %dma_start3A_422 = tpu.memref_slice %arg6[%dma_start3A_414, %dma_start3A_421] : memref<4x80xi32, #tpu.memory_space<vmem>> -> memref<1x80xi32, #tpu.memory_space<vmem>>
        %dma_start3A_423 = tpu.memref_squeeze %dma_start3A_422 : memref<1x80xi32, #tpu.memory_space<vmem>> -> memref<80xi32, #tpu.memory_space<vmem>>
        %dma_start3A_424 = arith.constant 0 : i32
        %dma_start3A_425 = tpu.memref_slice %arg3[%arg1, %add3A_413, %dma_start3A_424] : memref<16x128x80xi32, #tpu.memory_space<hbm>> -> memref<1x1x80xi32, #tpu.memory_space<hbm>>
        %dma_start3A_426 = tpu.memref_squeeze %dma_start3A_425 : memref<1x1x80xi32, #tpu.memory_space<hbm>> -> memref<80xi32, #tpu.memory_space<hbm>>
        tpu.enqueue_dma source(%dma_start3A_426 : memref<80xi32, #tpu.memory_space<hbm>>) target(%dma_start3A_423 : memref<80xi32, #tpu.memory_space<vmem>>) target_semaphore(%arg14 : memref<!tpu.dma_semaphore, #tpu.memory_space<semaphore_mem>>)
        %dma_start3A_427 = arith.constant 1 : i32
        %dma_start3A_428 = arith.constant 0 : i32
        %dma_start3A_429 = tpu.memref_slice %arg7[%dma_start3A_427, %dma_start3A_428] : memref<4x80xi32, #tpu.memory_space<vmem>> -> memref<1x80xi32, #tpu.memory_space<vmem>>
        %dma_start3A_430 = tpu.memref_squeeze %dma_start3A_429 : memref<1x80xi32, #tpu.memory_space<vmem>> -> memref<80xi32, #tpu.memory_space<vmem>>
        %dma_start3A_431 = arith.constant 0 : i32
        %dma_start3A_432 = tpu.memref_slice %arg4[%arg1, %add3A_413, %dma_start3A_431] : memref<16x128x80xi32, #tpu.memory_space<hbm>> -> memref<1x1x80xi32, #tpu.memory_space<hbm>>
        %dma_start3A_433 = tpu.memref_squeeze %dma_start3A_432 : memref<1x1x80xi32, #tpu.memory_space<hbm>> -> memref<80xi32, #tpu.memory_space<hbm>>
        %dma_start3A_434 = arith.constant 0 : i32
        %dma_start3A_435 = tpu.memref_slice %arg7[%dma_start3A_427, %dma_start3A_434] : memref<4x80xi32, #tpu.memory_space<vmem>> -> memref<1x80xi32, #tpu.memory_space<vmem>>
        %dma_start3A_436 = tpu.memref_squeeze %dma_start3A_435 : memref<1x80xi32, #tpu.memory_space<vmem>> -> memref<80xi32, #tpu.memory_space<vmem>>
        %dma_start3A_437 = arith.constant 0 : i32
        %dma_start3A_438 = tpu.memref_slice %arg4[%arg1, %add3A_413, %dma_start3A_437] : memref<16x128x80xi32, #tpu.memory_space<hbm>> -> memref<1x1x80xi32, #tpu.memory_space<hbm>>
        %dma_start3A_439 = tpu.memref_squeeze %dma_start3A_438 : memref<1x1x80xi32, #tpu.memory_space<hbm>> -> memref<80xi32, #tpu.memory_space<hbm>>
        tpu.enqueue_dma source(%dma_start3A_439 : memref<80xi32, #tpu.memory_space<hbm>>) target(%dma_start3A_436 : memref<80xi32, #tpu.memory_space<vmem>>) target_semaphore(%arg18 : memref<!tpu.dma_semaphore, #tpu.memory_space<semaphore_mem>>)
      } else {
      }
      %add3A_311 = arith.constant 1 : i32
      %add3A_312 = arith.addi %mul3A_233, %add3A_311 : i32
      %add3A_313 = arith.constant 3 : i32
      %add3A_314 = arith.addi %add3A_312, %add3A_313 : i32
      %lt3A_315 = arith.constant 128 : i32
      %lt3A_316 = arith.cmpi slt, %add3A_314, %lt3A_315 : i32
      %convert_element_type3A_317 = arith.extui %lt3A_316 : i1 to i32
      %cond3A_318 = arith.constant 0 : i32
      %cond3A_319 = arith.cmpi ne, %convert_element_type3A_317, %cond3A_318 : i32
      scf.if %cond3A_319 {
        %add3A_410 = arith.constant 1 : i32
        %add3A_411 = arith.addi %mul3A_233, %add3A_410 : i32
        %add3A_412 = arith.constant 3 : i32
        %add3A_413 = arith.addi %add3A_411, %add3A_412 : i32
        %dma_wait3A_414 = arith.constant 0 : i32
        %dma_wait3A_415 = arith.constant 0 : i32
        %dma_wait3A_416 = tpu.memref_slice %arg6[%dma_wait3A_414, %dma_wait3A_415] : memref<4x80xi32, #tpu.memory_space<vmem>> -> memref<1x80xi32, #tpu.memory_space<vmem>>
        %dma_wait3A_417 = tpu.memref_squeeze %dma_wait3A_416 : memref<1x80xi32, #tpu.memory_space<vmem>> -> memref<80xi32, #tpu.memory_space<vmem>>
        %dma_wait3A_418 = arith.constant 0 : i32
        %dma_wait3A_419 = tpu.memref_slice %arg3[%arg1, %add3A_413, %dma_wait3A_418] : memref<16x128x80xi32, #tpu.memory_space<hbm>> -> memref<1x1x80xi32, #tpu.memory_space<hbm>>
        %dma_wait3A_420 = tpu.memref_squeeze %dma_wait3A_419 : memref<1x1x80xi32, #tpu.memory_space<hbm>> -> memref<80xi32, #tpu.memory_space<hbm>>
        %dma_wait3A_421 = arith.constant 0 : i32
        %dma_wait3A_422 = tpu.memref_slice %arg6[%dma_wait3A_414, %dma_wait3A_421] : memref<4x80xi32, #tpu.memory_space<vmem>> -> memref<1x80xi32, #tpu.memory_space<vmem>>
        %dma_wait3A_423 = tpu.memref_squeeze %dma_wait3A_422 : memref<1x80xi32, #tpu.memory_space<vmem>> -> memref<80xi32, #tpu.memory_space<vmem>>
        %dma_wait3A_424 = arith.constant 0 : i32
        %dma_wait3A_425 = tpu.memref_slice %arg3[%arg1, %add3A_413, %dma_wait3A_424] : memref<16x128x80xi32, #tpu.memory_space<hbm>> -> memref<1x1x80xi32, #tpu.memory_space<hbm>>
        %dma_wait3A_426 = tpu.memref_squeeze %dma_wait3A_425 : memref<1x1x80xi32, #tpu.memory_space<hbm>> -> memref<80xi32, #tpu.memory_space<hbm>>
        tpu.wait_dma2 semaphore(%arg13 : memref<!tpu.dma_semaphore, #tpu.memory_space<semaphore_mem>>) src(%dma_wait3A_426 : memref<80xi32, #tpu.memory_space<hbm>>) dst(%dma_wait3A_423 : memref<80xi32, #tpu.memory_space<vmem>>)
        %dma_start3A_427 = arith.constant 0 : i32
        %dma_start3A_428 = arith.constant 0 : i32
        %dma_start3A_429 = tpu.memref_slice %arg6[%dma_start3A_427, %dma_start3A_428] : memref<4x80xi32, #tpu.memory_space<vmem>> -> memref<1x80xi32, #tpu.memory_space<vmem>>
        %dma_start3A_430 = tpu.memref_squeeze %dma_start3A_429 : memref<1x80xi32, #tpu.memory_space<vmem>> -> memref<80xi32, #tpu.memory_space<vmem>>
        %dma_start3A_431 = arith.constant 0 : i32
        %dma_start3A_432 = arith.constant 0 : i32
        %dma_start3A_433 = tpu.memref_slice %arg2[%arg0, %dma_start3A_431, %dma_start3A_432] : memref<2x10000x128xf32, #tpu.memory_space<hbm>> -> memref<1x10000x128xf32, #tpu.memory_space<hbm>>
        %dma_start3A_434 = tpu.memref_squeeze %dma_start3A_433 : memref<1x10000x128xf32, #tpu.memory_space<hbm>> -> memref<10000x128xf32, #tpu.memory_space<hbm>>
        %dma_start3A_435 = arith.constant 0 : i32
        %dma_start3A_436 = arith.constant 0 : i32
        %dma_start3A_437 = tpu.memref_slice %dma_start3A_434[%dma_start3A_435, %dma_start3A_436] : memref<10000x128xf32, #tpu.memory_space<hbm>> -> memref<10000x128xf32, #tpu.memory_space<hbm>>
        tpu.enqueue_indirect_dma source(%dma_start3A_437 : memref<10000x128xf32, #tpu.memory_space<hbm>>) target(%arg8 : memref<80x128xf32, #tpu.memory_space<vmem>>) offsets(%dma_start3A_430 : memref<80xi32, #tpu.memory_space<vmem>>) semaphore(%arg21 : memref<!tpu.dma_semaphore, #tpu.memory_space<semaphore_mem>>)
      } else {
      }
      %dma_wait3A_320 = arith.constant 2 : i32
      %dma_wait3A_321 = arith.constant 0 : i32
      %dma_wait3A_322 = tpu.memref_slice %arg6[%dma_wait3A_320, %dma_wait3A_321] : memref<4x80xi32, #tpu.memory_space<vmem>> -> memref<1x80xi32, #tpu.memory_space<vmem>>
      %dma_wait3A_323 = tpu.memref_squeeze %dma_wait3A_322 : memref<1x80xi32, #tpu.memory_space<vmem>> -> memref<80xi32, #tpu.memory_space<vmem>>
      %dma_wait3A_324 = arith.constant 0 : i32
      %dma_wait3A_325 = arith.constant 0 : i32
      %dma_wait3A_326 = tpu.memref_slice %arg2[%arg0, %dma_wait3A_324, %dma_wait3A_325] : memref<2x10000x128xf32, #tpu.memory_space<hbm>> -> memref<1x10000x128xf32, #tpu.memory_space<hbm>>
      %dma_wait3A_327 = tpu.memref_squeeze %dma_wait3A_326 : memref<1x10000x128xf32, #tpu.memory_space<hbm>> -> memref<10000x128xf32, #tpu.memory_space<hbm>>
      %dma_wait3A_328 = arith.constant 0 : i32
      %dma_wait3A_329 = arith.constant 0 : i32
      %dma_wait3A_330 = tpu.memref_slice %dma_wait3A_327[%dma_wait3A_328, %dma_wait3A_329] : memref<10000x128xf32, #tpu.memory_space<hbm>> -> memref<10000x128xf32, #tpu.memory_space<hbm>>
      tpu.wait_indirect_dma semaphore(%arg23 : memref<!tpu.dma_semaphore, #tpu.memory_space<semaphore_mem>>) src(%dma_wait3A_330 : memref<10000x128xf32, #tpu.memory_space<hbm>>) dst(%arg10 : memref<80x128xf32, #tpu.memory_space<vmem>>)
      %add3A_331 = arith.constant 2 : i32
      %add3A_332 = arith.addi %mul3A_233, %add3A_331 : i32
      %dma_wait3A_333 = arith.constant 2 : i32
      %dma_wait3A_334 = arith.constant 0 : i32
      %dma_wait3A_335 = tpu.memref_slice %arg7[%dma_wait3A_333, %dma_wait3A_334] : memref<4x80xi32, #tpu.memory_space<vmem>> -> memref<1x80xi32, #tpu.memory_space<vmem>>
      %dma_wait3A_336 = tpu.memref_squeeze %dma_wait3A_335 : memref<1x80xi32, #tpu.memory_space<vmem>> -> memref<80xi32, #tpu.memory_space<vmem>>
      %dma_wait3A_337 = arith.constant 0 : i32
      %dma_wait3A_338 = tpu.memref_slice %arg4[%arg1, %add3A_332, %dma_wait3A_337] : memref<16x128x80xi32, #tpu.memory_space<hbm>> -> memref<1x1x80xi32, #tpu.memory_space<hbm>>
      %dma_wait3A_339 = tpu.memref_squeeze %dma_wait3A_338 : memref<1x1x80xi32, #tpu.memory_space<hbm>> -> memref<80xi32, #tpu.memory_space<hbm>>
      %dma_wait3A_340 = arith.constant 0 : i32
      %dma_wait3A_341 = tpu.memref_slice %arg7[%dma_wait3A_333, %dma_wait3A_340] : memref<4x80xi32, #tpu.memory_space<vmem>> -> memref<1x80xi32, #tpu.memory_space<vmem>>
      %dma_wait3A_342 = tpu.memref_squeeze %dma_wait3A_341 : memref<1x80xi32, #tpu.memory_space<vmem>> -> memref<80xi32, #tpu.memory_space<vmem>>
      %dma_wait3A_343 = arith.constant 0 : i32
      %dma_wait3A_344 = tpu.memref_slice %arg4[%arg1, %add3A_332, %dma_wait3A_343] : memref<16x128x80xi32, #tpu.memory_space<hbm>> -> memref<1x1x80xi32, #tpu.memory_space<hbm>>
      %dma_wait3A_345 = tpu.memref_squeeze %dma_wait3A_344 : memref<1x1x80xi32, #tpu.memory_space<hbm>> -> memref<80xi32, #tpu.memory_space<hbm>>
      tpu.wait_dma2 semaphore(%arg19 : memref<!tpu.dma_semaphore, #tpu.memory_space<semaphore_mem>>) src(%dma_wait3A_345 : memref<80xi32, #tpu.memory_space<hbm>>) dst(%dma_wait3A_342 : memref<80xi32, #tpu.memory_space<vmem>>)
      %run_scoped3A_346 = arith.constant 2 : i32
      "tpu.region"() ({
        %run_scoped3A_410 = tpu.sem_alloc : memref<!tpu.dma_semaphore, #tpu.memory_space<semaphore_mem>>
        %dma_start3A_411 = arith.constant 0 : i32
        %dma_start3A_412 = tpu.memref_slice %arg7[%run_scoped3A_346, %dma_start3A_411] : memref<4x80xi32, #tpu.memory_space<vmem>> -> memref<1x80xi32, #tpu.memory_space<vmem>>
        %dma_start3A_413 = tpu.memref_squeeze %dma_start3A_412 : memref<1x80xi32, #tpu.memory_space<vmem>> -> memref<80xi32, #tpu.memory_space<vmem>>
        %dma_start3A_414 = arith.constant 0 : i32
        %dma_start3A_415 = arith.constant 0 : i32
        %dma_start3A_416 = tpu.memref_slice %arg12[%dma_start3A_414, %dma_start3A_415] : memref<10240x128xf32, #tpu.memory_space<vmem_shared>> -> memref<10240x128xf32, #tpu.memory_space<vmem_shared>>
        tpu.enqueue_indirect_dma source(%arg10 : memref<80x128xf32, #tpu.memory_space<vmem>>) target(%dma_start3A_416 : memref<10240x128xf32, #tpu.memory_space<vmem_shared>>) offsets(%dma_start3A_413 : memref<80xi32, #tpu.memory_space<vmem>>) semaphore(%run_scoped3A_410 : memref<!tpu.dma_semaphore, #tpu.memory_space<semaphore_mem>>) {add = true}
        %dma_wait3A_417 = arith.constant 0 : i32
        %dma_wait3A_418 = tpu.memref_slice %arg7[%run_scoped3A_346, %dma_wait3A_417] : memref<4x80xi32, #tpu.memory_space<vmem>> -> memref<1x80xi32, #tpu.memory_space<vmem>>
        %dma_wait3A_419 = tpu.memref_squeeze %dma_wait3A_418 : memref<1x80xi32, #tpu.memory_space<vmem>> -> memref<80xi32, #tpu.memory_space<vmem>>
        %dma_wait3A_420 = arith.constant 0 : i32
        %dma_wait3A_421 = arith.constant 0 : i32
        %dma_wait3A_422 = tpu.memref_slice %arg12[%dma_wait3A_420, %dma_wait3A_421] : memref<10240x128xf32, #tpu.memory_space<vmem_shared>> -> memref<10240x128xf32, #tpu.memory_space<vmem_shared>>
        tpu.wait_indirect_dma semaphore(%run_scoped3A_410 : memref<!tpu.dma_semaphore, #tpu.memory_space<semaphore_mem>>) src(%arg10 : memref<80x128xf32, #tpu.memory_space<vmem>>) dst(%dma_wait3A_422 : memref<10240x128xf32, #tpu.memory_space<vmem_shared>>)
        tpu.yield
      }) : () -> ()
      %add3A_347 = arith.constant 2 : i32
      %add3A_348 = arith.addi %mul3A_233, %add3A_347 : i32
      %add3A_349 = arith.constant 4 : i32
      %add3A_350 = arith.addi %add3A_348, %add3A_349 : i32
      %lt3A_351 = arith.constant 128 : i32
      %lt3A_352 = arith.cmpi slt, %add3A_350, %lt3A_351 : i32
      %convert_element_type3A_353 = arith.extui %lt3A_352 : i1 to i32
      %cond3A_354 = arith.constant 0 : i32
      %cond3A_355 = arith.cmpi ne, %convert_element_type3A_353, %cond3A_354 : i32
      scf.if %cond3A_355 {
        %add3A_410 = arith.constant 2 : i32
        %add3A_411 = arith.addi %mul3A_233, %add3A_410 : i32
        %add3A_412 = arith.constant 4 : i32
        %add3A_413 = arith.addi %add3A_411, %add3A_412 : i32
        %dma_start3A_414 = arith.constant 2 : i32
        %dma_start3A_415 = arith.constant 0 : i32
        %dma_start3A_416 = tpu.memref_slice %arg6[%dma_start3A_414, %dma_start3A_415] : memref<4x80xi32, #tpu.memory_space<vmem>> -> memref<1x80xi32, #tpu.memory_space<vmem>>
        %dma_start3A_417 = tpu.memref_squeeze %dma_start3A_416 : memref<1x80xi32, #tpu.memory_space<vmem>> -> memref<80xi32, #tpu.memory_space<vmem>>
        %dma_start3A_418 = arith.constant 0 : i32
        %dma_start3A_419 = tpu.memref_slice %arg3[%arg1, %add3A_413, %dma_start3A_418] : memref<16x128x80xi32, #tpu.memory_space<hbm>> -> memref<1x1x80xi32, #tpu.memory_space<hbm>>
        %dma_start3A_420 = tpu.memref_squeeze %dma_start3A_419 : memref<1x1x80xi32, #tpu.memory_space<hbm>> -> memref<80xi32, #tpu.memory_space<hbm>>
        %dma_start3A_421 = arith.constant 0 : i32
        %dma_start3A_422 = tpu.memref_slice %arg6[%dma_start3A_414, %dma_start3A_421] : memref<4x80xi32, #tpu.memory_space<vmem>> -> memref<1x80xi32, #tpu.memory_space<vmem>>
        %dma_start3A_423 = tpu.memref_squeeze %dma_start3A_422 : memref<1x80xi32, #tpu.memory_space<vmem>> -> memref<80xi32, #tpu.memory_space<vmem>>
        %dma_start3A_424 = arith.constant 0 : i32
        %dma_start3A_425 = tpu.memref_slice %arg3[%arg1, %add3A_413, %dma_start3A_424] : memref<16x128x80xi32, #tpu.memory_space<hbm>> -> memref<1x1x80xi32, #tpu.memory_space<hbm>>
        %dma_start3A_426 = tpu.memref_squeeze %dma_start3A_425 : memref<1x1x80xi32, #tpu.memory_space<hbm>> -> memref<80xi32, #tpu.memory_space<hbm>>
        tpu.enqueue_dma source(%dma_start3A_426 : memref<80xi32, #tpu.memory_space<hbm>>) target(%dma_start3A_423 : memref<80xi32, #tpu.memory_space<vmem>>) target_semaphore(%arg15 : memref<!tpu.dma_semaphore, #tpu.memory_space<semaphore_mem>>)
        %dma_start3A_427 = arith.constant 2 : i32
        %dma_start3A_428 = arith.constant 0 : i32
        %dma_start3A_429 = tpu.memref_slice %arg7[%dma_start3A_427, %dma_start3A_428] : memref<4x80xi32, #tpu.memory_space<vmem>> -> memref<1x80xi32, #tpu.memory_space<vmem>>
        %dma_start3A_430 = tpu.memref_squeeze %dma_start3A_429 : memref<1x80xi32, #tpu.memory_space<vmem>> -> memref<80xi32, #tpu.memory_space<vmem>>
        %dma_start3A_431 = arith.constant 0 : i32
        %dma_start3A_432 = tpu.memref_slice %arg4[%arg1, %add3A_413, %dma_start3A_431] : memref<16x128x80xi32, #tpu.memory_space<hbm>> -> memref<1x1x80xi32, #tpu.memory_space<hbm>>
        %dma_start3A_433 = tpu.memref_squeeze %dma_start3A_432 : memref<1x1x80xi32, #tpu.memory_space<hbm>> -> memref<80xi32, #tpu.memory_space<hbm>>
        %dma_start3A_434 = arith.constant 0 : i32
        %dma_start3A_435 = tpu.memref_slice %arg7[%dma_start3A_427, %dma_start3A_434] : memref<4x80xi32, #tpu.memory_space<vmem>> -> memref<1x80xi32, #tpu.memory_space<vmem>>
        %dma_start3A_436 = tpu.memref_squeeze %dma_start3A_435 : memref<1x80xi32, #tpu.memory_space<vmem>> -> memref<80xi32, #tpu.memory_space<vmem>>
        %dma_start3A_437 = arith.constant 0 : i32
        %dma_start3A_438 = tpu.memref_slice %arg4[%arg1, %add3A_413, %dma_start3A_437] : memref<16x128x80xi32, #tpu.memory_space<hbm>> -> memref<1x1x80xi32, #tpu.memory_space<hbm>>
        %dma_start3A_439 = tpu.memref_squeeze %dma_start3A_438 : memref<1x1x80xi32, #tpu.memory_space<hbm>> -> memref<80xi32, #tpu.memory_space<hbm>>
        tpu.enqueue_dma source(%dma_start3A_439 : memref<80xi32, #tpu.memory_space<hbm>>) target(%dma_start3A_436 : memref<80xi32, #tpu.memory_space<vmem>>) target_semaphore(%arg19 : memref<!tpu.dma_semaphore, #tpu.memory_space<semaphore_mem>>)
      } else {
      }
      %add3A_356 = arith.constant 2 : i32
      %add3A_357 = arith.addi %mul3A_233, %add3A_356 : i32
      %add3A_358 = arith.constant 3 : i32
      %add3A_359 = arith.addi %add3A_357, %add3A_358 : i32
      %lt3A_360 = arith.constant 128 : i32
      %lt3A_361 = arith.cmpi slt, %add3A_359, %lt3A_360 : i32
      %convert_element_type3A_362 = arith.extui %lt3A_361 : i1 to i32
      %cond3A_363 = arith.constant 0 : i32
      %cond3A_364 = arith.cmpi ne, %convert_element_type3A_362, %cond3A_363 : i32
      scf.if %cond3A_364 {
        %add3A_410 = arith.constant 2 : i32
        %add3A_411 = arith.addi %mul3A_233, %add3A_410 : i32
        %add3A_412 = arith.constant 3 : i32
        %add3A_413 = arith.addi %add3A_411, %add3A_412 : i32
        %dma_wait3A_414 = arith.constant 1 : i32
        %dma_wait3A_415 = arith.constant 0 : i32
        %dma_wait3A_416 = tpu.memref_slice %arg6[%dma_wait3A_414, %dma_wait3A_415] : memref<4x80xi32, #tpu.memory_space<vmem>> -> memref<1x80xi32, #tpu.memory_space<vmem>>
        %dma_wait3A_417 = tpu.memref_squeeze %dma_wait3A_416 : memref<1x80xi32, #tpu.memory_space<vmem>> -> memref<80xi32, #tpu.memory_space<vmem>>
        %dma_wait3A_418 = arith.constant 0 : i32
        %dma_wait3A_419 = tpu.memref_slice %arg3[%arg1, %add3A_413, %dma_wait3A_418] : memref<16x128x80xi32, #tpu.memory_space<hbm>> -> memref<1x1x80xi32, #tpu.memory_space<hbm>>
        %dma_wait3A_420 = tpu.memref_squeeze %dma_wait3A_419 : memref<1x1x80xi32, #tpu.memory_space<hbm>> -> memref<80xi32, #tpu.memory_space<hbm>>
        %dma_wait3A_421 = arith.constant 0 : i32
        %dma_wait3A_422 = tpu.memref_slice %arg6[%dma_wait3A_414, %dma_wait3A_421] : memref<4x80xi32, #tpu.memory_space<vmem>> -> memref<1x80xi32, #tpu.memory_space<vmem>>
        %dma_wait3A_423 = tpu.memref_squeeze %dma_wait3A_422 : memref<1x80xi32, #tpu.memory_space<vmem>> -> memref<80xi32, #tpu.memory_space<vmem>>
        %dma_wait3A_424 = arith.constant 0 : i32
        %dma_wait3A_425 = tpu.memref_slice %arg3[%arg1, %add3A_413, %dma_wait3A_424] : memref<16x128x80xi32, #tpu.memory_space<hbm>> -> memref<1x1x80xi32, #tpu.memory_space<hbm>>
        %dma_wait3A_426 = tpu.memref_squeeze %dma_wait3A_425 : memref<1x1x80xi32, #tpu.memory_space<hbm>> -> memref<80xi32, #tpu.memory_space<hbm>>
        tpu.wait_dma2 semaphore(%arg14 : memref<!tpu.dma_semaphore, #tpu.memory_space<semaphore_mem>>) src(%dma_wait3A_426 : memref<80xi32, #tpu.memory_space<hbm>>) dst(%dma_wait3A_423 : memref<80xi32, #tpu.memory_space<vmem>>)
        %dma_start3A_427 = arith.constant 1 : i32
        %dma_start3A_428 = arith.constant 0 : i32
        %dma_start3A_429 = tpu.memref_slice %arg6[%dma_start3A_427, %dma_start3A_428] : memref<4x80xi32, #tpu.memory_space<vmem>> -> memref<1x80xi32, #tpu.memory_space<vmem>>
        %dma_start3A_430 = tpu.memref_squeeze %dma_start3A_429 : memref<1x80xi32, #tpu.memory_space<vmem>> -> memref<80xi32, #tpu.memory_space<vmem>>
        %dma_start3A_431 = arith.constant 0 : i32
        %dma_start3A_432 = arith.constant 0 : i32
        %dma_start3A_433 = tpu.memref_slice %arg2[%arg0, %dma_start3A_431, %dma_start3A_432] : memref<2x10000x128xf32, #tpu.memory_space<hbm>> -> memref<1x10000x128xf32, #tpu.memory_space<hbm>>
        %dma_start3A_434 = tpu.memref_squeeze %dma_start3A_433 : memref<1x10000x128xf32, #tpu.memory_space<hbm>> -> memref<10000x128xf32, #tpu.memory_space<hbm>>
        %dma_start3A_435 = arith.constant 0 : i32
        %dma_start3A_436 = arith.constant 0 : i32
        %dma_start3A_437 = tpu.memref_slice %dma_start3A_434[%dma_start3A_435, %dma_start3A_436] : memref<10000x128xf32, #tpu.memory_space<hbm>> -> memref<10000x128xf32, #tpu.memory_space<hbm>>
        tpu.enqueue_indirect_dma source(%dma_start3A_437 : memref<10000x128xf32, #tpu.memory_space<hbm>>) target(%arg9 : memref<80x128xf32, #tpu.memory_space<vmem>>) offsets(%dma_start3A_430 : memref<80xi32, #tpu.memory_space<vmem>>) semaphore(%arg22 : memref<!tpu.dma_semaphore, #tpu.memory_space<semaphore_mem>>)
      } else {
      }
      %dma_wait3A_365 = arith.constant 3 : i32
      %dma_wait3A_366 = arith.constant 0 : i32
      %dma_wait3A_367 = tpu.memref_slice %arg6[%dma_wait3A_365, %dma_wait3A_366] : memref<4x80xi32, #tpu.memory_space<vmem>> -> memref<1x80xi32, #tpu.memory_space<vmem>>
      %dma_wait3A_368 = tpu.memref_squeeze %dma_wait3A_367 : memref<1x80xi32, #tpu.memory_space<vmem>> -> memref<80xi32, #tpu.memory_space<vmem>>
      %dma_wait3A_369 = arith.constant 0 : i32
      %dma_wait3A_370 = arith.constant 0 : i32
      %dma_wait3A_371 = tpu.memref_slice %arg2[%arg0, %dma_wait3A_369, %dma_wait3A_370] : memref<2x10000x128xf32, #tpu.memory_space<hbm>> -> memref<1x10000x128xf32, #tpu.memory_space<hbm>>
      %dma_wait3A_372 = tpu.memref_squeeze %dma_wait3A_371 : memref<1x10000x128xf32, #tpu.memory_space<hbm>> -> memref<10000x128xf32, #tpu.memory_space<hbm>>
      %dma_wait3A_373 = arith.constant 0 : i32
      %dma_wait3A_374 = arith.constant 0 : i32
      %dma_wait3A_375 = tpu.memref_slice %dma_wait3A_372[%dma_wait3A_373, %dma_wait3A_374] : memref<10000x128xf32, #tpu.memory_space<hbm>> -> memref<10000x128xf32, #tpu.memory_space<hbm>>
      tpu.wait_indirect_dma semaphore(%arg24 : memref<!tpu.dma_semaphore, #tpu.memory_space<semaphore_mem>>) src(%dma_wait3A_375 : memref<10000x128xf32, #tpu.memory_space<hbm>>) dst(%arg11 : memref<80x128xf32, #tpu.memory_space<vmem>>)
      %add3A_376 = arith.constant 3 : i32
      %add3A_377 = arith.addi %mul3A_233, %add3A_376 : i32
      %dma_wait3A_378 = arith.constant 3 : i32
      %dma_wait3A_379 = arith.constant 0 : i32
      %dma_wait3A_380 = tpu.memref_slice %arg7[%dma_wait3A_378, %dma_wait3A_379] : memref<4x80xi32, #tpu.memory_space<vmem>> -> memref<1x80xi32, #tpu.memory_space<vmem>>
      %dma_wait3A_381 = tpu.memref_squeeze %dma_wait3A_380 : memref<1x80xi32, #tpu.memory_space<vmem>> -> memref<80xi32, #tpu.memory_space<vmem>>
      %dma_wait3A_382 = arith.constant 0 : i32
      %dma_wait3A_383 = tpu.memref_slice %arg4[%arg1, %add3A_377, %dma_wait3A_382] : memref<16x128x80xi32, #tpu.memory_space<hbm>> -> memref<1x1x80xi32, #tpu.memory_space<hbm>>
      %dma_wait3A_384 = tpu.memref_squeeze %dma_wait3A_383 : memref<1x1x80xi32, #tpu.memory_space<hbm>> -> memref<80xi32, #tpu.memory_space<hbm>>
      %dma_wait3A_385 = arith.constant 0 : i32
      %dma_wait3A_386 = tpu.memref_slice %arg7[%dma_wait3A_378, %dma_wait3A_385] : memref<4x80xi32, #tpu.memory_space<vmem>> -> memref<1x80xi32, #tpu.memory_space<vmem>>
      %dma_wait3A_387 = tpu.memref_squeeze %dma_wait3A_386 : memref<1x80xi32, #tpu.memory_space<vmem>> -> memref<80xi32, #tpu.memory_space<vmem>>
      %dma_wait3A_388 = arith.constant 0 : i32
      %dma_wait3A_389 = tpu.memref_slice %arg4[%arg1, %add3A_377, %dma_wait3A_388] : memref<16x128x80xi32, #tpu.memory_space<hbm>> -> memref<1x1x80xi32, #tpu.memory_space<hbm>>
      %dma_wait3A_390 = tpu.memref_squeeze %dma_wait3A_389 : memref<1x1x80xi32, #tpu.memory_space<hbm>> -> memref<80xi32, #tpu.memory_space<hbm>>
      tpu.wait_dma2 semaphore(%arg20 : memref<!tpu.dma_semaphore, #tpu.memory_space<semaphore_mem>>) src(%dma_wait3A_390 : memref<80xi32, #tpu.memory_space<hbm>>) dst(%dma_wait3A_387 : memref<80xi32, #tpu.memory_space<vmem>>)
      %run_scoped3A_391 = arith.constant 3 : i32
      "tpu.region"() ({
        %run_scoped3A_410 = tpu.sem_alloc : memref<!tpu.dma_semaphore, #tpu.memory_space<semaphore_mem>>
        %dma_start3A_411 = arith.constant 0 : i32
        %dma_start3A_412 = tpu.memref_slice %arg7[%run_scoped3A_391, %dma_start3A_411] : memref<4x80xi32, #tpu.memory_space<vmem>> -> memref<1x80xi32, #tpu.memory_space<vmem>>
        %dma_start3A_413 = tpu.memref_squeeze %dma_start3A_412 : memref<1x80xi32, #tpu.memory_space<vmem>> -> memref<80xi32, #tpu.memory_space<vmem>>
        %dma_start3A_414 = arith.constant 0 : i32
        %dma_start3A_415 = arith.constant 0 : i32
        %dma_start3A_416 = tpu.memref_slice %arg12[%dma_start3A_414, %dma_start3A_415] : memref<10240x128xf32, #tpu.memory_space<vmem_shared>> -> memref<10240x128xf32, #tpu.memory_space<vmem_shared>>
        tpu.enqueue_indirect_dma source(%arg11 : memref<80x128xf32, #tpu.memory_space<vmem>>) target(%dma_start3A_416 : memref<10240x128xf32, #tpu.memory_space<vmem_shared>>) offsets(%dma_start3A_413 : memref<80xi32, #tpu.memory_space<vmem>>) semaphore(%run_scoped3A_410 : memref<!tpu.dma_semaphore, #tpu.memory_space<semaphore_mem>>) {add = true}
        %dma_wait3A_417 = arith.constant 0 : i32
        %dma_wait3A_418 = tpu.memref_slice %arg7[%run_scoped3A_391, %dma_wait3A_417] : memref<4x80xi32, #tpu.memory_space<vmem>> -> memref<1x80xi32, #tpu.memory_space<vmem>>
        %dma_wait3A_419 = tpu.memref_squeeze %dma_wait3A_418 : memref<1x80xi32, #tpu.memory_space<vmem>> -> memref<80xi32, #tpu.memory_space<vmem>>
        %dma_wait3A_420 = arith.constant 0 : i32
        %dma_wait3A_421 = arith.constant 0 : i32
        %dma_wait3A_422 = tpu.memref_slice %arg12[%dma_wait3A_420, %dma_wait3A_421] : memref<10240x128xf32, #tpu.memory_space<vmem_shared>> -> memref<10240x128xf32, #tpu.memory_space<vmem_shared>>
        tpu.wait_indirect_dma semaphore(%run_scoped3A_410 : memref<!tpu.dma_semaphore, #tpu.memory_space<semaphore_mem>>) src(%arg11 : memref<80x128xf32, #tpu.memory_space<vmem>>) dst(%dma_wait3A_422 : memref<10240x128xf32, #tpu.memory_space<vmem_shared>>)
        tpu.yield
      }) : () -> ()
      %add3A_392 = arith.constant 3 : i32
      %add3A_393 = arith.addi %mul3A_233, %add3A_392 : i32
      %add3A_394 = arith.constant 4 : i32
      %add3A_395 = arith.addi %add3A_393, %add3A_394 : i32
      %lt3A_396 = arith.constant 128 : i32
      %lt3A_397 = arith.cmpi slt, %add3A_395, %lt3A_396 : i32
      %convert_element_type3A_398 = arith.extui %lt3A_397 : i1 to i32
      %cond3A_399 = arith.constant 0 : i32
      %cond3A_400 = arith.cmpi ne, %convert_element_type3A_398, %cond3A_399 : i32
      scf.if %cond3A_400 {
        %add3A_410 = arith.constant 3 : i32
        %add3A_411 = arith.addi %mul3A_233, %add3A_410 : i32
        %add3A_412 = arith.constant 4 : i32
        %add3A_413 = arith.addi %add3A_411, %add3A_412 : i32
        %dma_start3A_414 = arith.constant 3 : i32
        %dma_start3A_415 = arith.constant 0 : i32
        %dma_start3A_416 = tpu.memref_slice %arg6[%dma_start3A_414, %dma_start3A_415] : memref<4x80xi32, #tpu.memory_space<vmem>> -> memref<1x80xi32, #tpu.memory_space<vmem>>
        %dma_start3A_417 = tpu.memref_squeeze %dma_start3A_416 : memref<1x80xi32, #tpu.memory_space<vmem>> -> memref<80xi32, #tpu.memory_space<vmem>>
        %dma_start3A_418 = arith.constant 0 : i32
        %dma_start3A_419 = tpu.memref_slice %arg3[%arg1, %add3A_413, %dma_start3A_418] : memref<16x128x80xi32, #tpu.memory_space<hbm>> -> memref<1x1x80xi32, #tpu.memory_space<hbm>>
        %dma_start3A_420 = tpu.memref_squeeze %dma_start3A_419 : memref<1x1x80xi32, #tpu.memory_space<hbm>> -> memref<80xi32, #tpu.memory_space<hbm>>
        %dma_start3A_421 = arith.constant 0 : i32
        %dma_start3A_422 = tpu.memref_slice %arg6[%dma_start3A_414, %dma_start3A_421] : memref<4x80xi32, #tpu.memory_space<vmem>> -> memref<1x80xi32, #tpu.memory_space<vmem>>
        %dma_start3A_423 = tpu.memref_squeeze %dma_start3A_422 : memref<1x80xi32, #tpu.memory_space<vmem>> -> memref<80xi32, #tpu.memory_space<vmem>>
        %dma_start3A_424 = arith.constant 0 : i32
        %dma_start3A_425 = tpu.memref_slice %arg3[%arg1, %add3A_413, %dma_start3A_424] : memref<16x128x80xi32, #tpu.memory_space<hbm>> -> memref<1x1x80xi32, #tpu.memory_space<hbm>>
        %dma_start3A_426 = tpu.memref_squeeze %dma_start3A_425 : memref<1x1x80xi32, #tpu.memory_space<hbm>> -> memref<80xi32, #tpu.memory_space<hbm>>
        tpu.enqueue_dma source(%dma_start3A_426 : memref<80xi32, #tpu.memory_space<hbm>>) target(%dma_start3A_423 : memref<80xi32, #tpu.memory_space<vmem>>) target_semaphore(%arg16 : memref<!tpu.dma_semaphore, #tpu.memory_space<semaphore_mem>>)
        %dma_start3A_427 = arith.constant 3 : i32
        %dma_start3A_428 = arith.constant 0 : i32
        %dma_start3A_429 = tpu.memref_slice %arg7[%dma_start3A_427, %dma_start3A_428] : memref<4x80xi32, #tpu.memory_space<vmem>> -> memref<1x80xi32, #tpu.memory_space<vmem>>
        %dma_start3A_430 = tpu.memref_squeeze %dma_start3A_429 : memref<1x80xi32, #tpu.memory_space<vmem>> -> memref<80xi32, #tpu.memory_space<vmem>>
        %dma_start3A_431 = arith.constant 0 : i32
        %dma_start3A_432 = tpu.memref_slice %arg4[%arg1, %add3A_413, %dma_start3A_431] : memref<16x128x80xi32, #tpu.memory_space<hbm>> -> memref<1x1x80xi32, #tpu.memory_space<hbm>>
        %dma_start3A_433 = tpu.memref_squeeze %dma_start3A_432 : memref<1x1x80xi32, #tpu.memory_space<hbm>> -> memref<80xi32, #tpu.memory_space<hbm>>
        %dma_start3A_434 = arith.constant 0 : i32
        %dma_start3A_435 = tpu.memref_slice %arg7[%dma_start3A_427, %dma_start3A_434] : memref<4x80xi32, #tpu.memory_space<vmem>> -> memref<1x80xi32, #tpu.memory_space<vmem>>
        %dma_start3A_436 = tpu.memref_squeeze %dma_start3A_435 : memref<1x80xi32, #tpu.memory_space<vmem>> -> memref<80xi32, #tpu.memory_space<vmem>>
        %dma_start3A_437 = arith.constant 0 : i32
        %dma_start3A_438 = tpu.memref_slice %arg4[%arg1, %add3A_413, %dma_start3A_437] : memref<16x128x80xi32, #tpu.memory_space<hbm>> -> memref<1x1x80xi32, #tpu.memory_space<hbm>>
        %dma_start3A_439 = tpu.memref_squeeze %dma_start3A_438 : memref<1x1x80xi32, #tpu.memory_space<hbm>> -> memref<80xi32, #tpu.memory_space<hbm>>
        tpu.enqueue_dma source(%dma_start3A_439 : memref<80xi32, #tpu.memory_space<hbm>>) target(%dma_start3A_436 : memref<80xi32, #tpu.memory_space<vmem>>) target_semaphore(%arg20 : memref<!tpu.dma_semaphore, #tpu.memory_space<semaphore_mem>>)
      } else {
      }
      %add3A_401 = arith.constant 3 : i32
      %add3A_402 = arith.addi %mul3A_233, %add3A_401 : i32
      %add3A_403 = arith.constant 3 : i32
      %add3A_404 = arith.addi %add3A_402, %add3A_403 : i32
      %lt3A_405 = arith.constant 128 : i32
      %lt3A_406 = arith.cmpi slt, %add3A_404, %lt3A_405 : i32
      %convert_element_type3A_407 = arith.extui %lt3A_406 : i1 to i32
      %cond3A_408 = arith.constant 0 : i32
      %cond3A_409 = arith.cmpi ne, %convert_element_type3A_407, %cond3A_408 : i32
      scf.if %cond3A_409 {
        %add3A_410 = arith.constant 3 : i32
        %add3A_411 = arith.addi %mul3A_233, %add3A_410 : i32
        %add3A_412 = arith.constant 3 : i32
        %add3A_413 = arith.addi %add3A_411, %add3A_412 : i32
        %dma_wait3A_414 = arith.constant 2 : i32
        %dma_wait3A_415 = arith.constant 0 : i32
        %dma_wait3A_416 = tpu.memref_slice %arg6[%dma_wait3A_414, %dma_wait3A_415] : memref<4x80xi32, #tpu.memory_space<vmem>> -> memref<1x80xi32, #tpu.memory_space<vmem>>
        %dma_wait3A_417 = tpu.memref_squeeze %dma_wait3A_416 : memref<1x80xi32, #tpu.memory_space<vmem>> -> memref<80xi32, #tpu.memory_space<vmem>>
        %dma_wait3A_418 = arith.constant 0 : i32
        %dma_wait3A_419 = tpu.memref_slice %arg3[%arg1, %add3A_413, %dma_wait3A_418] : memref<16x128x80xi32, #tpu.memory_space<hbm>> -> memref<1x1x80xi32, #tpu.memory_space<hbm>>
        %dma_wait3A_420 = tpu.memref_squeeze %dma_wait3A_419 : memref<1x1x80xi32, #tpu.memory_space<hbm>> -> memref<80xi32, #tpu.memory_space<hbm>>
        %dma_wait3A_421 = arith.constant 0 : i32
        %dma_wait3A_422 = tpu.memref_slice %arg6[%dma_wait3A_414, %dma_wait3A_421] : memref<4x80xi32, #tpu.memory_space<vmem>> -> memref<1x80xi32, #tpu.memory_space<vmem>>
        %dma_wait3A_423 = tpu.memref_squeeze %dma_wait3A_422 : memref<1x80xi32, #tpu.memory_space<vmem>> -> memref<80xi32, #tpu.memory_space<vmem>>
        %dma_wait3A_424 = arith.constant 0 : i32
        %dma_wait3A_425 = tpu.memref_slice %arg3[%arg1, %add3A_413, %dma_wait3A_424] : memref<16x128x80xi32, #tpu.memory_space<hbm>> -> memref<1x1x80xi32, #tpu.memory_space<hbm>>
        %dma_wait3A_426 = tpu.memref_squeeze %dma_wait3A_425 : memref<1x1x80xi32, #tpu.memory_space<hbm>> -> memref<80xi32, #tpu.memory_space<hbm>>
        tpu.wait_dma2 semaphore(%arg15 : memref<!tpu.dma_semaphore, #tpu.memory_space<semaphore_mem>>) src(%dma_wait3A_426 : memref<80xi32, #tpu.memory_space<hbm>>) dst(%dma_wait3A_423 : memref<80xi32, #tpu.memory_space<vmem>>)
        %dma_start3A_427 = arith.constant 2 : i32
        %dma_start3A_428 = arith.constant 0 : i32
        %dma_start3A_429 = tpu.memref_slice %arg6[%dma_start3A_427, %dma_start3A_428] : memref<4x80xi32, #tpu.memory_space<vmem>> -> memref<1x80xi32, #tpu.memory_space<vmem>>
        %dma_start3A_430 = tpu.memref_squeeze %dma_start3A_429 : memref<1x80xi32, #tpu.memory_space<vmem>> -> memref<80xi32, #tpu.memory_space<vmem>>
        %dma_start3A_431 = arith.constant 0 : i32
        %dma_start3A_432 = arith.constant 0 : i32
        %dma_start3A_433 = tpu.memref_slice %arg2[%arg0, %dma_start3A_431, %dma_start3A_432] : memref<2x10000x128xf32, #tpu.memory_space<hbm>> -> memref<1x10000x128xf32, #tpu.memory_space<hbm>>
        %dma_start3A_434 = tpu.memref_squeeze %dma_start3A_433 : memref<1x10000x128xf32, #tpu.memory_space<hbm>> -> memref<10000x128xf32, #tpu.memory_space<hbm>>
        %dma_start3A_435 = arith.constant 0 : i32
        %dma_start3A_436 = arith.constant 0 : i32
        %dma_start3A_437 = tpu.memref_slice %dma_start3A_434[%dma_start3A_435, %dma_start3A_436] : memref<10000x128xf32, #tpu.memory_space<hbm>> -> memref<10000x128xf32, #tpu.memory_space<hbm>>
        tpu.enqueue_indirect_dma source(%dma_start3A_437 : memref<10000x128xf32, #tpu.memory_space<hbm>>) target(%arg10 : memref<80x128xf32, #tpu.memory_space<vmem>>) offsets(%dma_start3A_430 : memref<80xi32, #tpu.memory_space<vmem>>) semaphore(%arg23 : memref<!tpu.dma_semaphore, #tpu.memory_space<semaphore_mem>>)
      } else {
      }
    }
    %scan3A_225 = arith.constant 32 : i32
    %barrier3A_226 = arith.constant 0 : index
    tpu.barrier barrier_id(%barrier3A_226)
    %mul3A_227 = arith.constant 640 : i32
    %mul3A_228 = arith.muli %arg1, %mul3A_227 : i32
    %mul3A_229 = arith.constant 640 : i32
    %mul3A_230 = arith.muli %arg1, %mul3A_229 : i32
    "tpu.region"() ({
      %run_scoped3A = tpu.sem_alloc : memref<!tpu.dma_semaphore, #tpu.memory_space<semaphore_mem>>
      %dma_start3A_231 = arith.constant 0 : i32
      %dma_start3A_232 = tpu.memref_slice %arg5[%arg0, %mul3A_230, %dma_start3A_231] : memref<2x10240x128xf32, #tpu.memory_space<hbm>> -> memref<1x640x128xf32, #tpu.memory_space<hbm>>
      %dma_start3A_233 = tpu.memref_squeeze %dma_start3A_232 : memref<1x640x128xf32, #tpu.memory_space<hbm>> -> memref<640x128xf32, #tpu.memory_space<hbm>>
      %dma_start3A_234 = arith.constant 0 : i32
      %dma_start3A_235 = tpu.memref_slice %arg12[%mul3A_228, %dma_start3A_234] : memref<10240x128xf32, #tpu.memory_space<vmem_shared>> -> memref<640x128xf32, #tpu.memory_space<vmem_shared>>
      tpu.enqueue_dma source(%dma_start3A_235 : memref<640x128xf32, #tpu.memory_space<vmem_shared>>) target(%dma_start3A_233 : memref<640x128xf32, #tpu.memory_space<hbm>>) target_semaphore(%run_scoped3A : memref<!tpu.dma_semaphore, #tpu.memory_space<semaphore_mem>>)
      %dma_wait3A_236 = arith.constant 0 : i32
      %dma_wait3A_237 = tpu.memref_slice %arg5[%arg0, %mul3A_230, %dma_wait3A_236] : memref<2x10240x128xf32, #tpu.memory_space<hbm>> -> memref<1x640x128xf32, #tpu.memory_space<hbm>>
      %dma_wait3A_238 = tpu.memref_squeeze %dma_wait3A_237 : memref<1x640x128xf32, #tpu.memory_space<hbm>> -> memref<640x128xf32, #tpu.memory_space<hbm>>
      %dma_wait3A_239 = arith.constant 0 : i32
      %dma_wait3A_240 = tpu.memref_slice %arg12[%mul3A_228, %dma_wait3A_239] : memref<10240x128xf32, #tpu.memory_space<vmem_shared>> -> memref<640x128xf32, #tpu.memory_space<vmem_shared>>
      tpu.wait_dma2 semaphore(%run_scoped3A : memref<!tpu.dma_semaphore, #tpu.memory_space<semaphore_mem>>) src(%dma_wait3A_240 : memref<640x128xf32, #tpu.memory_space<vmem_shared>>) dst(%dma_wait3A_238 : memref<640x128xf32, #tpu.memory_space<hbm>>)
      tpu.yield
    }) : () -> ()
    return
  }
}

module attributes {stable_mosaic.version = 14 : i64} {
  func.func @_tc_dense_body(%arg0: i32, %arg1: memref<2000x256xf32, #tpu.memory_space<vmem>>, %arg2: memref<256x256xf32, #tpu.memory_space<vmem>>, %arg3: memref<256x256xf32, #tpu.memory_space<vmem>>, %arg4: memref<1x256xf32, #tpu.memory_space<vmem>>, %arg5: memref<256x256xf32, #tpu.memory_space<vmem>>, %arg6: memref<2000x2xf32, #tpu.memory_space<vmem>>, %arg7: memref<2x2000x128xf32, #tpu.memory_space<vmem>>, %arg8: memref<2000x256xf32, #tpu.memory_space<vmem>>, %arg9: memref<2000x256xf32, #tpu.memory_space<vmem>>) attributes {dimension_semantics = [#tpu.dimension_semantics<arbitrary>], iteration_bounds = array<i64: 5>, scalar_prefetch = 0 : i64, scratch_operands = 0 : i64, tpu.core_type = #tpu.core_type<tc>, window_params = [{transform_indices = @transform_0, window_bounds = array<i64: 2000, 256>}, {pipeline_mode = #tpu.pipeline_mode<synchronous>, transform_indices = @transform_1, window_bounds = array<i64: 256, 256>}, {pipeline_mode = #tpu.pipeline_mode<synchronous>, transform_indices = @transform_2, window_bounds = array<i64: 256, 256>}, {pipeline_mode = #tpu.pipeline_mode<synchronous>, transform_indices = @transform_3, window_bounds = array<i64: 1, 256>}, {pipeline_mode = #tpu.pipeline_mode<synchronous>, transform_indices = @transform_4, window_bounds = array<i64: 256, 256>}, {transform_indices = @transform_5, window_bounds = array<i64: 2000, 2>}, {transform_indices = @transform_6, window_bounds = array<i64: 2, 2000, 128>}, {transform_indices = @transform_7, window_bounds = array<i64: 2000, 256>}, {transform_indices = @transform_8, window_bounds = array<i64: 2000, 256>}]} {
    %get3A = arith.constant 0 : index
    %get3A_0 = arith.constant 0 : index
    %get3A_1 = vector.load %arg1[%get3A, %get3A_0] : memref<2000x256xf32, #tpu.memory_space<vmem>>, vector<2000x256xf32>
    %get3A_2 = arith.constant 0 : index
    %get3A_3 = arith.constant 0 : index
    %get3A_4 = vector.load %arg6[%get3A_2, %get3A_3] : memref<2000x2xf32, #tpu.memory_space<vmem>>, vector<2000x1xf32>
    %get3A_5 = vector.shape_cast %get3A_4 : vector<2000x1xf32> to vector<2000xf32>
    %get3A_6 = arith.constant 0 : index
    %get3A_7 = arith.constant 1 : index
    %get3A_8 = vector.load %arg6[%get3A_6, %get3A_7] : memref<2000x2xf32, #tpu.memory_space<vmem>>, vector<2000x1xf32>
    %get3A_9 = vector.shape_cast %get3A_8 : vector<2000x1xf32> to vector<2000xf32>
    %add3A = arith.addf %get3A_5, %get3A_9 : vector<2000xf32>
    %add3A_10 = arith.constant 9.99999997E-7 : f32
    %add3A_11 = vector.broadcast %add3A_10 : f32 to vector<2000xf32>
    %add3A_12 = arith.addf %add3A, %add3A_11 : vector<2000xf32>
    %rsqrt3A = math.rsqrt %add3A_12 : vector<2000xf32>
    %broadcast_in_dim3A = vector.shape_cast %rsqrt3A : vector<2000xf32> to vector<2000x1xf32>
    %get3A_13 = arith.constant 0 : index
    %get3A_14 = arith.constant 0 : index
    %get3A_15 = vector.load %arg2[%get3A_13, %get3A_14] : memref<256x256xf32, #tpu.memory_space<vmem>>, vector<256x256xf32>
    %dot_general3A = arith.constant dense<0.000000e+00> : vector<2000x256xf32>
    %dot_general3A_16 = tpu.matmul %get3A_1, %get3A_15, %dot_general3A {dimension_numbers = #tpu.dot_dimension_numbers<[1], [0], [0], [1], [0, 0, 1, 1], [], []>, transpose_lhs_hint = false} : vector<2000x256xf32>, vector<256x256xf32>, vector<2000x256xf32> -> vector<2000x256xf32>
    %mul3A = vector.broadcast %broadcast_in_dim3A : vector<2000x1xf32> to vector<2000x256xf32>
    %mul3A_17 = arith.mulf %dot_general3A_16, %mul3A : vector<2000x256xf32>
    %slice3A = vector.extract_strided_slice %mul3A_17 {offsets = [0, 0], sizes = [2000, 128], strides = [1, 1]} : vector<2000x256xf32> to vector<2000x128xf32>
    %swap3A = arith.constant 0 : index
    %swap3A_18 = arith.constant 0 : index
    %swap3A_19 = arith.constant 0 : index
    %swap3A_20 = vector.load %arg7[%swap3A, %swap3A_18, %swap3A_19] : memref<2x2000x128xf32, #tpu.memory_space<vmem>>, vector<1x2000x128xf32>
    %swap3A_21 = vector.shape_cast %swap3A_20 : vector<1x2000x128xf32> to vector<2000x128xf32>
    %swap3A_22 = vector.shape_cast %slice3A : vector<2000x128xf32> to vector<1x2000x128xf32>
    tpu.vector_store %arg7[%swap3A, %swap3A_18, %swap3A_19], %swap3A_22 {strides = array<i32>} : memref<2x2000x128xf32, #tpu.memory_space<vmem>>, vector<1x2000x128xf32>,
    %slice3A_23 = vector.extract_strided_slice %mul3A_17 {offsets = [0, 128], sizes = [2000, 128], strides = [1, 1]} : vector<2000x256xf32> to vector<2000x128xf32>
    %swap3A_24 = arith.constant 1 : index
    %swap3A_25 = arith.constant 0 : index
    %swap3A_26 = arith.constant 0 : index
    %swap3A_27 = vector.load %arg7[%swap3A_24, %swap3A_25, %swap3A_26] : memref<2x2000x128xf32, #tpu.memory_space<vmem>>, vector<1x2000x128xf32>
    %swap3A_28 = vector.shape_cast %swap3A_27 : vector<1x2000x128xf32> to vector<2000x128xf32>
    %swap3A_29 = vector.shape_cast %slice3A_23 : vector<2000x128xf32> to vector<1x2000x128xf32>
    tpu.vector_store %arg7[%swap3A_24, %swap3A_25, %swap3A_26], %swap3A_29 {strides = array<i32>} : memref<2x2000x128xf32, #tpu.memory_space<vmem>>, vector<1x2000x128xf32>,
    %get3A_30 = arith.constant 0 : index
    %get3A_31 = arith.constant 0 : index
    %get3A_32 = vector.load %arg3[%get3A_30, %get3A_31] : memref<256x256xf32, #tpu.memory_space<vmem>>, vector<256x256xf32>
    %dot_general3A_33 = arith.constant dense<0.000000e+00> : vector<2000x256xf32>
    %dot_general3A_34 = tpu.matmul %get3A_1, %get3A_32, %dot_general3A_33 {dimension_numbers = #tpu.dot_dimension_numbers<[1], [0], [0], [1], [0, 0, 1, 1], [], []>, transpose_lhs_hint = false} : vector<2000x256xf32>, vector<256x256xf32>, vector<2000x256xf32> -> vector<2000x256xf32>
    %get3A_35 = arith.constant 0 : index
    %get3A_36 = arith.constant 0 : index
    %get3A_37 = vector.load %arg4[%get3A_35, %get3A_36] : memref<1x256xf32, #tpu.memory_space<vmem>>, vector<1x256xf32>
    %get3A_38 = vector.shape_cast %get3A_37 : vector<1x256xf32> to vector<256xf32>
    %broadcast_in_dim3A_39 = vector.shape_cast %get3A_38 : vector<256xf32> to vector<1x256xf32>
    %add3A_40 = vector.broadcast %broadcast_in_dim3A_39 : vector<1x256xf32> to vector<2000x256xf32>
    %add3A_41 = arith.addf %dot_general3A_34, %add3A_40 : vector<2000x256xf32>
    %logistic3A = arith.negf %add3A_41 : vector<2000x256xf32>
    %logistic3A_42 = math.exp %logistic3A : vector<2000x256xf32>
    %logistic3A_43 = arith.constant 1.000000e+00 : f32
    %logistic3A_44 = vector.broadcast %logistic3A_43 : f32 to vector<2000x256xf32>
    %logistic3A_45 = arith.addf %logistic3A_44, %logistic3A_42 : vector<2000x256xf32>
    %logistic3A_46 = arith.divf %logistic3A_44, %logistic3A_45 : vector<2000x256xf32>
    %swap3A_47 = arith.constant 0 : index
    %swap3A_48 = arith.constant 0 : index
    %swap3A_49 = vector.load %arg8[%swap3A_47, %swap3A_48] : memref<2000x256xf32, #tpu.memory_space<vmem>>, vector<2000x256xf32>
    tpu.vector_store %arg8[%swap3A_47, %swap3A_48], %logistic3A_46 {strides = array<i32>} : memref<2000x256xf32, #tpu.memory_space<vmem>>, vector<2000x256xf32>,
    %sub3A = arith.constant 1.000000e+00 : f32
    %sub3A_50 = vector.broadcast %sub3A : f32 to vector<2000x256xf32>
    %sub3A_51 = arith.subf %sub3A_50, %logistic3A_46 : vector<2000x256xf32>
    %get3A_52 = arith.constant 0 : index
    %get3A_53 = arith.constant 0 : index
    %get3A_54 = vector.load %arg5[%get3A_52, %get3A_53] : memref<256x256xf32, #tpu.memory_space<vmem>>, vector<256x256xf32>
    %dot_general3A_55 = arith.constant dense<0.000000e+00> : vector<2000x256xf32>
    %dot_general3A_56 = tpu.matmul %get3A_1, %get3A_54, %dot_general3A_55 {dimension_numbers = #tpu.dot_dimension_numbers<[1], [0], [0], [1], [0, 0, 1, 1], [], []>, transpose_lhs_hint = false} : vector<2000x256xf32>, vector<256x256xf32>, vector<2000x256xf32> -> vector<2000x256xf32>
    %mul3A_57 = arith.mulf %sub3A_51, %dot_general3A_56 : vector<2000x256xf32>
    %swap3A_58 = arith.constant 0 : index
    %swap3A_59 = arith.constant 0 : index
    %swap3A_60 = vector.load %arg9[%swap3A_58, %swap3A_59] : memref<2000x256xf32, #tpu.memory_space<vmem>>, vector<2000x256xf32>
    tpu.vector_store %arg9[%swap3A_58, %swap3A_59], %mul3A_57 {strides = array<i32>} : memref<2000x256xf32, #tpu.memory_space<vmem>>, vector<2000x256xf32>,
    return
  }
  func.func @transform_0(%arg0: i32) -> (i32, i32) {
    %c0_i32 = arith.constant 0 : i32
    %c0_i32_0 = arith.constant 0 : i32
    return %arg0, %c0_i32 : i32, i32
  }
  func.func @transform_1(%arg0: i32) -> (i32, i32) {
    %c0_i32 = arith.constant 0 : i32
    %c0_i32_0 = arith.constant 0 : i32
    %c0_i32_1 = arith.constant 0 : i32
    return %c0_i32, %c0_i32_0 : i32, i32
  }
  func.func @transform_2(%arg0: i32) -> (i32, i32) {
    %c0_i32 = arith.constant 0 : i32
    %c0_i32_0 = arith.constant 0 : i32
    %c0_i32_1 = arith.constant 0 : i32
    return %c0_i32, %c0_i32_0 : i32, i32
  }
  func.func @transform_3(%arg0: i32) -> (i32, i32) {
    %c0_i32 = arith.constant 0 : i32
    %c0_i32_0 = arith.constant 0 : i32
    %c0_i32_1 = arith.constant 0 : i32
    return %c0_i32, %c0_i32_0 : i32, i32
  }
  func.func @transform_4(%arg0: i32) -> (i32, i32) {
    %c0_i32 = arith.constant 0 : i32
    %c0_i32_0 = arith.constant 0 : i32
    %c0_i32_1 = arith.constant 0 : i32
    return %c0_i32, %c0_i32_0 : i32, i32
  }
  func.func @transform_5(%arg0: i32) -> (i32, i32) {
    %c0_i32 = arith.constant 0 : i32
    %c0_i32_0 = arith.constant 0 : i32
    return %arg0, %c0_i32 : i32, i32
  }
  func.func @transform_6(%arg0: i32) -> (i32, i32, i32) {
    %c0_i32 = arith.constant 0 : i32
    %c0_i32_0 = arith.constant 0 : i32
    %c0_i32_1 = arith.constant 0 : i32
    return %c0_i32, %arg0, %c0_i32_0 : i32, i32, i32
  }
  func.func @transform_7(%arg0: i32) -> (i32, i32) {
    %c0_i32 = arith.constant 0 : i32
    %c0_i32_0 = arith.constant 0 : i32
    return %arg0, %c0_i32 : i32, i32
  }
  func.func @transform_8(%arg0: i32) -> (i32, i32) {
    %c0_i32 = arith.constant 0 : i32
    %c0_i32_0 = arith.constant 0 : i32
    return %arg0, %c0_i32 : i32, i32
  }
}

module attributes {stable_mosaic.version = 14 : i64} {
  func.func @_tc_final_body(%arg0: i32, %arg1: memref<2x2000x128xf32, #tpu.memory_space<vmem>>, %arg2: memref<2000x256xf32, #tpu.memory_space<vmem>>, %arg3: memref<2000x256xf32, #tpu.memory_space<vmem>>, %arg4: memref<2000x2xf32, #tpu.memory_space<vmem>>, %arg5: memref<2000x256xf32, #tpu.memory_space<vmem>>) attributes {dimension_semantics = [#tpu.dimension_semantics<arbitrary>], iteration_bounds = array<i64: 5>, scalar_prefetch = 0 : i64, scratch_operands = 0 : i64, tpu.core_type = #tpu.core_type<tc>, window_params = [{transform_indices = @transform_0, window_bounds = array<i64: 2, 2000, 128>}, {transform_indices = @transform_1, window_bounds = array<i64: 2000, 256>}, {transform_indices = @transform_2, window_bounds = array<i64: 2000, 256>}, {transform_indices = @transform_3, window_bounds = array<i64: 2000, 2>}, {transform_indices = @transform_4, window_bounds = array<i64: 2000, 256>}]} {
    %get3A = arith.constant 0 : index
    %get3A_0 = arith.constant 0 : index
    %get3A_1 = arith.constant 0 : index
    %get3A_2 = vector.load %arg1[%get3A, %get3A_0, %get3A_1] : memref<2x2000x128xf32, #tpu.memory_space<vmem>>, vector<1x2000x128xf32>
    %get3A_3 = vector.shape_cast %get3A_2 : vector<1x2000x128xf32> to vector<2000x128xf32>
    %get3A_4 = arith.constant 1 : index
    %get3A_5 = arith.constant 0 : index
    %get3A_6 = arith.constant 0 : index
    %get3A_7 = vector.load %arg1[%get3A_4, %get3A_5, %get3A_6] : memref<2x2000x128xf32, #tpu.memory_space<vmem>>, vector<1x2000x128xf32>
    %get3A_8 = vector.shape_cast %get3A_7 : vector<1x2000x128xf32> to vector<2000x128xf32>
    %concatenate3A = tpu.concatenate %get3A_3, %get3A_8 in 1 : vector<2000x128xf32>, vector<2000x128xf32> -> vector<2000x256xf32>
    %get3A_9 = arith.constant 0 : index
    %get3A_10 = arith.constant 0 : index
    %get3A_11 = vector.load %arg4[%get3A_9, %get3A_10] : memref<2000x2xf32, #tpu.memory_space<vmem>>, vector<2000x1xf32>
    %get3A_12 = vector.shape_cast %get3A_11 : vector<2000x1xf32> to vector<2000xf32>
    %get3A_13 = arith.constant 0 : index
    %get3A_14 = arith.constant 1 : index
    %get3A_15 = vector.load %arg4[%get3A_13, %get3A_14] : memref<2000x2xf32, #tpu.memory_space<vmem>>, vector<2000x1xf32>
    %get3A_16 = vector.shape_cast %get3A_15 : vector<2000x1xf32> to vector<2000xf32>
    %add3A = arith.addf %get3A_12, %get3A_16 : vector<2000xf32>
    %add3A_17 = arith.constant 9.99999997E-7 : f32
    %add3A_18 = vector.broadcast %add3A_17 : f32 to vector<2000xf32>
    %add3A_19 = arith.addf %add3A, %add3A_18 : vector<2000xf32>
    %rsqrt3A = math.rsqrt %add3A_19 : vector<2000xf32>
    %broadcast_in_dim3A = vector.shape_cast %rsqrt3A : vector<2000xf32> to vector<2000x1xf32>
    %get3A_20 = arith.constant 0 : index
    %get3A_21 = arith.constant 0 : index
    %get3A_22 = vector.load %arg2[%get3A_20, %get3A_21] : memref<2000x256xf32, #tpu.memory_space<vmem>>, vector<2000x256xf32>
    %mul3A = vector.broadcast %broadcast_in_dim3A : vector<2000x1xf32> to vector<2000x256xf32>
    %mul3A_23 = arith.mulf %concatenate3A, %mul3A : vector<2000x256xf32>
    %mul3A_24 = arith.mulf %get3A_22, %mul3A_23 : vector<2000x256xf32>
    %get3A_25 = arith.constant 0 : index
    %get3A_26 = arith.constant 0 : index
    %get3A_27 = vector.load %arg3[%get3A_25, %get3A_26] : memref<2000x256xf32, #tpu.memory_space<vmem>>, vector<2000x256xf32>
    %add3A_28 = arith.addf %mul3A_24, %get3A_27 : vector<2000x256xf32>
    %gt3A = arith.constant 0.000000e+00 : f32
    %gt3A_29 = vector.broadcast %gt3A : f32 to vector<2000x256xf32>
    %gt3A_30 = arith.cmpf ogt, %add3A_28, %gt3A_29 : vector<2000x256xf32>
    %min3A = arith.constant 0.000000e+00 : f32
    %min3A_31 = vector.broadcast %min3A : f32 to vector<2000x256xf32>
    %min3A_32 = arith.minimumf %add3A_28, %min3A_31 : vector<2000x256xf32>
    %exp3A = math.exp %min3A_32 : vector<2000x256xf32>
    %sub3A = arith.constant 1.000000e+00 : f32
    %sub3A_33 = vector.broadcast %sub3A : f32 to vector<2000x256xf32>
    %sub3A_34 = arith.subf %exp3A, %sub3A_33 : vector<2000x256xf32>
    %select_n3A = arith.select %gt3A_30, %add3A_28, %sub3A_34 : vector<2000x256xi1>, vector<2000x256xf32>
    %swap3A = arith.constant 0 : index
    %swap3A_35 = arith.constant 0 : index
    %swap3A_36 = vector.load %arg5[%swap3A, %swap3A_35] : memref<2000x256xf32, #tpu.memory_space<vmem>>, vector<2000x256xf32>
    tpu.vector_store %arg5[%swap3A, %swap3A_35], %select_n3A {strides = array<i32>} : memref<2000x256xf32, #tpu.memory_space<vmem>>, vector<2000x256xf32>,
    return
  }
  func.func @transform_0(%arg0: i32) -> (i32, i32, i32) {
    %c0_i32 = arith.constant 0 : i32
    %c0_i32_0 = arith.constant 0 : i32
    %c0_i32_1 = arith.constant 0 : i32
    return %c0_i32, %arg0, %c0_i32_0 : i32, i32, i32
  }
  func.func @transform_1(%arg0: i32) -> (i32, i32) {
    %c0_i32 = arith.constant 0 : i32
    %c0_i32_0 = arith.constant 0 : i32
    return %arg0, %c0_i32 : i32, i32
  }
  func.func @transform_2(%arg0: i32) -> (i32, i32) {
    %c0_i32 = arith.constant 0 : i32
    %c0_i32_0 = arith.constant 0 : i32
    return %arg0, %c0_i32 : i32, i32
  }
  func.func @transform_3(%arg0: i32) -> (i32, i32) {
    %c0_i32 = arith.constant 0 : i32
    %c0_i32_0 = arith.constant 0 : i32
    return %arg0, %c0_i32 : i32, i32
  }
  func.func @transform_4(%arg0: i32) -> (i32, i32) {
    %c0_i32 = arith.constant 0 : i32
    %c0_i32_0 = arith.constant 0 : i32
    return %arg0, %c0_i32 : i32, i32
  }
}

</mosaic_0001>

<sc_bundles>
// kernel: kernel.6.cloned.1.call-start
scs
__scs_entry_jumppad:
0x0: {  	(pc) =	sbr.rel $0x88, $3  }
0x1: {  	(tag) =	ssettag $0x0;
	lr =	simm.s32 $0x1  }
0x2: {  	[smem:$0x3F9B] =	sst lr;
	_ =	strace $0xD0000000  }
0x3: {  	_ = 	snop  }
0x4: {  	_ = 	snop  }
0x5: {  	_ = 	snop  }
0x6: {  	_ = 	snop  }
0x7: {  	_ = 	snop  }
__scs_overlays_trampoline_lowered:
0x8: {  	[smem:$0x3FAA] =	sst s0  }
0x9: {  	[smem:$0x3FAB] =	sst s1  }
0xa: {  	[smem:$0x3FAC] =	sst s2  }
0xb: {  	[smem:$0x3FAD] =	sst s3  }
0xc: {  	[smem:$0x3FAE] =	sst s4  }
0xd: {  	[smem:$0x3FAF] =	sst s5  }
0xe: {  	[smem:$0x3FB0] =	sst s6  }
0xf: {  	[smem:$0x3FB1] =	sst s7  }
0x10: {  	[smem:$0x3FB2] =	sst s8  }
0x11: {  	[smem:$0x3FB3] =	sst s9;
	s0 =	simm.s32 @!p0 $0x0  }
0x12: {  	s1 =	sld [smem:$0x3F99];
	s0 =	simm.s32 @p0 $0x1  }
0x13: {  	[smem:$0x3FB4] =	sst s0;
	s0 =	simm.s32 @!p1 $0x0  }
0x14: {  	s2 =	sld [smem:$0x3F98];
	s0 =	simm.s32 @p1 $0x1  }
0x15: {  	[smem:$0x3FB5] =	sst s0;
	s0 =	simm.s32 @!p2 $0x0  }
0x16: {  	s3 =	sld [smem:$0x3FDB];
	s0 =	simm.s32 @p2 $0x1  }
0x17: {  	s4 =	simm.s32 $0x1BF5;
	[smem:$0x3FB7] =	sst s0  }
0x18: {  	s0 =	sld [smem:$0x3F9A];
	_ =	swait.ge [sflag:s4], $0x0  }
0x19: {  	s7 =	sld [smem:$0x3F9B]  }
0x1a: {  	s8 =	sadd.s32 $0xFFFFE003, lr  }
0x1b: {  	s9 =	sadd.s32 $0xFFFFFEF7, lr;
	s5 =	simm.s32 $0xFFFFFFFF;
	p2 =	slt.u32 s8, $0xFFFFF086  }
0x1c: {  	p1 =	slt.u32 s9, $0xF7A;
	s5 =	simm.s32 @!p2 $0x0  }
0x1d: {  	s5 =	simm.s32 @p1 $0x1;
	p0 =	seq.s32 s7, s2  }
0x1e: {  	s7 =	smul.u32 @!p0 $0xF7A, s2;
	p2 =	seq.s32 @!p0 s5, $0x0  }
0x1f: {  	s9 =	smul.u32 $0xF7A, s1;
	s8 =	simm.s32 @!p0 $0x1BF5;
	p2 =	por !p2, p0  }
0x20: {  	[sflag:s8] =	ssyncset.s32 @!p0 $0xFFFFF086;
	s6 =	sadd.s32 @!p0 s3, s7;
	s7 =	simm.s32 @!p0 $0x108  }
0x21: {  	s3 =	sadd.s32 s3, s9;
	s6 =	sadd.s32 @!p0 $0x88, s6;
	s7 =	simm.s32 @p2 $0x1082  }
0x22: {  	[simem:s7], [sflag:s8] =	dma.local @!p0 [hbm:s6], $0xF7A  }
0x23: {  	s9 =	sor.u32 $0xD0000000, s2;
	s6 =	simm.s32 $0x108;
	_ =	swait.ge @!p0 [sflag:s8], $0x0  }
0x24: {  	s3 =	sadd.s32 $0x88, s3;
	s6 =	simm.s32 @!p1 $0x1082;
	[sflag:s4] =	ssyncset.s32 $0xFFFFF086  }
0x25: {  	[simem:s6], [sflag:s4] =	dma.local [hbm:s3], $0xF7A  }
0x26: {  	[smem:$0x3F9B] =	sst s1;
	(tag) =	ssettag s2;
	_ =	strace s9  }
0x27: {  	s1 =	sld [smem:$0x3FAB]  }
0x28: {  	s2 =	sld [smem:$0x3FAC]  }
0x29: {  	s4 =	sld [smem:$0x3FAE]  }
0x2a: {  	p0 =	seq.s32 s5, $0x0;
	s5 =	sld [smem:$0x3FAF]  }
0x2b: {  	s6 =	sld [smem:$0x3FB0]  }
0x2c: {  	s7 =	sld [smem:$0x3FB1]  }
0x2d: {  	s3 =	simm.s32 $0x108;
	s8 =	sld [smem:$0x3FB2]  }
0x2e: {  	s3 =	simm.s32 @!p0 $0x1082;
	s9 =	sld [smem:$0x3FB3]  }
0x2f: {  	lr =	sadd.s32 s0, s3;
	s0 =	sld [smem:$0x3FAA]  }
0x30: {  	s3 =	sld [smem:$0x3FAD]  }
0x31: {  	[smem:$0x3FB6] =	sst s10  }
0x32: {  	s10 =	sld [smem:$0x3FB4];
	_ =	sdelay $0x3  }
0x33: {  	p0 =	seq.s32 s10, $0x1;
	s10 =	sld [smem:$0x3FB6];
	_ =	sdelay $0x3  }
0x34: {  	[smem:$0x3FB6] =	sst s10  }
0x35: {  	s10 =	sld [smem:$0x3FB5];
	_ =	sdelay $0x3  }
0x36: {  	p1 =	seq.s32 s10, $0x1;
	s10 =	sld [smem:$0x3FB6];
	_ =	sdelay $0x3  }
0x37: {  	[smem:$0x3FB6] =	sst s10  }
0x38: {  	s10 =	sld [smem:$0x3FB7]  }
0x39: {  	_ = 	snop;
	(pc) =	sbr.ind lr, $3  }
0x3a: {  	_ = 	snop  }
0x3b: {  	_ = 	snop  }
0x3c: {  	p2 =	seq.s32 s10, $0x1;
	s10 =	sld [smem:$0x3FB6]  }
0x3d: {  	_ =	shalt  }
0x3e: {  	_ =	shalt  }
0x3f: {  	_ =	shalt  }
0x40: {  	_ =	shalt  }
0x41: {  	_ =	shalt  }
0x42: {  	_ =	shalt  }
0x43: {  	_ =	shalt  }
0x44: {  	_ =	shalt  }
0x45: {  	_ =	shalt  }
0x46: {  	_ =	shalt  }
0x47: {  	_ =	shalt  }
0x48: {  	_ =	shalt  }
0x49: {  	_ =	shalt  }
0x4a: {  	_ =	shalt  }
0x4b: {  	_ =	shalt  }
0x4c: {  	_ =	shalt  }
0x4d: {  	_ =	shalt  }
0x4e: {  	_ =	shalt  }
0x4f: {  	_ =	shalt  }
0x50: {  	_ =	shalt  }
0x51: {  	_ =	shalt  }
0x52: {  	_ =	shalt  }
0x53: {  	_ =	shalt  }
0x54: {  	_ =	shalt  }
0x55: {  	_ =	shalt  }
0x56: {  	_ =	shalt  }
0x57: {  	_ =	shalt  }
0x58: {  	_ =	shalt  }
0x59: {  	_ =	shalt  }
0x5a: {  	_ =	shalt  }
0x5b: {  	_ =	shalt  }
0x5c: {  	_ =	shalt  }
0x5d: {  	_ =	shalt  }
0x5e: {  	_ =	shalt  }
0x5f: {  	_ =	shalt  }
0x60: {  	_ =	shalt  }
0x61: {  	_ =	shalt  }
0x62: {  	_ =	shalt  }
0x63: {  	_ =	shalt  }
0x64: {  	_ =	shalt  }
0x65: {  	_ =	shalt  }
0x66: {  	_ =	shalt  }
0x67: {  	_ =	shalt  }
0x68: {  	_ =	shalt  }
0x69: {  	_ =	shalt  }
0x6a: {  	_ =	shalt  }
0x6b: {  	_ =	shalt  }
0x6c: {  	_ =	shalt  }
0x6d: {  	_ =	shalt  }
0x6e: {  	_ =	shalt  }
0x6f: {  	_ =	shalt  }
0x70: {  	_ =	shalt  }
0x71: {  	_ =	shalt  }
0x72: {  	_ =	shalt  }
0x73: {  	_ =	shalt  }
0x74: {  	_ =	shalt  }
0x75: {  	_ =	shalt  }
0x76: {  	_ =	shalt  }
0x77: {  	_ =	shalt  }
0x78: {  	_ =	shalt  }
0x79: {  	_ =	shalt  }
0x7a: {  	_ =	shalt  }
0x7b: {  	_ =	shalt  }
0x7c: {  	_ =	shalt  }
0x7d: {  	_ =	shalt  }
0x7e: {  	_ =	shalt  }
0x7f: {  	_ =	shalt  }
0x80: {  	_ =	shalt  }
0x81: {  	_ =	shalt  }
0x82: {  	_ =	shalt  }
0x83: {  	_ =	shalt  }
0x84: {  	_ =	shalt  }
0x85: {  	_ =	shalt  }
0x86: {  	_ =	shalt  }
0x87: {  	_ =	shalt  }
.Lfunc_end0:
.L_simem_size_0:
called_computation_lowered:
.L_overlay_start_0:
0x88: {  	s2 =	sld [smem:$0x3FD9]  }
0x89: {  	s3 =	sld [smem:$0x3FFE];
	_ =	sdelay $0x1  }
0x8a: {  	s1 =	srdreg.scid  }
0x8b: {  	s0 =	sand.u32 $0x1, s1  }
0x8c: {  	s17 =	sshll.u32 s0, $0xA;
	s2 =	sadd.s32 s3, s2  }
0x8d: {  	s2 =	sadd.s32 s2, s17  }
0x8e: {  	[smem:$0x3FC2] =	sst s2  }
0x8f: {  	_ = 	snop  }
0x90: {  	s2 =	sld [smem:$0x3FD0];
	(tm) =	ssettm $0x1  }
0x91: {  	s18 =	sld [smem:$0x3FFB];
	_ =	sdelay $0x3  }
0x92: {  	_ =	strace s18  }
0x93: {  	s3 =	sld [smem:$0x3FFC];
	_ =	sdelay $0x3  }
0x94: {  	_ =	strace s3  }
0x95: {  	s3 =	sld [smem:$0x3FFD];
	_ =	sdelay $0x3  }
0x96: {  	_ =	strace s3  }
0x97: {  	_ =	strace $0x8FFFFFFF  }
0x98: {  	s19 =	sld [smem:$0x3FDB];
	_ =	sdelay $0x1  }
0x99: {  	s4 =	simm.s32 $_scs_section_size  }
0x9a: {  	s5 =	simm.s32 $_size__tile_overlayer_lowered;
	s6 =	simm.s32 $_tile_overlayer_lowered  }
0x9b: {  	s22 =	simm.s32 $0x1BFF;
	s21 =	sshll.u32 s6, $0x1;
	s3 =	sadd.s32 s4, s19  }
0x9c: {  	s7 =	simm.s32 $0x0;
	s20 =	sshll.u32 s5, $0x1;
	s5 =	sadd.s32 s21, s3  }
0x9d: {  	[timem:s7], [sflag:s22] =	dma.local [hbm:s5], s20  }
0x9e: {  	_ =	swait.ge [sflag:s22], s20  }
0x9f: {  	s4 =	ssub.s32 $0x0, s20;
	[sflag:s22] =	ssyncset.done $0x0  }
0xa0: {  	[sflag:s22] =	ssyncadd.s32 s4;
	_ =	sdelay $0x1  }
0xa1: {  	s23 =	simm.s32 $0x1B8B  }
0xa2: {  	_ =	swait.ge [sflag:s23], $0x1  }
0xa3: {  	[sflag:s23] =	ssyncset.done $0x0  }
0xa4: {  	s25 =	simm.s32 $0x1B8E;
	s24 =	sld [smem:$0x3FFE];
	[sflag:s23] =	ssyncadd.s32 $0xFFFFFFFF  }
0xa5: {  	s26 =	simm.s32 $execute0_lowered;
	[smem:$0x3FD2] =	sst s25  }
0xa6: {  	s5 =	sshll.u32 s26, $0x1;
	_ =	strace $0x80000046;
	[dreg:$0x1] =	wrdreg $0xFFFFFFFF  }
0xa7: {  	s28 =	simm.s32 $_size_execute0_lowered;
	s3 =	sadd.s32 s3, s5;
	[dreg:$0x0] =	wrdreg $0x0  }
0xa8: {  	s5 =	sshll.u32 s28, $0x1;
	[dreg:$0x2] =	wrdreg s3  }
0xa9: {  	[dreg:$0x3] =	wrdreg s5  }
0xaa: {  	[dreg:$0x4] =	wrdreg $0xC0  }
0xab: {  	_ =	task [dreg:s7], $0x5FFFF  }
0xac: {  	[dreg:$0x1] =	wrdreg $0xFFFFFFFF  }
0xad: {  	[dreg:$0x0] =	wrdreg $0x60  }
0xae: {  	[dreg:$0x2] =	wrdreg s2  }
0xaf: {  	[dreg:$0x3] =	wrdreg s24  }
0xb0: {  	[dreg:$0x4] =	wrdreg $0x5000  }
0xb1: {  	[dreg:$0x5] =	wrdreg $0x9  }
0xb2: {  	_ =	task.clear_ibuf [dreg:s7], $0x6FFFF;
	_ =	strace $0x90000046  }
0xb3: {  	s29 =	simm.s32 $0x9;
	_ =	strace $0x80000048  }
0xb4: {  	_ =	swait.ge [sflag:s29], $0x1  }
0xb5: {  	[sflag:s29] =	ssyncadd.s32 $0xFFFFFFFF  }
0xb6: {  	_ =	strace $0x90000048  }
0xb7: {  	_ =	sfence  }
0xb8: {  	s30 =	sld [smem:$0x0];
	_ =	sdelay $0x2  }
0xb9: {  	s31 =	sshll.u32 s1, $0xD;
	s1 =	sshrl.u32 s1, $0x2  }
0xba: {  	s3 =	sand.u32 $0x4000, s31;
	s1 =	sadd.s32 s1, s30  }
0xbb: {  	s0 =	sor.u32 s3, s0;
	s1 =	sshll.u32 s1, $0x11  }
0xbc: {  	s0 =	sor.u32 s1, s0  }
0xbd: {  	s0 =	sadd.s32 $0x8F2B, s0  }
0xbe: {  	[sflag:s0] =	ssyncadd.remote.s32 $0x1  }
0xbf: {  	_ =	sfence.sel $0xFFFF  }
0xc0: {  	[dreg:$0x0] =	wrdreg $0xFFFFFFFF;
	(pc) =	sbr.abs _section_cstart, $3  }
0xc1: {  	[dreg:$0x1] =	wrdreg $0xFFFFFFFF  }
0xc2: {  	_ =	task.clear_ibuf [dreg:s7], $0x2FFFF;
	_ =	strace $0x9FFFFFFF  }
0xc3: {  	(tm) =	ssettm $0x7FFFFFFF  }
tec
execute0_lowered:
.L_overlay_start_1:
0x0: {  	(tag) =	ssettag $0x1  }
0x1: {  	s1 =	rddreg [dreg:$0x0]  }
0x2: {  	s12 =	rddreg [dreg:$0x1]  }
0x3: {  	s0 =	srdreg.scid;
	s3 =	rddreg [dreg:$0x2];
	s5 =	simm.s32 $0x0  }
0x4: {  	s14 =	simm.s32 $0x1800;
	s15 =	simm.s32 $0x180;
	s16 =	simm.s32 $0x280  }
0x5: {  	s17 =	simm.s32 $0x5;
	s18 =	simm.s32 $0x1;
	s19 =	simm.s32 $0x7D  }
0x6: {  	s20 =	simm.s32 $0x200;
	s21 =	simm.s32 $0x3;
	s22 =	simm.s32 $0x4  }
0x7: {  	s25 =	simm.s32 $0x0;
	s9 =	sand.u32 $0x1, s0;
	s0 =	stileid.u32  }
0x8: {  	[smem:$0x7FF] =	sst s5;
	s2 =	sshll.u32 s9, $0x4;
	s7 =	ssub.s32 $0x2, s9  }
0x9: {  	_ =	strace $0x80000047;
	s13 =	smul.u32 $0x280, s0;
	p0 =	seq.s32 s9, $0x1  }
0xa: {  	s23 =	sshll.u32 s0, $0x6;
	s2 =	sor.u32 s0, s2;
	s8 =	sshrl.u32 s7, $0x1  }
0xb: {  	s14 =	simm.s32 @!p0 $0x1200;
	s23 =	sor.u32 $0x1C05, s23;
	s4 =	smul.u32 $0x1400, s2  }
.Ltmp0:
0xc: {  	s11 =	ssub.s32 s7, s8;
	s10 =	sadd.s32 s13, s3;
	(pc) =	sbr.rel .LBB2_1-.Ltmp0, $4  }
0xd: {  	s13 =	sshrl.u32 s13, $0x3;
	s12 =	sadd.s32 s14, s12;
	s14 =	simm.s32 $0x100  }
0xe: {  	s11 =	smax.u32 s11, $0x1;
	s12 =	sadd.s32 s12, s13;
	s6 =	sshrl.u32 s4, $0x3  }
0xf: {  	s13 =	simm.s32 $0x80;
	s24 =	sshrl.u32 s10, $0x3;
	s6 =	sadd.s32 s1, s6  }
0x10: {  	v0 =	vimm.f32 $1.000000000e+00;
	v1 =	vimm.f32 $0.0e+00;
	s7 =	sadd.s32 $0x10, s6;
	s8 =	sadd.s32 $0x20, s6;
	s9 =	sadd.s32 $0x30, s6  }
.LBB2_4:
0x11: {  	_ =	swait.ge [sflag:s22], $0x80  }
0x12: {  	[sflag:s22] =	ssyncset.done $0x0  }
0x13: {  	[sflag:s22] =	ssyncadd.s32 $0xFFFFFF80  }
0x14: {  	[spmem:s3] =	stream.indirect.scatter.add.f32 [tilespmem:s20], [sflag:$0x5], $0x1, s15, s19, $0xb8;
	[tilespmem:$0x780] =	vst v63  }
0x15: {  	_ =	swait.ge [sflag:s17], $0x7D  }
0x16: {  	s25 =	sadd.s32 $0x1, s25;
	[sflag:s17] =	ssyncset.done $0x0  }
0x17: {  	p0 =	sne.s32 s25, s11;
	[sflag:s17] =	ssyncadd.s32 $0xFFFFFF83  }
.Ltmp1:
0x18: {  	[bflag:$0x0] =	sbarrier.arrive $0xFFFF;
	(pc) =	sbr.rel @!p0 .LBB2_5-.Ltmp1, $4  }
0x19: {  	[hbm:s12], [sflag:s23] =	dma.local [spmem:s24], $0x50  }
0x1a: {  	_ =	swait.ge [sflag:s17], $0x50  }
0x1b: {  	[sflag:s17] =	ssyncset.done $0x0  }
0x1c: {  	[sflag:s17] =	ssyncadd.s32 $0xFFFFFFB0  }
.LBB2_1:
0x1d: {  	[tilespmem:s5], [sflag:$0x1] =	stream.linear.gather [hbm4b:s6+s5], $0x80, $0x38;
	[tilespmem:$0x780] =	vst v63  }
0x1e: {  	_ = 	snop  }
0x1f: {  	[tilespmem:s13], [sflag:$0x2] =	stream.linear.gather [hbm4b:s7+s5], $0x80, $0x38;
	[tilespmem:$0x780] =	vst v63  }
0x20: {  	_ = 	snop  }
0x21: {  	[tilespmem:s14], [sflag:$0x3] =	stream.linear.gather [hbm4b:s8+s5], $0x80, $0x38;
	[tilespmem:$0x780] =	vst v63  }
0x22: {  	_ = 	snop  }
0x23: {  	[tilespmem:s15], [sflag:$0x4] =	stream.linear.gather [hbm4b:s9+s5], $0x80, $0x38;
	[tilespmem:$0x780] =	vst v63  }
0x24: {  	[tilespmem:$0x200] =	vst v0  }
0x25: {  	[tilespmem:$0x210] =	vst v0  }
0x26: {  	[tilespmem:$0x220] =	vst v0  }
0x27: {  	[tilespmem:$0x230] =	vst v0  }
0x28: {  	[tilespmem:$0x240] =	vst v0  }
0x29: {  	[tilespmem:$0x250] =	vst v0  }
0x2a: {  	[tilespmem:$0x260] =	vst v0  }
0x2b: {  	[tilespmem:$0x270] =	vst v0  }
0x2c: {  	[tilespmem:$0x280] =	vst v1  }
0x2d: {  	[tilespmem:$0x290] =	vst v1  }
0x2e: {  	[tilespmem:$0x2A0] =	vst v1  }
0x2f: {  	[tilespmem:$0x2B0] =	vst v1  }
0x30: {  	[tilespmem:$0x2C0] =	vst v1  }
0x31: {  	[tilespmem:$0x2D0] =	vst v1  }
0x32: {  	[tilespmem:$0x2E0] =	vst v1  }
0x33: {  	[tilespmem:$0x2F0] =	vst v1  }
0x34: {  	[tilespmem:$0x300] =	vst v1  }
0x35: {  	[tilespmem:$0x310] =	vst v1  }
0x36: {  	[tilespmem:$0x320] =	vst v1  }
0x37: {  	[tilespmem:$0x330] =	vst v1  }
0x38: {  	[tilespmem:$0x340] =	vst v1  }
0x39: {  	[tilespmem:$0x350] =	vst v1  }
0x3a: {  	[tilespmem:$0x360] =	vst v1  }
0x3b: {  	[tilespmem:$0x370] =	vst v1  }
0x3c: {  	[tilespmem:$0x380] =	vst v1  }
0x3d: {  	[tilespmem:$0x390] =	vst v1  }
0x3e: {  	[tilespmem:$0x3A0] =	vst v1  }
0x3f: {  	[tilespmem:$0x3B0] =	vst v1  }
0x40: {  	[tilespmem:$0x3C0] =	vst v1  }
0x41: {  	[tilespmem:$0x3D0] =	vst v1  }
0x42: {  	[tilespmem:$0x3E0] =	vst v1  }
0x43: {  	[tilespmem:$0x3F0] =	vst v1  }
0x44: {  	[tilespmem:$0x400] =	vst v1  }
0x45: {  	[tilespmem:$0x410] =	vst v1  }
0x46: {  	[tilespmem:$0x420] =	vst v1  }
0x47: {  	[tilespmem:$0x430] =	vst v1  }
0x48: {  	[tilespmem:$0x440] =	vst v1  }
0x49: {  	[tilespmem:$0x450] =	vst v1  }
0x4a: {  	[tilespmem:$0x460] =	vst v1  }
0x4b: {  	[tilespmem:$0x470] =	vst v1  }
0x4c: {  	[tilespmem:$0x480] =	vst v1  }
0x4d: {  	[tilespmem:$0x490] =	vst v1  }
0x4e: {  	[tilespmem:$0x4A0] =	vst v1  }
0x4f: {  	[tilespmem:$0x4B0] =	vst v1  }
0x50: {  	[tilespmem:$0x4C0] =	vst v1  }
0x51: {  	[tilespmem:$0x4D0] =	vst v1  }
0x52: {  	[tilespmem:$0x4E0] =	vst v1  }
0x53: {  	[tilespmem:$0x4F0] =	vst v1  }
0x54: {  	[spmem:s10] =	stream.linear.scatter [tilespmem:s16], [sflag:$0x5], $0x280, $0x38;
	[tilespmem:$0x780] =	vst v63  }
0x55: {  	_ =	swait.ge [sflag:s17], $0x280  }
0x56: {  	[sflag:s17] =	ssyncset.done $0x0  }
0x57: {  	[sflag:s17] =	ssyncadd.s32 $0xFFFFFD80  }
0x58: {  	s26 =	simm.s32 $0x380;
	[bflag:$0x0] =	sbarrier.arrive $0xFFFF  }
.LBB2_2:
0x59: {  	_ =	swait.ge [sflag:s18], $0x80  }
0x5a: {  	[sflag:s18] =	ssyncset.done $0x0  }
0x5b: {  	[sflag:s18] =	ssyncadd.s32 $0xFFFFFF80  }
0x5c: {  	[spmem:s3] =	stream.indirect.scatter.add.f32 [tilespmem:s20], [sflag:$0x5], $0x1, s5, s19, $0xb8;
	[tilespmem:$0x780] =	vst v63  }
0x5d: {  	_ =	swait.ge [sflag:s17], $0x7D  }
0x5e: {  	p0 =	seq.s32 s26, $0x1580;
	[sflag:s17] =	ssyncset.done $0x0  }
0x5f: {  	s28 =	simm.s32 @p0 $0x2;
	[sflag:s17] =	ssyncadd.s32 $0xFFFFFF83  }
0x60: {  	_ =	swait.ge @p0 [sflag:s28], $0x80  }
0x61: {  	s29 =	simm.s32 @p0 $0x80;
	[sflag:s28] =	ssyncset.done @p0 $0x0  }
0x62: {  	s30 =	simm.s32 @p0 $0x200;
	[sflag:s28] =	ssyncadd.s32 @p0 $0xFFFFFF80;
	s28 =	simm.s32 @p0 $0x7D  }
0x63: {  	[spmem:s3] =	stream.indirect.scatter.add.f32 @p0 [tilespmem:s30], [sflag:$0x5], $0x1, s29, s28, $0xb8;
	[tilespmem:$0x780] =	vst v63  }
0x64: {  	s28 =	sadd.s32 @!p0 $0xFFFFFE80, s26  }
0x65: {  	s29 =	sand.u32 @!p0 $0x3C00, s28  }
0x66: {  	s30 =	simm.s32 @p0 $0x5;
	s28 =	sand.u32 @!p0 $0x200, s28;
	s29 =	sadd.s32 @!p0 s4, s29  }
0x67: {  	_ =	swait.ge @p0 [sflag:s30], $0x7D;
	s28 =	sor.u32 @!p0 s28, s29  }
0x68: {  	[sflag:s30] =	ssyncset.done @p0 $0x0;
	s28 =	sshrl.u32 @!p0 s28, $0x3  }
0x69: {  	[sflag:s30] =	ssyncadd.s32 @p0 $0xFFFFFF83;
	s29 =	simm.s32 @!p0 $0x0;
	s28 =	sadd.s32 @!p0 s1, s28  }
0x6a: {  	[tilespmem:s29], [sflag:$0x1] =	stream.linear.gather @!p0 [hbm4b:s28+s29], $0x80, $0x38;
	[tilespmem:$0x780] =	vst v63  }
0x6b: {  	s28 =	simm.s32 @!p0 $0x2  }
0x6c: {  	_ =	swait.ge @!p0 [sflag:s28], $0x80  }
0x6d: {  	s31 =	simm.s32 @!p0 $0x200;
	[sflag:s28] =	ssyncset.done @!p0 $0x0  }
0x6e: {  	s30 =	simm.s32 @!p0 $0x80;
	[sflag:s28] =	ssyncadd.s32 @!p0 $0xFFFFFF80;
	s28 =	simm.s32 @!p0 $0x7D  }
0x6f: {  	[spmem:s3] =	stream.indirect.scatter.add.f32 @!p0 [tilespmem:s31], [sflag:$0x5], $0x1, s30, s28, $0xb8;
	[tilespmem:$0x780] =	vst v63  }
0x70: {  	s28 =	sadd.s32 @!p0 $0xFFFFFF00, s26  }
0x71: {  	s31 =	sand.u32 @!p0 $0x3C00, s28  }
0x72: {  	s2 =	simm.s32 @!p0 $0x5;
	s28 =	sand.u32 @!p0 $0x280, s28;
	s31 =	sadd.s32 @!p0 s4, s31  }
0x73: {  	_ =	swait.ge @!p0 [sflag:s2], $0x7D;
	s28 =	sor.u32 @!p0 s28, s31  }
0x74: {  	[sflag:s2] =	ssyncset.done @!p0 $0x0;
	s28 =	sshrl.u32 @!p0 s28, $0x3  }
0x75: {  	[sflag:s2] =	ssyncadd.s32 @!p0 $0xFFFFFF83;
	s2 =	sadd.s32 @!p0 s1, s28  }
0x76: {  	[tilespmem:s30], [sflag:$0x2] =	stream.linear.gather @!p0 [hbm4b:s2+s29], $0x80, $0x38;
	[tilespmem:$0x780] =	vst v63  }
0x77: {  	_ =	swait.ge [sflag:s21], $0x80  }
0x78: {  	[sflag:s21] =	ssyncset.done $0x0  }
.Ltmp2:
0x79: {  	[sflag:s21] =	ssyncadd.s32 $0xFFFFFF80;
	(pc) =	sbr.rel @p0 .LBB2_4-.Ltmp2, $4  }
0x7a: {  	[spmem:s3] =	stream.indirect.scatter.add.f32 [tilespmem:s20], [sflag:$0x5], $0x1, s14, s19, $0xb8;
	[tilespmem:$0x780] =	vst v63  }
0x7b: {  	_ =	swait.ge [sflag:s17], $0x7D  }
0x7c: {  	[sflag:s17] =	ssyncset.done $0x0  }
0x7d: {  	[sflag:s17] =	ssyncadd.s32 $0xFFFFFF83  }
0x7e: {  	s2 =	sadd.s32 $0xFFFFFF80, s26  }
0x7f: {  	s28 =	sand.u32 $0x3C00, s2  }
0x80: {  	s2 =	sand.u32 $0x300, s2;
	s28 =	sadd.s32 s4, s28  }
0x81: {  	s2 =	sor.u32 s2, s28  }
0x82: {  	s2 =	sshrl.u32 s2, $0x3  }
0x83: {  	s2 =	sadd.s32 s1, s2  }
0x84: {  	[tilespmem:s14], [sflag:$0x3] =	stream.linear.gather [hbm4b:s2+s5], $0x80, $0x38;
	[tilespmem:$0x780] =	vst v63  }
0x85: {  	_ =	swait.ge [sflag:s22], $0x80  }
0x86: {  	[sflag:s22] =	ssyncset.done $0x0  }
0x87: {  	s30 =	sand.u32 $0x3C00, s26;
	[sflag:s22] =	ssyncadd.s32 $0xFFFFFF80  }
0x88: {  	[spmem:s3] =	stream.indirect.scatter.add.f32 [tilespmem:s20], [sflag:$0x5], $0x1, s15, s19, $0xb8;
	[tilespmem:$0x780] =	vst v63  }
.Ltmp3:
0x89: {  	s31 =	sand.u32 $0x380, s26;
	s2 =	sadd.s32 s4, s30;
	(pc) =	sbr.rel .LBB2_2-.Ltmp3, $4  }
0x8a: {  	s2 =	sor.u32 s31, s2;
	_ =	swait.ge [sflag:s17], $0x7D  }
0x8b: {  	s2 =	sshrl.u32 s2, $0x3;
	[sflag:s17] =	ssyncset.done $0x0  }
0x8c: {  	s26 =	sadd.s32 $0x200, s26;
	s2 =	sadd.s32 s1, s2;
	[sflag:s17] =	ssyncadd.s32 $0xFFFFFF83  }
0x8d: {  	[tilespmem:s15], [sflag:$0x4] =	stream.linear.gather [hbm4b:s2+s5], $0x80, $0x38;
	[tilespmem:$0x780] =	vst v63  }
.LBB2_5:
0x8e: {  	_ =	sfence.sel $0x180000  }
0x8f: {  	[bflag:$0x0] =	sbarrier.arrive $0xFFFF  }
0x90: {  	_ =	strace $0x90000047  }
0x91: {  	[bflag:$0x2] =	sbarrier.arrive $0xFFFF  }
0x92: {  	p0 =	sne.s32 s0, $0x0;
	s0 =	rddreg [dreg:$0x3]  }
0x93: {  	s0 =	sadd.s32 @!p0 $0x100000, s0  }
0x94: {  	[sflag:s0] =	ssyncadd.tile.s32 @!p0 $0x1;
	_ =	shalt  }
.Lfunc_end2:
_tile_overlayer_lowered:
.L_overlay_start_2:
0x95: {  	(tag) =	ssettag $0x2  }
0x96: {  	s0 =	rddreg [dreg:$0x0];
	s2 =	stileid.u32  }
0x97: {  	s1 =	rddreg [dreg:$0x1];
	p0 =	sne.s32 s2, $0x0  }
0x98: {  	s3 =	rddreg [dreg:$0x2];
	[bflag:$0x3] =	sbarrier.arrive $0xFFFF;
	s2 =	simm.s32 @!p0 $0x1C05  }
0x99: {  	[timem:s3], [sflag:s2] =	dma.local @!p0 [hbm:s0], s1  }
0x9a: {  	s0 =	simm.s32 @!p0 $0x5  }
0x9b: {  	_ =	swait.ge @!p0 [sflag:s0], s1  }
0x9c: {  	s1 =	ssub.s32 @!p0 $0x0, s1;
	[sflag:s0] =	ssyncset.done @!p0 $0x0  }
0x9d: {  	[sflag:s0] =	ssyncadd.s32 @!p0 s1  }
0x9e: {  	[bflag:$0x3] =	sbarrier.arrive $0xFFFF  }
0x9f: {  	_ =	shalt  }

// kernel: kernel.9.cloned.1.call-start
scs
__scs_entry_jumppad:
0x0: {  	(pc) =	sbr.rel $0x88, $3  }
0x1: {  	(tag) =	ssettag $0x0;
	lr =	simm.s32 $0x1  }
0x2: {  	[smem:$0x3F9B] =	sst lr;
	_ =	strace $0xD0000000  }
0x3: {  	_ = 	snop  }
0x4: {  	_ = 	snop  }
0x5: {  	_ = 	snop  }
0x6: {  	_ = 	snop  }
0x7: {  	_ = 	snop  }
__scs_overlays_trampoline_lowered:
0x8: {  	[smem:$0x3FAA] =	sst s0  }
0x9: {  	[smem:$0x3FAB] =	sst s1  }
0xa: {  	[smem:$0x3FAC] =	sst s2  }
0xb: {  	[smem:$0x3FAD] =	sst s3  }
0xc: {  	[smem:$0x3FAE] =	sst s4  }
0xd: {  	[smem:$0x3FAF] =	sst s5  }
0xe: {  	[smem:$0x3FB0] =	sst s6  }
0xf: {  	[smem:$0x3FB1] =	sst s7  }
0x10: {  	[smem:$0x3FB2] =	sst s8  }
0x11: {  	[smem:$0x3FB3] =	sst s9;
	s0 =	simm.s32 @!p0 $0x0  }
0x12: {  	s1 =	sld [smem:$0x3F99];
	s0 =	simm.s32 @p0 $0x1  }
0x13: {  	[smem:$0x3FB4] =	sst s0;
	s0 =	simm.s32 @!p1 $0x0  }
0x14: {  	s2 =	sld [smem:$0x3F98];
	s0 =	simm.s32 @p1 $0x1  }
0x15: {  	[smem:$0x3FB5] =	sst s0;
	s0 =	simm.s32 @!p2 $0x0  }
0x16: {  	s3 =	sld [smem:$0x3FDB];
	s0 =	simm.s32 @p2 $0x1  }
0x17: {  	s4 =	simm.s32 $0x1BF5;
	[smem:$0x3FB7] =	sst s0  }
0x18: {  	s0 =	sld [smem:$0x3F9A];
	_ =	swait.ge [sflag:s4], $0x0  }
0x19: {  	s7 =	sld [smem:$0x3F9B]  }
0x1a: {  	s8 =	sadd.s32 $0xFFFFE003, lr  }
0x1b: {  	s9 =	sadd.s32 $0xFFFFFEF7, lr;
	s5 =	simm.s32 $0xFFFFFFFF;
	p2 =	slt.u32 s8, $0xFFFFF086  }
0x1c: {  	p1 =	slt.u32 s9, $0xF7A;
	s5 =	simm.s32 @!p2 $0x0  }
0x1d: {  	s5 =	simm.s32 @p1 $0x1;
	p0 =	seq.s32 s7, s2  }
0x1e: {  	s7 =	smul.u32 @!p0 $0xF7A, s2;
	p2 =	seq.s32 @!p0 s5, $0x0  }
0x1f: {  	s9 =	smul.u32 $0xF7A, s1;
	s8 =	simm.s32 @!p0 $0x1BF5;
	p2 =	por !p2, p0  }
0x20: {  	[sflag:s8] =	ssyncset.s32 @!p0 $0xFFFFF086;
	s6 =	sadd.s32 @!p0 s3, s7;
	s7 =	simm.s32 @!p0 $0x108  }
0x21: {  	s3 =	sadd.s32 s3, s9;
	s6 =	sadd.s32 @!p0 $0x88, s6;
	s7 =	simm.s32 @p2 $0x1082  }
0x22: {  	[simem:s7], [sflag:s8] =	dma.local @!p0 [hbm:s6], $0xF7A  }
0x23: {  	s9 =	sor.u32 $0xD0000000, s2;
	s6 =	simm.s32 $0x108;
	_ =	swait.ge @!p0 [sflag:s8], $0x0  }
0x24: {  	s3 =	sadd.s32 $0x88, s3;
	s6 =	simm.s32 @!p1 $0x1082;
	[sflag:s4] =	ssyncset.s32 $0xFFFFF086  }
0x25: {  	[simem:s6], [sflag:s4] =	dma.local [hbm:s3], $0xF7A  }
0x26: {  	[smem:$0x3F9B] =	sst s1;
	(tag) =	ssettag s2;
	_ =	strace s9  }
0x27: {  	s1 =	sld [smem:$0x3FAB]  }
0x28: {  	s2 =	sld [smem:$0x3FAC]  }
0x29: {  	s4 =	sld [smem:$0x3FAE]  }
0x2a: {  	p0 =	seq.s32 s5, $0x0;
	s5 =	sld [smem:$0x3FAF]  }
0x2b: {  	s6 =	sld [smem:$0x3FB0]  }
0x2c: {  	s7 =	sld [smem:$0x3FB1]  }
0x2d: {  	s3 =	simm.s32 $0x108;
	s8 =	sld [smem:$0x3FB2]  }
0x2e: {  	s3 =	simm.s32 @!p0 $0x1082;
	s9 =	sld [smem:$0x3FB3]  }
0x2f: {  	lr =	sadd.s32 s0, s3;
	s0 =	sld [smem:$0x3FAA]  }
0x30: {  	s3 =	sld [smem:$0x3FAD]  }
0x31: {  	[smem:$0x3FB6] =	sst s10  }
0x32: {  	s10 =	sld [smem:$0x3FB4];
	_ =	sdelay $0x3  }
0x33: {  	p0 =	seq.s32 s10, $0x1;
	s10 =	sld [smem:$0x3FB6];
	_ =	sdelay $0x3  }
0x34: {  	[smem:$0x3FB6] =	sst s10  }
0x35: {  	s10 =	sld [smem:$0x3FB5];
	_ =	sdelay $0x3  }
0x36: {  	p1 =	seq.s32 s10, $0x1;
	s10 =	sld [smem:$0x3FB6];
	_ =	sdelay $0x3  }
0x37: {  	[smem:$0x3FB6] =	sst s10  }
0x38: {  	s10 =	sld [smem:$0x3FB7]  }
0x39: {  	_ = 	snop;
	(pc) =	sbr.ind lr, $3  }
0x3a: {  	_ = 	snop  }
0x3b: {  	_ = 	snop  }
0x3c: {  	p2 =	seq.s32 s10, $0x1;
	s10 =	sld [smem:$0x3FB6]  }
0x3d: {  	_ =	shalt  }
0x3e: {  	_ =	shalt  }
0x3f: {  	_ =	shalt  }
0x40: {  	_ =	shalt  }
0x41: {  	_ =	shalt  }
0x42: {  	_ =	shalt  }
0x43: {  	_ =	shalt  }
0x44: {  	_ =	shalt  }
0x45: {  	_ =	shalt  }
0x46: {  	_ =	shalt  }
0x47: {  	_ =	shalt  }
0x48: {  	_ =	shalt  }
0x49: {  	_ =	shalt  }
0x4a: {  	_ =	shalt  }
0x4b: {  	_ =	shalt  }
0x4c: {  	_ =	shalt  }
0x4d: {  	_ =	shalt  }
0x4e: {  	_ =	shalt  }
0x4f: {  	_ =	shalt  }
0x50: {  	_ =	shalt  }
0x51: {  	_ =	shalt  }
0x52: {  	_ =	shalt  }
0x53: {  	_ =	shalt  }
0x54: {  	_ =	shalt  }
0x55: {  	_ =	shalt  }
0x56: {  	_ =	shalt  }
0x57: {  	_ =	shalt  }
0x58: {  	_ =	shalt  }
0x59: {  	_ =	shalt  }
0x5a: {  	_ =	shalt  }
0x5b: {  	_ =	shalt  }
0x5c: {  	_ =	shalt  }
0x5d: {  	_ =	shalt  }
0x5e: {  	_ =	shalt  }
0x5f: {  	_ =	shalt  }
0x60: {  	_ =	shalt  }
0x61: {  	_ =	shalt  }
0x62: {  	_ =	shalt  }
0x63: {  	_ =	shalt  }
0x64: {  	_ =	shalt  }
0x65: {  	_ =	shalt  }
0x66: {  	_ =	shalt  }
0x67: {  	_ =	shalt  }
0x68: {  	_ =	shalt  }
0x69: {  	_ =	shalt  }
0x6a: {  	_ =	shalt  }
0x6b: {  	_ =	shalt  }
0x6c: {  	_ =	shalt  }
0x6d: {  	_ =	shalt  }
0x6e: {  	_ =	shalt  }
0x6f: {  	_ =	shalt  }
0x70: {  	_ =	shalt  }
0x71: {  	_ =	shalt  }
0x72: {  	_ =	shalt  }
0x73: {  	_ =	shalt  }
0x74: {  	_ =	shalt  }
0x75: {  	_ =	shalt  }
0x76: {  	_ =	shalt  }
0x77: {  	_ =	shalt  }
0x78: {  	_ =	shalt  }
0x79: {  	_ =	shalt  }
0x7a: {  	_ =	shalt  }
0x7b: {  	_ =	shalt  }
0x7c: {  	_ =	shalt  }
0x7d: {  	_ =	shalt  }
0x7e: {  	_ =	shalt  }
0x7f: {  	_ =	shalt  }
0x80: {  	_ =	shalt  }
0x81: {  	_ =	shalt  }
0x82: {  	_ =	shalt  }
0x83: {  	_ =	shalt  }
0x84: {  	_ =	shalt  }
0x85: {  	_ =	shalt  }
0x86: {  	_ =	shalt  }
0x87: {  	_ =	shalt  }
.Lfunc_end0:
.L_simem_size_0:
called_computation.1_lowered:
.L_overlay_start_0:
0x88: {  	s2 =	sld [smem:$0x3FD9]  }
0x89: {  	s3 =	sld [smem:$0x3FFE];
	_ =	sdelay $0x1  }
0x8a: {  	s1 =	srdreg.scid  }
0x8b: {  	s0 =	sand.u32 $0x1, s1  }
0x8c: {  	s16 =	sshll.u32 s0, $0xA;
	s2 =	sadd.s32 s3, s2  }
0x8d: {  	s2 =	sadd.s32 s2, s16  }
0x8e: {  	[smem:$0x3FC2] =	sst s2  }
0x8f: {  	_ = 	snop  }
0x90: {  	(tm) =	ssettm $0x1  }
0x91: {  	s17 =	sld [smem:$0x3FFB];
	_ =	sdelay $0x3  }
0x92: {  	_ =	strace s17  }
0x93: {  	s2 =	sld [smem:$0x3FFC];
	_ =	sdelay $0x3  }
0x94: {  	_ =	strace s2  }
0x95: {  	s2 =	sld [smem:$0x3FFD];
	_ =	sdelay $0x3  }
0x96: {  	_ =	strace s2  }
0x97: {  	_ =	strace $0x8FFFFFFF  }
0x98: {  	s18 =	sld [smem:$0x3FDB];
	_ =	sdelay $0x1  }
0x99: {  	s19 =	simm.s32 $_scs_section_size  }
0x9a: {  	s4 =	simm.s32 $_size__tile_overlayer_lowered;
	s5 =	simm.s32 $_tile_overlayer_lowered  }
0x9b: {  	s22 =	simm.s32 $0x1BFF;
	s21 =	sshll.u32 s5, $0x1;
	s2 =	sadd.s32 s19, s18  }
0x9c: {  	s6 =	simm.s32 $0x0;
	s20 =	sshll.u32 s4, $0x1;
	s4 =	sadd.s32 s21, s2  }
0x9d: {  	[timem:s6], [sflag:s22] =	dma.local [hbm:s4], s20  }
0x9e: {  	_ =	swait.ge [sflag:s22], s20  }
0x9f: {  	s3 =	ssub.s32 $0x0, s20;
	[sflag:s22] =	ssyncset.done $0x0  }
0xa0: {  	[sflag:s22] =	ssyncadd.s32 s3;
	_ =	sdelay $0x1  }
0xa1: {  	s23 =	simm.s32 $0x1B8B  }
0xa2: {  	_ =	swait.ge [sflag:s23], $0x1  }
0xa3: {  	[sflag:s23] =	ssyncset.done $0x0  }
0xa4: {  	s25 =	simm.s32 $0x1B8E;
	s24 =	sld [smem:$0x3FFE];
	[sflag:s23] =	ssyncadd.s32 $0xFFFFFFFF  }
0xa5: {  	s26 =	simm.s32 $execute0_lowered;
	[smem:$0x3FD2] =	sst s25  }
0xa6: {  	s4 =	sshll.u32 s26, $0x1;
	_ =	strace $0x80000049;
	[dreg:$0x1] =	wrdreg $0xFFFFFFFF  }
0xa7: {  	s28 =	simm.s32 $_size_execute0_lowered;
	s2 =	sadd.s32 s2, s4;
	[dreg:$0x0] =	wrdreg $0x0  }
0xa8: {  	s4 =	sshll.u32 s28, $0x1;
	[dreg:$0x2] =	wrdreg s2  }
0xa9: {  	[dreg:$0x3] =	wrdreg s4  }
0xaa: {  	[dreg:$0x4] =	wrdreg $0xC0  }
0xab: {  	_ =	task [dreg:s6], $0x5FFFF  }
0xac: {  	[dreg:$0x1] =	wrdreg $0xFFFFFFFF  }
0xad: {  	[dreg:$0x0] =	wrdreg $0x60  }
0xae: {  	[dreg:$0x2] =	wrdreg s24  }
0xaf: {  	[dreg:$0x3] =	wrdreg $0xA4000  }
0xb0: {  	[dreg:$0x4] =	wrdreg $0x9  }
0xb1: {  	_ =	task.clear_ibuf [dreg:s6], $0x5FFFF;
	_ =	strace $0x90000049  }
0xb2: {  	s29 =	simm.s32 $0x9;
	_ =	strace $0x8000004B  }
0xb3: {  	_ =	swait.ge [sflag:s29], $0x1  }
0xb4: {  	[sflag:s29] =	ssyncadd.s32 $0xFFFFFFFF  }
0xb5: {  	_ =	strace $0x9000004B  }
0xb6: {  	_ =	sfence  }
0xb7: {  	s30 =	sld [smem:$0x0];
	_ =	sdelay $0x2  }
0xb8: {  	s31 =	sshll.u32 s1, $0xD;
	s1 =	sshrl.u32 s1, $0x2  }
0xb9: {  	s3 =	sand.u32 $0x4000, s31;
	s1 =	sadd.s32 s1, s30  }
0xba: {  	s0 =	sor.u32 s3, s0;
	s1 =	sshll.u32 s1, $0x11  }
0xbb: {  	s0 =	sor.u32 s1, s0  }
0xbc: {  	s0 =	sadd.s32 $0x8F2B, s0  }
0xbd: {  	[sflag:s0] =	ssyncadd.remote.s32 $0x1  }
0xbe: {  	_ =	sfence.sel $0xFFFF  }
0xbf: {  	[dreg:$0x0] =	wrdreg $0xFFFFFFFF;
	(pc) =	sbr.abs _section_cstart, $3  }
0xc0: {  	[dreg:$0x1] =	wrdreg $0xFFFFFFFF  }
0xc1: {  	_ =	task.clear_ibuf [dreg:s6], $0x2FFFF;
	_ =	strace $0x9FFFFFFF  }
0xc2: {  	(tm) =	ssettm $0x7FFFFFFF  }
0xc3: {  	_ =	shalt  }
tec
execute0_lowered:
.L_overlay_start_1:
0x0: {  	(tag) =	ssettag $0x1  }
0x1: {  	s1 =	rddreg [dreg:$0x0]  }
0x2: {  	s0 =	srdreg.scid;
	s2 =	rddreg [dreg:$0x1]  }
0x3: {  	s10 =	stileid.u32;
	s3 =	simm.s32 $0x0;
	s30 =	simm.s32 $0x100  }
0x4: {  	s31 =	simm.s32 $0x400;
	s0 =	sand.u32 $0x1, s0;
	s6 =	smul.u32 $0x14000, s10  }
0x5: {  	s12 =	simm.s32 $0x3;
	[smem:$0x7FF] =	sst s3;
	s4 =	smul.u32 $0x27100, s0  }
0x6: {  	s8 =	sshll.u32 s10, $0xB;
	s5 =	smul.u32 $0x140000, s0;
	_ =	strace $0x8000004A  }
0x7: {  	s0 =	ssub.s32 $0x2, s0;
	s15 =	sor.u32 $0x10, s8;
	s17 =	sor.u32 $0x20, s8  }
0x8: {  	s14 =	sshrl.u32 s0, $0x1;
	s7 =	sadd.s32 s4, s1;
	s5 =	sadd.s32 s6, s5  }
0x9: {  	s4 =	sadd.s32 $0x1E00, s1;
	s0 =	ssub.s32 s0, s14;
	s14 =	simm.s32 $0x5400  }
0xa: {  	s6 =	sshrl.u32 s5, $0x3;
	s5 =	sadd.s32 $0x9E00, s1;
	s9 =	sadd.s32 s4, s8  }
0xb: {  	s16 =	sadd.s32 s4, s15;
	s18 =	sadd.s32 s4, s17;
	[dreg:$0x3] =	wrdreg s9  }
0xc: {  	s0 =	smax.u32 s0, $0x1;
	s1 =	sadd.s32 s6, s1;
	[dreg:$0x5] =	wrdreg s16  }
0xd: {  	s6 =	sshll.u32 s10, $0xE;
	s10 =	smul.u32 $0x50000, s10;
	[dreg:$0x7] =	wrdreg s18  }
0xe: {  	s11 =	sadd.s32 s5, s8;
	s9 =	sadd.s32 s5, s15;
	[dreg:$0x14] =	wrdreg s0  }
0xf: {  	s20 =	sadd.s32 s5, s17;
	s8 =	sor.u32 $0x30, s8;
	[dreg:$0x4] =	wrdreg s11  }
0x10: {  	s0 =	simm.s32 $0x180;
	s15 =	simm.s32 $0x9;
	[dreg:$0x6] =	wrdreg s9  }
0x11: {  	s16 =	simm.s32 $0x5;
	[dreg:$0x8] =	wrdreg s20;
	s21 =	sadd.s32 s4, s8  }
0x12: {  	s17 =	simm.s32 $0x4;
	s8 =	sadd.s32 s5, s8;
	[dreg:$0xa] =	wrdreg s21  }
0x13: {  	s1 =	sadd.s32 $0xAE200, s1;
	s19 =	sshrl.u32 s10, $0x2;
	[dreg:$0xb] =	wrdreg s8  }
0x14: {  	s18 =	simm.s32 $0x7C00;
	[dreg:$0x13] =	wrdreg s1;
	s13 =	sadd.s32 s19, s2  }
0x15: {  	s9 =	simm.s32 $0x50;
	s22 =	sadd.s32 $0x2800, s13;
	[dreg:$0x9] =	wrdreg s13  }
0x16: {  	s11 =	simm.s32 $0x2C00;
	s23 =	sadd.s32 $0x5000, s13;
	[dreg:$0xc] =	wrdreg s22  }
0x17: {  	s20 =	simm.s32 $0x6;
	s24 =	sadd.s32 $0x7800, s13;
	[dreg:$0xd] =	wrdreg s23  }
0x18: {  	s1 =	simm.s32 $0x380;
	s25 =	sadd.s32 $0xA000, s13;
	[dreg:$0xe] =	wrdreg s24  }
.Ltmp0:
0x19: {  	s26 =	sadd.s32 $0xC800, s13;
	[dreg:$0xf] =	wrdreg s25;
	(pc) =	sbr.rel .LBB2_1-.Ltmp0, $4  }
0x1a: {  	s21 =	simm.s32 $0xC;
	s28 =	sadd.s32 $0xF000, s13;
	[dreg:$0x10] =	wrdreg s26  }
0x1b: {  	s10 =	simm.s32 $0x0;
	s29 =	sadd.s32 $0x11800, s13;
	[dreg:$0x11] =	wrdreg s28  }
0x1c: {  	s19 =	simm.s32 $0xA;
	[dreg:$0x12] =	wrdreg s29;
	s23 =	sadd.s32 $0x60000, s7  }
0x1d: {  	v0 =	vimm.f32 $0.0e+00;
	s26 =	simm.s32 $0x80;
	s7 =	simm.s32 $0xD;
	s22 =	simm.s32 $0x8  }
.LBB2_6:
0x1e: {  	s8 =	stileid.u32;
	[bflag:$0x0] =	sbarrier.arrive $0xFFFF  }
0x1f: {  	s8 =	sshll.u32 s8, $0x6;
	s13 =	rddreg [dreg:$0x9]  }
0x20: {  	s24 =	rddreg [dreg:$0x13];
	s8 =	sor.u32 $0x1C0D, s8;
	s10 =	sshrl.u32 s13, $0x3  }
0x21: {  	[hbm:s24], [sflag:s8] =	dma.local [spmem:s10], $0x2800  }
0x22: {  	_ =	swait.ge [sflag:s7], $0x2800  }
0x23: {  	s28 =	rddreg [dreg:$0x15]  }
0x24: {  	s29 =	rddreg [dreg:$0x14];
	s10 =	sadd.s32 $0x1, s28  }
0x25: {  	p0 =	sne.s32 s10, s29  }
.Ltmp1:
0x26: {  	_ = 	snop;
	(pc) =	sbr.rel @!p0 .LBB2_7-.Ltmp1, $3  }
0x27: {  	_ =	sdelay $0x1  }
0x28: {  	[sflag:s7] =	ssyncset.done $0x0  }
0x29: {  	s26 =	simm.s32 $0x80;
	[sflag:s7] =	ssyncadd.s32 $0xFFFFD800  }
.LBB2_1:
0x2a: {  	[dreg:$0x15] =	wrdreg s10  }
0x2b: {  	s8 =	rddreg [dreg:$0x3]  }
0x2c: {  	[tilespmem:s3], [sflag:$0x1] =	stream.linear.gather [hbm4b:s8+s3], $0x80, $0x38;
	[tilespmem:$0x1E400] =	vst v63  }
0x2d: {  	s10 =	rddreg [dreg:$0x4];
	s24 =	simm.s32 $0x200  }
0x2e: {  	[tilespmem:s24], [sflag:$0x5] =	stream.linear.gather [hbm4b:s10+s3], $0x80, $0x38;
	[tilespmem:$0x1E400] =	vst v63  }
0x2f: {  	s25 =	rddreg [dreg:$0x5]  }
0x30: {  	[tilespmem:s26], [sflag:$0x2] =	stream.linear.gather [hbm4b:s25+s3], $0x80, $0x38;
	[tilespmem:$0x1E400] =	vst v63  }
0x31: {  	s28 =	rddreg [dreg:$0x6];
	s29 =	simm.s32 $0x280  }
0x32: {  	[tilespmem:s29], [sflag:$0x6] =	stream.linear.gather [hbm4b:s28+s3], $0x80, $0x38;
	[tilespmem:$0x1E400] =	vst v63  }
0x33: {  	s10 =	rddreg [dreg:$0x7]  }
0x34: {  	[tilespmem:s30], [sflag:$0x3] =	stream.linear.gather [hbm4b:s10+s3], $0x80, $0x38;
	[tilespmem:$0x1E400] =	vst v63  }
0x35: {  	s24 =	rddreg [dreg:$0x8];
	s25 =	simm.s32 $0x300  }
0x36: {  	[tilespmem:s25], [sflag:$0x7] =	stream.linear.gather [hbm4b:s24+s3], $0x80, $0x38;
	[tilespmem:$0x1E400] =	vst v63  }
0x37: {  	s28 =	rddreg [dreg:$0xa]  }
0x38: {  	[tilespmem:s0], [sflag:$0x4] =	stream.linear.gather [hbm4b:s28+s3], $0x80, $0x38;
	[tilespmem:$0x1E400] =	vst v63  }
0x39: {  	s29 =	rddreg [dreg:$0xb];
	s24 =	simm.s32 $0x0;
	s25 =	simm.s32 $0x200  }
0x3a: {  	[tilespmem:s1], [sflag:$0x8] =	stream.linear.gather [hbm4b:s29+s3], $0x80, $0x38;
	[tilespmem:$0x1E400] =	vst v63  }
.LBB2_2:
0x3b: {  	p0 =	sne.s32 s25, $0x9E00;
	[tilespmem:s24+$0x470] =	vst v0  }
0x3c: {  	[tilespmem:s24+$0x400] =	vst v0  }
0x3d: {  	[tilespmem:s24+$0x410] =	vst v0  }
.Ltmp2:
0x3e: {  	[tilespmem:s24+$0x420] =	vst v0;
	(pc) =	sbr.rel @p0 .LBB2_2-.Ltmp2, $4  }
0x3f: {  	[tilespmem:s24+$0x430] =	vst v0  }
0x40: {  	[tilespmem:s24+$0x440] =	vst v0  }
0x41: {  	[tilespmem:s24+$0x450] =	vst v0  }
0x42: {  	[tilespmem:s24+$0x460] =	vst v0;
	s24 =	sshra.s32 s25, $0x2;
	s25 =	sadd.s32 $0x200, s25  }
0x43: {  	[tilespmem:s24+$0x470] =	vst v0  }
0x44: {  	[tilespmem:s24+$0x400] =	vst v0  }
0x45: {  	[tilespmem:s24+$0x410] =	vst v0  }
0x46: {  	[tilespmem:s24+$0x420] =	vst v0  }
0x47: {  	[tilespmem:s24+$0x430] =	vst v0  }
0x48: {  	[tilespmem:s24+$0x440] =	vst v0  }
0x49: {  	[tilespmem:s24+$0x450] =	vst v0  }
0x4a: {  	[tilespmem:s24+$0x460] =	vst v0  }
0x4b: {  	[spmem:s13] =	stream.linear.scatter [tilespmem:s31], [sflag:$0xD], $0x2800, $0x38;
	[tilespmem:$0x1E400] =	vst v63  }
0x4c: {  	_ =	swait.ge [sflag:s7], $0x2800  }
0x4d: {  	[sflag:s7] =	ssyncset.done $0x0  }
0x4e: {  	s8 =	rddreg [dreg:$0xc];
	[sflag:s7] =	ssyncadd.s32 $0xFFFFD800  }
0x4f: {  	[spmem:s8] =	stream.linear.scatter [tilespmem:s31], [sflag:$0xD], $0x2800, $0x38;
	[tilespmem:$0x1E400] =	vst v63  }
0x50: {  	_ =	swait.ge [sflag:s7], $0x2800  }
0x51: {  	[sflag:s7] =	ssyncset.done $0x0  }
0x52: {  	s28 =	rddreg [dreg:$0xd];
	[sflag:s7] =	ssyncadd.s32 $0xFFFFD800  }
0x53: {  	[spmem:s28] =	stream.linear.scatter [tilespmem:s31], [sflag:$0xD], $0x2800, $0x38;
	[tilespmem:$0x1E400] =	vst v63  }
0x54: {  	_ =	swait.ge [sflag:s7], $0x2800  }
0x55: {  	[sflag:s7] =	ssyncset.done $0x0  }
0x56: {  	s29 =	rddreg [dreg:$0xe];
	[sflag:s7] =	ssyncadd.s32 $0xFFFFD800  }
0x57: {  	[spmem:s29] =	stream.linear.scatter [tilespmem:s31], [sflag:$0xD], $0x2800, $0x38;
	[tilespmem:$0x1E400] =	vst v63  }
0x58: {  	_ =	swait.ge [sflag:s7], $0x2800  }
0x59: {  	[sflag:s7] =	ssyncset.done $0x0  }
0x5a: {  	s10 =	rddreg [dreg:$0xf];
	[sflag:s7] =	ssyncadd.s32 $0xFFFFD800  }
0x5b: {  	[spmem:s10] =	stream.linear.scatter [tilespmem:s31], [sflag:$0xD], $0x2800, $0x38;
	[tilespmem:$0x1E400] =	vst v63  }
0x5c: {  	_ =	swait.ge [sflag:s7], $0x2800  }
0x5d: {  	[sflag:s7] =	ssyncset.done $0x0  }
0x5e: {  	s13 =	rddreg [dreg:$0x10];
	[sflag:s7] =	ssyncadd.s32 $0xFFFFD800  }
0x5f: {  	[spmem:s13] =	stream.linear.scatter [tilespmem:s31], [sflag:$0xD], $0x2800, $0x38;
	[tilespmem:$0x1E400] =	vst v63  }
0x60: {  	_ =	swait.ge [sflag:s7], $0x2800  }
0x61: {  	[sflag:s7] =	ssyncset.done $0x0  }
0x62: {  	s24 =	rddreg [dreg:$0x11];
	[sflag:s7] =	ssyncadd.s32 $0xFFFFD800  }
0x63: {  	[spmem:s24] =	stream.linear.scatter [tilespmem:s31], [sflag:$0xD], $0x2800, $0x38;
	[tilespmem:$0x1E400] =	vst v63  }
0x64: {  	_ =	swait.ge [sflag:s7], $0x2800  }
0x65: {  	[sflag:s7] =	ssyncset.done $0x0  }
0x66: {  	s25 =	rddreg [dreg:$0x12];
	[sflag:s7] =	ssyncadd.s32 $0xFFFFD800  }
0x67: {  	[spmem:s25] =	stream.linear.scatter [tilespmem:s31], [sflag:$0xD], $0x2800, $0x38;
	[tilespmem:$0x1E400] =	vst v63  }
0x68: {  	_ =	swait.ge [sflag:s7], $0x2800  }
0x69: {  	[sflag:s7] =	ssyncset.done $0x0  }
0x6a: {  	[sflag:s7] =	ssyncadd.s32 $0xFFFFD800  }
0x6b: {  	s28 =	simm.s32 $0x1;
	[bflag:$0x0] =	sbarrier.arrive $0xFFFF  }
0x6c: {  	_ =	swait.ge [sflag:s28], $0x80  }
0x6d: {  	[sflag:s28] =	ssyncset.done $0x0  }
0x6e: {  	s29 =	simm.s32 $0x2;
	[sflag:s28] =	ssyncadd.s32 $0xFFFFFF80  }
0x6f: {  	[tilespmem:s31], [sflag:$0x9] =	stream.indirect.gather [hbm4b:s23+s9], $0x80, s3, s9, $0xb8;
	[tilespmem:$0x1E400] =	vst v63  }
0x70: {  	_ =	swait.ge [sflag:s29], $0x80  }
0x71: {  	[sflag:s29] =	ssyncset.done $0x0  }
0x72: {  	[sflag:s29] =	ssyncadd.s32 $0xFFFFFF80  }
0x73: {  	[tilespmem:s11], [sflag:$0xA] =	stream.indirect.gather [hbm4b:s23+s9], $0x80, s26, s9, $0xb8;
	[tilespmem:$0x1E400] =	vst v63  }
0x74: {  	_ =	swait.ge [sflag:s12], $0x80  }
0x75: {  	[sflag:s12] =	ssyncset.done $0x0  }
0x76: {  	s24 =	simm.s32 $0x380;
	[sflag:s12] =	ssyncadd.s32 $0xFFFFFF80  }
0x77: {  	[tilespmem:s14], [sflag:$0xB] =	stream.indirect.gather [hbm4b:s23+s9], $0x80, s30, s9, $0xb8;
	[tilespmem:$0x1E400] =	vst v63  }
.LBB2_4:
0x78: {  	_ =	swait.ge [sflag:s15], $0x2800  }
0x79: {  	[sflag:s15] =	ssyncset.done $0x0  }
0x7a: {  	[sflag:s15] =	ssyncadd.s32 $0xFFFFD800  }
0x7b: {  	_ =	swait.ge [sflag:s16], $0x80  }
0x7c: {  	p0 =	seq.s32 s24, $0x4180;
	[sflag:s16] =	ssyncset.done $0x0  }
0x7d: {  	s8 =	simm.s32 $0x200;
	s25 =	sadd.s32 @!p0 $0xFFFFFE80, s24;
	[sflag:s16] =	ssyncadd.s32 $0xFFFFFF80  }
0x7e: {  	[spmem:s2] =	stream.indirect.scatter.add.f32 [tilespmem:s31], [sflag:$0xD], $0x80, s8, s9, $0xb8;
	[tilespmem:$0x1E400] =	vst v63  }
0x7f: {  	s8 =	sand.u32 @!p0 $0x7C00, s25  }
0x80: {  	s25 =	sand.u32 @!p0 $0x200, s25;
	s8 =	sadd.s32 @!p0 s6, s8  }
0x81: {  	_ =	swait.ge [sflag:s7], $0x2800;
	s8 =	sor.u32 @!p0 s25, s8  }
0x82: {  	[sflag:s7] =	ssyncset.done $0x0;
	s8 =	sshrl.u32 @!p0 s8, $0x3  }
0x83: {  	s25 =	simm.s32 @!p0 $0x0;
	[sflag:s7] =	ssyncadd.s32 $0xFFFFD800;
	s10 =	sadd.s32 @!p0 s4, s8  }
0x84: {  	[tilespmem:s25], [sflag:$0x1] =	stream.linear.gather @!p0 [hbm4b:s10+s25], $0x80, $0x38;
	[tilespmem:$0x1E400] =	vst v63  }
0x85: {  	s8 =	sadd.s32 @!p0 s5, s8;
	s10 =	simm.s32 @!p0 $0x200  }
0x86: {  	[tilespmem:s10], [sflag:$0x5] =	stream.linear.gather @!p0 [hbm4b:s8+s25], $0x80, $0x38;
	[tilespmem:$0x1E400] =	vst v63  }
0x87: {  	_ =	swait.ge [sflag:s17], $0x80  }
0x88: {  	[sflag:s17] =	ssyncset.done $0x0  }
0x89: {  	[sflag:s17] =	ssyncadd.s32 $0xFFFFFF80  }
0x8a: {  	[tilespmem:s18], [sflag:$0xC] =	stream.indirect.gather [hbm4b:s23+s9], $0x80, s0, s9, $0xb8;
	[tilespmem:$0x1E400] =	vst v63  }
0x8b: {  	_ =	swait.ge [sflag:s19], $0x2800  }
0x8c: {  	[sflag:s19] =	ssyncset.done $0x0  }
0x8d: {  	[sflag:s19] =	ssyncadd.s32 $0xFFFFD800  }
0x8e: {  	_ =	swait.ge [sflag:s20], $0x80  }
0x8f: {  	[sflag:s20] =	ssyncset.done $0x0  }
0x90: {  	s29 =	simm.s32 $0x280;
	[sflag:s20] =	ssyncadd.s32 $0xFFFFFF80  }
0x91: {  	[spmem:s2] =	stream.indirect.scatter.add.f32 [tilespmem:s11], [sflag:$0xD], $0x80, s29, s9, $0xb8;
	[tilespmem:$0x1E400] =	vst v63  }
0x92: {  	_ =	swait.ge [sflag:s7], $0x2800  }
0x93: {  	[sflag:s7] =	ssyncset.done $0x0  }
0x94: {  	s8 =	simm.s32 @p0 $0xB;
	[sflag:s7] =	ssyncadd.s32 $0xFFFFD800  }
0x95: {  	_ =	swait.ge @p0 [sflag:s8], $0x2800  }
0x96: {  	[sflag:s8] =	ssyncset.done @p0 $0x0  }
0x97: {  	[sflag:s8] =	ssyncadd.s32 @p0 $0xFFFFD800;
	s8 =	simm.s32 @p0 $0x7  }
0x98: {  	_ =	swait.ge @p0 [sflag:s8], $0x80  }
0x99: {  	s13 =	simm.s32 @p0 $0x5400;
	[sflag:s8] =	ssyncset.done @p0 $0x0  }
0x9a: {  	s10 =	simm.s32 @p0 $0x300;
	[sflag:s8] =	ssyncadd.s32 @p0 $0xFFFFFF80;
	s8 =	simm.s32 @p0 $0x50  }
0x9b: {  	[spmem:s2] =	stream.indirect.scatter.add.f32 @p0 [tilespmem:s13], [sflag:$0xD], $0x80, s10, s8, $0xb8;
	[tilespmem:$0x1E400] =	vst v63  }
0x9c: {  	s8 =	sadd.s32 @!p0 $0xFFFFFF00, s24  }
0x9d: {  	s10 =	sand.u32 @!p0 $0x7C00, s8  }
0x9e: {  	s13 =	simm.s32 @p0 $0xD;
	s8 =	sand.u32 @!p0 $0x280, s8;
	s10 =	sadd.s32 @!p0 s6, s10  }
0x9f: {  	_ =	swait.ge @p0 [sflag:s13], $0x2800;
	s8 =	sor.u32 @!p0 s8, s10  }
0xa0: {  	[sflag:s13] =	ssyncset.done @p0 $0x0;
	s8 =	sshrl.u32 @!p0 s8, $0x3  }
0xa1: {  	[sflag:s13] =	ssyncadd.s32 @p0 $0xFFFFD800;
	s13 =	simm.s32 @!p0 $0x80;
	s10 =	sadd.s32 @!p0 s4, s8  }
0xa2: {  	[tilespmem:s13], [sflag:$0x2] =	stream.linear.gather @!p0 [hbm4b:s10+s25], $0x80, $0x38;
	[tilespmem:$0x1E400] =	vst v63  }
0xa3: {  	s8 =	sadd.s32 @!p0 s5, s8;
	s10 =	simm.s32 @!p0 $0x280  }
0xa4: {  	[tilespmem:s10], [sflag:$0x6] =	stream.linear.gather @!p0 [hbm4b:s8+s25], $0x80, $0x38;
	[tilespmem:$0x1E400] =	vst v63  }
0xa5: {  	s8 =	simm.s32 @!p0 $0x1  }
0xa6: {  	_ =	swait.ge @!p0 [sflag:s8], $0x80  }
0xa7: {  	[sflag:s8] =	ssyncset.done @!p0 $0x0  }
0xa8: {  	s10 =	simm.s32 @!p0 $0x400;
	[sflag:s8] =	ssyncadd.s32 @!p0 $0xFFFFFF80;
	s8 =	simm.s32 @!p0 $0x50  }
0xa9: {  	[tilespmem:s10], [sflag:$0x9] =	stream.indirect.gather @!p0 [hbm4b:s23+s8], $0x80, s25, s8, $0xb8;
	[tilespmem:$0x1E400] =	vst v63  }
0xaa: {  	s10 =	simm.s32 @!p0 $0xB  }
0xab: {  	_ =	swait.ge @!p0 [sflag:s10], $0x2800  }
0xac: {  	[sflag:s10] =	ssyncset.done @!p0 $0x0  }
0xad: {  	[sflag:s10] =	ssyncadd.s32 @!p0 $0xFFFFD800;
	s10 =	simm.s32 @!p0 $0x7  }
0xae: {  	_ =	swait.ge @!p0 [sflag:s10], $0x80  }
0xaf: {  	[sflag:s10] =	ssyncset.done @!p0 $0x0  }
0xb0: {  	s28 =	simm.s32 @!p0 $0x5400;
	[sflag:s10] =	ssyncadd.s32 @!p0 $0xFFFFFF80;
	s10 =	simm.s32 @!p0 $0x300  }
0xb1: {  	[spmem:s2] =	stream.indirect.scatter.add.f32 @!p0 [tilespmem:s28], [sflag:$0xD], $0x80, s10, s8, $0xb8;
	[tilespmem:$0x1E400] =	vst v63  }
0xb2: {  	s28 =	sadd.s32 @!p0 $0xFFFFFF80, s24  }
0xb3: {  	s26 =	sand.u32 @!p0 $0x7C00, s28  }
0xb4: {  	s29 =	simm.s32 @!p0 $0xD;
	s28 =	sand.u32 @!p0 $0x300, s28;
	s26 =	sadd.s32 @!p0 s6, s26  }
0xb5: {  	_ =	swait.ge @!p0 [sflag:s29], $0x2800;
	s26 =	sor.u32 @!p0 s28, s26  }
0xb6: {  	[sflag:s29] =	ssyncset.done @!p0 $0x0;
	s26 =	sshrl.u32 @!p0 s26, $0x3  }
0xb7: {  	[sflag:s29] =	ssyncadd.s32 @!p0 $0xFFFFD800;
	s29 =	simm.s32 @!p0 $0x100;
	s28 =	sadd.s32 @!p0 s4, s26  }
0xb8: {  	[tilespmem:s29], [sflag:$0x3] =	stream.linear.gather @!p0 [hbm4b:s28+s25], $0x80, $0x38;
	[tilespmem:$0x1E400] =	vst v63  }
0xb9: {  	s26 =	sadd.s32 @!p0 s5, s26  }
0xba: {  	[tilespmem:s10], [sflag:$0x7] =	stream.linear.gather @!p0 [hbm4b:s26+s25], $0x80, $0x38;
	[tilespmem:$0x1E400] =	vst v63  }
0xbb: {  	s10 =	simm.s32 @!p0 $0x2  }
0xbc: {  	_ =	swait.ge @!p0 [sflag:s10], $0x80  }
0xbd: {  	[sflag:s10] =	ssyncset.done @!p0 $0x0  }
0xbe: {  	[sflag:s10] =	ssyncadd.s32 @!p0 $0xFFFFFF80;
	s10 =	simm.s32 @!p0 $0x2C00  }
0xbf: {  	[tilespmem:s10], [sflag:$0xA] =	stream.indirect.gather @!p0 [hbm4b:s23+s8], $0x80, s13, s8, $0xb8;
	[tilespmem:$0x1E400] =	vst v63  }
0xc0: {  	_ =	swait.ge [sflag:s21], $0x2800  }
0xc1: {  	[sflag:s21] =	ssyncset.done $0x0  }
0xc2: {  	[sflag:s21] =	ssyncadd.s32 $0xFFFFD800  }
0xc3: {  	_ =	swait.ge [sflag:s22], $0x80  }
0xc4: {  	[sflag:s22] =	ssyncset.done $0x0  }
.Ltmp3:
0xc5: {  	[sflag:s22] =	ssyncadd.s32 $0xFFFFFF80;
	(pc) =	sbr.rel @p0 .LBB2_6-.Ltmp3, $4  }
0xc6: {  	[spmem:s2] =	stream.indirect.scatter.add.f32 [tilespmem:s18], [sflag:$0xD], $0x80, s1, s9, $0xb8;
	[tilespmem:$0x1E400] =	vst v63  }
0xc7: {  	_ =	swait.ge [sflag:s7], $0x2800  }
0xc8: {  	[sflag:s7] =	ssyncset.done $0x0  }
0xc9: {  	[sflag:s7] =	ssyncadd.s32 $0xFFFFD800  }
0xca: {  	s8 =	sand.u32 $0x7C00, s24  }
0xcb: {  	s10 =	sand.u32 $0x380, s24;
	s8 =	sadd.s32 s6, s8  }
0xcc: {  	s8 =	sor.u32 s10, s8  }
0xcd: {  	s8 =	sshrl.u32 s8, $0x3  }
0xce: {  	s29 =	sadd.s32 s4, s8  }
0xcf: {  	[tilespmem:s0], [sflag:$0x4] =	stream.linear.gather [hbm4b:s29+s3], $0x80, $0x38;
	[tilespmem:$0x1E400] =	vst v63  }
0xd0: {  	s8 =	sadd.s32 s5, s8  }
0xd1: {  	[tilespmem:s1], [sflag:$0x8] =	stream.linear.gather [hbm4b:s8+s3], $0x80, $0x38;
	[tilespmem:$0x1E400] =	vst v63  }
.Ltmp4:
0xd2: {  	_ = 	snop;
	(pc) =	sbr.rel .LBB2_4-.Ltmp4, $4  }
0xd3: {  	_ =	swait.ge [sflag:s12], $0x80  }
0xd4: {  	[sflag:s12] =	ssyncset.done $0x0  }
0xd5: {  	s24 =	sadd.s32 $0x200, s24;
	[sflag:s12] =	ssyncadd.s32 $0xFFFFFF80  }
0xd6: {  	[tilespmem:s14], [sflag:$0xB] =	stream.indirect.gather [hbm4b:s23+s9], $0x80, s30, s9, $0xb8;
	[tilespmem:$0x1E400] =	vst v63  }
.LBB2_7:
0xd7: {  	_ =	sfence.sel $0x180000  }
0xd8: {  	[bflag:$0x0] =	sbarrier.arrive $0xFFFF  }
0xd9: {  	_ =	strace $0x9000004A  }
0xda: {  	s0 =	stileid.u32;
	[bflag:$0x2] =	sbarrier.arrive $0xFFFF  }
0xdb: {  	p0 =	sne.s32 s0, $0x0;
	s0 =	rddreg [dreg:$0x2]  }
0xdc: {  	s0 =	sadd.s32 @!p0 $0x100000, s0  }
0xdd: {  	[sflag:s0] =	ssyncadd.tile.s32 @!p0 $0x1;
	_ =	shalt  }
.Lfunc_end2:
_tile_overlayer_lowered:
.L_overlay_start_2:
0xde: {  	(tag) =	ssettag $0x2  }
0xdf: {  	s0 =	rddreg [dreg:$0x0];
	s2 =	stileid.u32  }
0xe0: {  	s1 =	rddreg [dreg:$0x1];
	p0 =	sne.s32 s2, $0x0  }
0xe1: {  	s3 =	rddreg [dreg:$0x2];
	[bflag:$0x3] =	sbarrier.arrive $0xFFFF;
	s2 =	simm.s32 @!p0 $0x1C0D  }
0xe2: {  	[timem:s3], [sflag:s2] =	dma.local @!p0 [hbm:s0], s1  }
0xe3: {  	s0 =	simm.s32 @!p0 $0xD  }
0xe4: {  	_ =	swait.ge @!p0 [sflag:s0], s1  }
0xe5: {  	s1 =	ssub.s32 @!p0 $0x0, s1;
	[sflag:s0] =	ssyncset.done @!p0 $0x0  }
0xe6: {  	[sflag:s0] =	ssyncadd.s32 @!p0 s1  }
0xe7: {  	[bflag:$0x3] =	sbarrier.arrive $0xFFFF  }
0xe8: {  	_ =	shalt  }

</sc_bundles>
